<compile_context>
chip_gen: v7x
topology: tpu7x:2x2x1
jax: 0.10.2.dev20260603
libtpu: 0.0.44.dev20260713+nightly
codegen_flags: <defaults>
</compile_context>

<pallas_src>
import functools

import jax
import jax.numpy as jnp
from jax import lax
from jax.experimental import pallas as pl
from jax.experimental.pallas import tpu as pltpu
from jax.experimental.pallas import tpu_sc as plsc

N = 10000
D = 128
HD = 64
E = 320000
TB = 4096
NW = 32
CK = 128
NCHD = 20
CKD = 512
CHE = 158
CK2 = 256
NCHE = 79
NPAD = 10016
RPT = NPAD // 16

_mesh = plsc.VectorSubcoreMesh(core_axis_name="c", subcore_axis_name="s")
_sc_params = pltpu.CompilerParams(use_tc_tiling_on_sc=False)



@functools.partial(
    pl.kernel, mesh=_mesh, compiler_params=_sc_params,
    out_type=jax.ShapeDtypeStruct((NW, RPT, 16), jnp.float32),
    scratch_types=[
        pltpu.VMEM((NCHD, CKD), jnp.int32),
        pltpu.VMEM((CKD, 16), jnp.float32),
        pltpu.VMEM_SHARED((NPAD, 16), jnp.float32),
    ],
)
def _deg_kernel(dst_hbm, ones_hbm, zero_hbm, out_hbm, dstv, onesv, acc):
    c = lax.axis_index("c")
    s = lax.axis_index("s")
    w = c * 16 + s
    pltpu.sync_copy(dst_hbm.at[w], dstv)
    pltpu.sync_copy(ones_hbm, onesv)
    pltpu.sync_copy(zero_hbm, acc.at[pl.ds(s * RPT, RPT)])
    plsc.subcore_barrier()

    def body(i, carry):
        pltpu.sync_copy(onesv, acc.at[dstv.at[i]], add=True)
        return carry

    lax.fori_loop(0, NCHD, body, 0)
    plsc.subcore_barrier()
    pltpu.sync_copy(acc.at[pl.ds(s * RPT, RPT)], out_hbm.at[w])


@functools.partial(
    pl.kernel, mesh=_mesh, compiler_params=_sc_params,
    out_type=jax.ShapeDtypeStruct((NW, RPT, HD), jnp.float32),
    scratch_types=[
        pltpu.VMEM((NCHE, CK2), jnp.int32),
        pltpu.VMEM((NCHE, CK2), jnp.int32),
        pltpu.VMEM((3, CK2, HD), jnp.float32),
        pltpu.VMEM_SHARED((NPAD, HD), jnp.float32),
        [pltpu.SemaphoreType.DMA] * 3,
        [pltpu.SemaphoreType.DMA] * 3,
    ],
)
def _edge_kernel(hp_hbm, src_hbm, dst_hbm, zero_hbm, out_hbm,
                 srcv, dstv, rows, acc, gsem, ssem):
    c = lax.axis_index("c")
    s = lax.axis_index("s")
    w = c * 16 + s
    pltpu.sync_copy(src_hbm.at[w], srcv)
    pltpu.sync_copy(dst_hbm.at[w], dstv)
    pltpu.sync_copy(zero_hbm, acc.at[pl.ds(s * RPT, RPT)])
    plsc.subcore_barrier()

    def g_desc(ci, b):
        return pltpu.make_async_copy(hp_hbm.at[srcv.at[ci]], rows.at[b],
                                     gsem[b])

    def s_desc(ci, b):
        return pltpu.make_async_copy(rows.at[b], acc.at[dstv.at[ci]],
                                     ssem[b])

    g_desc(0, 0).start()
    g_desc(1, 1).start()

    def step(i, ph):
        g_desc(i, ph).wait()
        pltpu.async_copy(rows.at[ph], acc.at[dstv.at[i]], ssem[ph],
                         add=True)
        k = i + 2
        bk = (ph + 2) % 3

        @pl.when(k < NCHE)
        def _issue():
            @pl.when(k >= 3)
            def _drain():
                s_desc(k - 3, bk).wait()

            g_desc(k, bk).start()

    def body(jj, carry):
        base = jj * 3
        for ph in range(3):
            step(base + ph, ph)
        return carry

    lax.fori_loop(0, NCHE // 3, body, 0)
    for i in range(3 * (NCHE // 3), NCHE):
        step(i, i % 3)
    for i in range(NCHE - 3, NCHE):
        s_desc(i, i % 3).wait()
    plsc.subcore_barrier()
    pltpu.sync_copy(acc.at[pl.ds(s * RPT, RPT)], out_hbm.at[w])


@functools.partial(
    pl.kernel, mesh=_mesh, compiler_params=_sc_params,
    out_type=jax.ShapeDtypeStruct((TB, D), jnp.float32),
    scratch_types=[
        pltpu.VMEM((TB // NW,), jnp.int32),
        pltpu.VMEM((TB // NW, D), jnp.float32),
        pltpu.SemaphoreType.DMA,
    ],
)
def _target_gather(y_hbm, ti_hbm, out_hbm, idxv, rowsv, sem):
    c = lax.axis_index("c")
    s = lax.axis_index("s")
    w = c * 16 + s
    bw = TB // NW
    pltpu.sync_copy(ti_hbm.at[pl.ds(w * bw, bw)], idxv)
    cp = pltpu.make_async_copy(y_hbm.at[idxv], rowsv, sem)
    cp.start()
    cp.wait()
    pltpu.sync_copy(rowsv, out_hbm.at[pl.ds(w * bw, bw)])



def _split(h, tab_ref):
    tab_ref[:NPAD] = h[:, :HD]
    tab_ref[NPAD:] = h[:, HD:]


def _join(tab_ref):
    return jnp.concatenate([tab_ref[:NPAD], tab_ref[NPAD:]], axis=1)


def _mm0_body(xp, w0, out):
    out[...] = xp[...] @ w0[...]


def _scale0_body(degp, mm, htab, dinv):
    d = jnp.sum(degp[0] + degp[1], axis=1)
    r = lax.broadcasted_iota(jnp.int32, (NPAD, 1), 0)
    di = lax.rsqrt(d + 1.0)[:, None]
    di = jnp.where(r < N, di, 0.0)
    di2 = jnp.broadcast_to(di, (NPAD, D))
    _split(mm[...] * di2, htab)
    dinv[...] = di2


def _mid_body(p, htab0, dinv, b0, g0, be0, w1, htab1):
    adj = jnp.concatenate([p[0], p[1]], axis=1)
    s0 = (adj + _join(htab0)) * dinv[...] + b0[...]
    sr = s0[:N]
    mean = jnp.mean(sr, axis=0, keepdims=True)
    var = jnp.mean((sr - mean) ** 2, axis=0, keepdims=True)
    h = (s0 - mean) * lax.rsqrt(var + 1e-5) * g0[...] + be0[...]
    h = jnp.maximum(h, 0.0)
    _split((h @ w1[...]) * dinv[...], htab1)


def _fin_body(p, htab1, dinv, b1, wf1, bf1, wf2, bf2, y):
    adj = jnp.concatenate([p[0], p[1]], axis=1)
    out1 = (adj + _join(htab1)) * dinv[...] + b1[...]
    f = jnp.maximum(out1 @ wf1[...] + bf1[...], 0.0)
    y[...] = f @ wf2[...] + bf2[...]



def kernel(x, edge_index, target_index, W0, b0, gamma0, beta0,
           W1, b1, Wf1, bf1, Wf2, bf2):
    f32 = jnp.float32
    src = edge_index[0].astype(jnp.int32)
    dst = edge_index[1].astype(jnp.int32)

    npadd = NW * NCHD * CKD - E
    padd = N + (jnp.arange(npadd, dtype=jnp.int32) % (NPAD - N))
    dst_wd = jnp.concatenate([dst, padd]).reshape(NW, NCHD, CKD)

    npade = 16 * CHE * CK - E
    pads = jnp.full((npade,), N, jnp.int32)
    pade = jnp.arange(npade, dtype=jnp.int32) % NPAD
    src_h = jnp.concatenate([src, pads]).reshape(16, NCHE, CK2)
    src_we = jnp.concatenate([src_h, src_h + NPAD], axis=0)
    dst_h = jnp.concatenate([dst, pade]).reshape(16, NCHE, CK2)
    dst_we = jnp.concatenate([dst_h, dst_h], axis=0)

    ti = target_index.astype(jnp.int32)
    xpad = jnp.concatenate([x.astype(f32), jnp.zeros((NPAD - N, D), f32)], 0)
    ones16 = jnp.zeros((CKD, 16), f32).at[:, 0].set(1.0)
    zdeg = jnp.zeros((RPT, 16), f32)
    zrow = jnp.zeros((RPT, HD), f32)

    mm0 = pl.pallas_call(
        _mm0_body,
        out_shape=jax.ShapeDtypeStruct((NPAD, D), f32),
    )(xpad, W0)

    degp = _deg_kernel(dst_wd, ones16, zdeg).reshape(2, NPAD, 16)

    htab0, dinv = pl.pallas_call(
        _scale0_body,
        out_shape=[jax.ShapeDtypeStruct((2 * NPAD, HD), f32),
                   jax.ShapeDtypeStruct((NPAD, D), f32)],
    )(degp, mm0)

    p0 = _edge_kernel(htab0, src_we, dst_we, zrow).reshape(2, NPAD, HD)

    htab1 = pl.pallas_call(
        _mid_body,
        out_shape=jax.ShapeDtypeStruct((2 * NPAD, HD), f32),
    )(p0, htab0, dinv, b0.reshape(1, D), gamma0.reshape(1, D),
      beta0.reshape(1, D), W1)

    p1 = _edge_kernel(htab1, src_we, dst_we, zrow).reshape(2, NPAD, HD)

    y = pl.pallas_call(
        _fin_body,
        out_shape=jax.ShapeDtypeStruct((NPAD, D), f32),
    )(p1, htab1, dinv, b1.reshape(1, D), Wf1, bf1.reshape(1, D),
      Wf2, bf2.reshape(1, D))

    return _target_gather(y, ti)

# --- scband reference (transcript-rebuilt; emitter-appended) ---
"""Pipeline reference for scband-gnnencoder-5566277616090 (READ-ONLY COPY).

The authoritative reference and input builder live on the scoring server;
editing this copy changes nothing except your own understanding.
"""

import jax, jax.numpy as jnp
import numpy as np

N_NODES = 10000
N_EDGES = 320000
D = 128
B = 4096


def setup_inputs(seed: int = 0) -> dict:
    key = jax.random.key(seed)
    ks = [jax.random.fold_in(key, i) for i in range(16)]
    x = jax.random.normal(ks[0], (N_NODES, D), dtype=jnp.float32)
    edge_index = jax.random.randint(ks[1], (2, N_EDGES), 0, N_NODES, dtype=jnp.int64)
    target_index = jax.random.randint(ks[2], (B,), 0, N_NODES, dtype=jnp.int64)
    s = 1.0 / jnp.sqrt(D)
    W0 = jax.random.uniform(ks[3], (D, D), jnp.float32, -s, s)
    b0 = jax.random.uniform(ks[4], (D,), jnp.float32, -s, s)
    gamma0 = jnp.ones((D,), jnp.float32)
    beta0 = jnp.zeros((D,), jnp.float32)
    W1 = jax.random.uniform(ks[5], (D, D), jnp.float32, -s, s)
    b1 = jax.random.uniform(ks[6], (D,), jnp.float32, -s, s)
    Wf1 = jax.random.uniform(ks[7], (D, D), jnp.float32, -s, s)
    bf1 = jax.random.uniform(ks[8], (D,), jnp.float32, -s, s)
    Wf2 = jax.random.uniform(ks[9], (D, D), jnp.float32, -s, s)
    bf2 = jax.random.uniform(ks[10], (D,), jnp.float32, -s, s)
    return {"x": x, "edge_index": edge_index, "target_index": target_index,
            "W0": W0, "b0": b0, "gamma0": gamma0, "beta0": beta0,
            "W1": W1, "b1": b1, "Wf1": Wf1, "bf1": bf1, "Wf2": Wf2, "bf2": bf2}


def _gcn_conv(x, edge_index, W, b):
    # PyG GCNConv with add_self_loops=True, symmetric normalization
    N = x.shape[0]
    loop = jnp.arange(N, dtype=edge_index.dtype)
    src = jnp.concatenate([edge_index[0], loop])
    dst = jnp.concatenate([edge_index[1], loop])
    ones = jnp.ones(src.shape[0], dtype=x.dtype)
    deg = jax.ops.segment_sum(ones, dst, num_segments=N)
    dinv = jnp.where(deg > 0, jax.lax.rsqrt(deg), 0.0)
    norm = dinv[src] * dinv[dst]
    h = x @ W
    msg = h[src] * norm[:, None]
    out = jax.ops.segment_sum(msg, dst, num_segments=N)
    return out + b


def _batch_norm(x, gamma, beta, eps=1e-5):
    mean = jnp.mean(x, axis=0)
    var = jnp.mean((x - mean) ** 2, axis=0)
    return (x - mean) * jax.lax.rsqrt(var + eps) * gamma + beta


def reference(x, edge_index, target_index, W0, b0, gamma0, beta0, W1, b1, Wf1, bf1, Wf2, bf2):
    # layer 0: GCNConv -> BN -> ReLU
    h = _gcn_conv(x, edge_index, W0, b0)
    h = _batch_norm(h, gamma0, beta0)
    h = jax.nn.relu(h)
    # final layer: GCNConv
    h = _gcn_conv(h, edge_index, W1, b1)
    # target gather: target_index [B] -> [B,1] -> gather -> pool squeezes (size(1)==1)
    pooled = h[target_index]
    # FeedForwardNetwork: Linear -> ReLU -> Dropout(0) -> Linear
    f = jax.nn.relu(pooled @ Wf1 + bf1)
    out = f @ Wf2 + bf2
    return out

if __name__ == "__main__":
    import jax
    _d = setup_inputs()
    print(jax.jit(kernel)(*tuple(_d.values())))

</pallas_src>

<mosaic_0001>
#map = affine_map<(d0, d1) -> (0, 0)>
#map1 = affine_map<(d0, d1) -> (0, 0, 0)>
module attributes {stable_mosaic.version = 14 : i64} {
  func.func @_edge_kernel(%arg0: i32, %arg1: i32, %arg2: memref<20032x64xf32, #tpu.memory_space<hbm>>, %arg3: memref<32x79x256xi32, #tpu.memory_space<hbm>>, %arg4: memref<32x79x256xi32, #tpu.memory_space<hbm>>, %arg5: memref<626x64xf32, #tpu.memory_space<hbm>>, %arg6: memref<32x626x64xf32, #tpu.memory_space<hbm>>, %arg7: memref<79x256xi32, #tpu.memory_space<vmem>>, %arg8: memref<79x256xi32, #tpu.memory_space<vmem>>, %arg9: memref<3x256x64xf32, #tpu.memory_space<vmem>>, %arg10: memref<10016x64xf32, #tpu.memory_space<vmem_shared>>, %arg11: memref<!tpu.dma_semaphore, #tpu.memory_space<semaphore_mem>>, %arg12: memref<!tpu.dma_semaphore, #tpu.memory_space<semaphore_mem>>, %arg13: memref<!tpu.dma_semaphore, #tpu.memory_space<semaphore_mem>>, %arg14: memref<!tpu.dma_semaphore, #tpu.memory_space<semaphore_mem>>, %arg15: memref<!tpu.dma_semaphore, #tpu.memory_space<semaphore_mem>>, %arg16: memref<!tpu.dma_semaphore, #tpu.memory_space<semaphore_mem>>) attributes {dimension_semantics = [#tpu.dimension_semantics<core_parallel>, #tpu.dimension_semantics<subcore_parallel>], iteration_bounds = array<i64: 2, 16>, scalar_prefetch = 0 : i64, scratch_operands = 10 : i64, tpu.core_type = #tpu.core_type<sc_vector_subcore>, window_params = [{transform_indices = #map}, {transform_indices = #map1}, {transform_indices = #map1}, {transform_indices = #map}, {transform_indices = #map1}]} {
    %mul3A = arith.constant 16 : i32
    %mul3A_0 = arith.muli %arg0, %mul3A : i32
    %add3A = arith.addi %mul3A_0, %arg1 : i32
    "tpu.region"() ({
      %run_scoped3A = tpu.sem_alloc : memref<!tpu.dma_semaphore, #tpu.memory_space<semaphore_mem>>
      %dma_start3A_93 = arith.constant 0 : i32
      %dma_start3A_94 = arith.constant 0 : i32
      %dma_start3A_95 = tpu.memref_slice %arg3[%add3A, %dma_start3A_93, %dma_start3A_94] : memref<32x79x256xi32, #tpu.memory_space<hbm>> -> memref<1x79x256xi32, #tpu.memory_space<hbm>>
      %dma_start3A_96 = tpu.memref_squeeze %dma_start3A_95 : memref<1x79x256xi32, #tpu.memory_space<hbm>> -> memref<79x256xi32, #tpu.memory_space<hbm>>
      %dma_start3A_97 = arith.constant 0 : i32
      %dma_start3A_98 = arith.constant 0 : i32
      %dma_start3A_99 = tpu.memref_slice %arg3[%add3A, %dma_start3A_97, %dma_start3A_98] : memref<32x79x256xi32, #tpu.memory_space<hbm>> -> memref<1x79x256xi32, #tpu.memory_space<hbm>>
      %dma_start3A_100 = tpu.memref_squeeze %dma_start3A_99 : memref<1x79x256xi32, #tpu.memory_space<hbm>> -> memref<79x256xi32, #tpu.memory_space<hbm>>
      tpu.enqueue_dma source(%dma_start3A_100 : memref<79x256xi32, #tpu.memory_space<hbm>>) target(%arg7 : memref<79x256xi32, #tpu.memory_space<vmem>>) target_semaphore(%run_scoped3A : memref<!tpu.dma_semaphore, #tpu.memory_space<semaphore_mem>>)
      %dma_wait3A_101 = arith.constant 0 : i32
      %dma_wait3A_102 = arith.constant 0 : i32
      %dma_wait3A_103 = tpu.memref_slice %arg3[%add3A, %dma_wait3A_101, %dma_wait3A_102] : memref<32x79x256xi32, #tpu.memory_space<hbm>> -> memref<1x79x256xi32, #tpu.memory_space<hbm>>
      %dma_wait3A_104 = tpu.memref_squeeze %dma_wait3A_103 : memref<1x79x256xi32, #tpu.memory_space<hbm>> -> memref<79x256xi32, #tpu.memory_space<hbm>>
      %dma_wait3A_105 = arith.constant 0 : i32
      %dma_wait3A_106 = arith.constant 0 : i32
      %dma_wait3A_107 = tpu.memref_slice %arg3[%add3A, %dma_wait3A_105, %dma_wait3A_106] : memref<32x79x256xi32, #tpu.memory_space<hbm>> -> memref<1x79x256xi32, #tpu.memory_space<hbm>>
      %dma_wait3A_108 = tpu.memref_squeeze %dma_wait3A_107 : memref<1x79x256xi32, #tpu.memory_space<hbm>> -> memref<79x256xi32, #tpu.memory_space<hbm>>
      tpu.wait_dma2 semaphore(%run_scoped3A : memref<!tpu.dma_semaphore, #tpu.memory_space<semaphore_mem>>) src(%dma_wait3A_108 : memref<79x256xi32, #tpu.memory_space<hbm>>) dst(%arg7 : memref<79x256xi32, #tpu.memory_space<vmem>>)
      tpu.yield
    }) : () -> ()
    "tpu.region"() ({
      %run_scoped3A = tpu.sem_alloc : memref<!tpu.dma_semaphore, #tpu.memory_space<semaphore_mem>>
      %dma_start3A_93 = arith.constant 0 : i32
      %dma_start3A_94 = arith.constant 0 : i32
      %dma_start3A_95 = tpu.memref_slice %arg4[%add3A, %dma_start3A_93, %dma_start3A_94] : memref<32x79x256xi32, #tpu.memory_space<hbm>> -> memref<1x79x256xi32, #tpu.memory_space<hbm>>
      %dma_start3A_96 = tpu.memref_squeeze %dma_start3A_95 : memref<1x79x256xi32, #tpu.memory_space<hbm>> -> memref<79x256xi32, #tpu.memory_space<hbm>>
      %dma_start3A_97 = arith.constant 0 : i32
      %dma_start3A_98 = arith.constant 0 : i32
      %dma_start3A_99 = tpu.memref_slice %arg4[%add3A, %dma_start3A_97, %dma_start3A_98] : memref<32x79x256xi32, #tpu.memory_space<hbm>> -> memref<1x79x256xi32, #tpu.memory_space<hbm>>
      %dma_start3A_100 = tpu.memref_squeeze %dma_start3A_99 : memref<1x79x256xi32, #tpu.memory_space<hbm>> -> memref<79x256xi32, #tpu.memory_space<hbm>>
      tpu.enqueue_dma source(%dma_start3A_100 : memref<79x256xi32, #tpu.memory_space<hbm>>) target(%arg8 : memref<79x256xi32, #tpu.memory_space<vmem>>) target_semaphore(%run_scoped3A : memref<!tpu.dma_semaphore, #tpu.memory_space<semaphore_mem>>)
      %dma_wait3A_101 = arith.constant 0 : i32
      %dma_wait3A_102 = arith.constant 0 : i32
      %dma_wait3A_103 = tpu.memref_slice %arg4[%add3A, %dma_wait3A_101, %dma_wait3A_102] : memref<32x79x256xi32, #tpu.memory_space<hbm>> -> memref<1x79x256xi32, #tpu.memory_space<hbm>>
      %dma_wait3A_104 = tpu.memref_squeeze %dma_wait3A_103 : memref<1x79x256xi32, #tpu.memory_space<hbm>> -> memref<79x256xi32, #tpu.memory_space<hbm>>
      %dma_wait3A_105 = arith.constant 0 : i32
      %dma_wait3A_106 = arith.constant 0 : i32
      %dma_wait3A_107 = tpu.memref_slice %arg4[%add3A, %dma_wait3A_105, %dma_wait3A_106] : memref<32x79x256xi32, #tpu.memory_space<hbm>> -> memref<1x79x256xi32, #tpu.memory_space<hbm>>
      %dma_wait3A_108 = tpu.memref_squeeze %dma_wait3A_107 : memref<1x79x256xi32, #tpu.memory_space<hbm>> -> memref<79x256xi32, #tpu.memory_space<hbm>>
      tpu.wait_dma2 semaphore(%run_scoped3A : memref<!tpu.dma_semaphore, #tpu.memory_space<semaphore_mem>>) src(%dma_wait3A_108 : memref<79x256xi32, #tpu.memory_space<hbm>>) dst(%arg8 : memref<79x256xi32, #tpu.memory_space<vmem>>)
      tpu.yield
    }) : () -> ()
    %mul3A_1 = arith.constant 626 : i32
    %mul3A_2 = arith.muli %arg1, %mul3A_1 : i32
    "tpu.region"() ({
      %run_scoped3A = tpu.sem_alloc : memref<!tpu.dma_semaphore, #tpu.memory_space<semaphore_mem>>
      %dma_start3A_93 = arith.constant 0 : i32
      %dma_start3A_94 = tpu.memref_slice %arg10[%mul3A_2, %dma_start3A_93] : memref<10016x64xf32, #tpu.memory_space<vmem_shared>> -> memref<626x64xf32, #tpu.memory_space<vmem_shared>>
      tpu.enqueue_dma source(%arg5 : memref<626x64xf32, #tpu.memory_space<hbm>>) target(%dma_start3A_94 : memref<626x64xf32, #tpu.memory_space<vmem_shared>>) target_semaphore(%run_scoped3A : memref<!tpu.dma_semaphore, #tpu.memory_space<semaphore_mem>>)
      %dma_wait3A_95 = arith.constant 0 : i32
      %dma_wait3A_96 = tpu.memref_slice %arg10[%mul3A_2, %dma_wait3A_95] : memref<10016x64xf32, #tpu.memory_space<vmem_shared>> -> memref<626x64xf32, #tpu.memory_space<vmem_shared>>
      tpu.wait_dma2 semaphore(%run_scoped3A : memref<!tpu.dma_semaphore, #tpu.memory_space<semaphore_mem>>) src(%arg5 : memref<626x64xf32, #tpu.memory_space<hbm>>) dst(%dma_wait3A_96 : memref<626x64xf32, #tpu.memory_space<vmem_shared>>)
      tpu.yield
    }) : () -> ()
    %barrier3A = arith.constant 0 : index
    tpu.barrier barrier_id(%barrier3A)
    %dma_start3A = arith.constant 0 : i32
    %dma_start3A_3 = arith.constant 0 : i32
    %dma_start3A_4 = arith.constant 0 : i32
    %dma_start3A_5 = arith.constant 0 : i32
    %dma_start3A_6 = tpu.memref_slice %arg9[%dma_start3A_3, %dma_start3A_4, %dma_start3A_5] : memref<3x256x64xf32, #tpu.memory_space<vmem>> -> memref<1x256x64xf32, #tpu.memory_space<vmem>>
    %dma_start3A_7 = tpu.memref_squeeze %dma_start3A_6 : memref<1x256x64xf32, #tpu.memory_space<vmem>> -> memref<256x64xf32, #tpu.memory_space<vmem>>
    %dma_start3A_8 = arith.constant 0 : i32
    %dma_start3A_9 = tpu.memref_slice %arg7[%dma_start3A, %dma_start3A_8] : memref<79x256xi32, #tpu.memory_space<vmem>> -> memref<1x256xi32, #tpu.memory_space<vmem>>
    %dma_start3A_10 = tpu.memref_squeeze %dma_start3A_9 : memref<1x256xi32, #tpu.memory_space<vmem>> -> memref<256xi32, #tpu.memory_space<vmem>>
    %dma_start3A_11 = arith.constant 0 : i32
    %dma_start3A_12 = arith.constant 0 : i32
    %dma_start3A_13 = tpu.memref_slice %arg2[%dma_start3A_11, %dma_start3A_12] : memref<20032x64xf32, #tpu.memory_space<hbm>> -> memref<20032x64xf32, #tpu.memory_space<hbm>>
    tpu.enqueue_indirect_dma source(%dma_start3A_13 : memref<20032x64xf32, #tpu.memory_space<hbm>>) target(%dma_start3A_7 : memref<256x64xf32, #tpu.memory_space<vmem>>) offsets(%dma_start3A_10 : memref<256xi32, #tpu.memory_space<vmem>>) semaphore(%arg11 : memref<!tpu.dma_semaphore, #tpu.memory_space<semaphore_mem>>)
    %dma_start3A_14 = arith.constant 1 : i32
    %dma_start3A_15 = arith.constant 1 : i32
    %dma_start3A_16 = arith.constant 0 : i32
    %dma_start3A_17 = arith.constant 0 : i32
    %dma_start3A_18 = tpu.memref_slice %arg9[%dma_start3A_15, %dma_start3A_16, %dma_start3A_17] : memref<3x256x64xf32, #tpu.memory_space<vmem>> -> memref<1x256x64xf32, #tpu.memory_space<vmem>>
    %dma_start3A_19 = tpu.memref_squeeze %dma_start3A_18 : memref<1x256x64xf32, #tpu.memory_space<vmem>> -> memref<256x64xf32, #tpu.memory_space<vmem>>
    %dma_start3A_20 = arith.constant 0 : i32
    %dma_start3A_21 = tpu.memref_slice %arg7[%dma_start3A_14, %dma_start3A_20] : memref<79x256xi32, #tpu.memory_space<vmem>> -> memref<1x256xi32, #tpu.memory_space<vmem>>
    %dma_start3A_22 = tpu.memref_squeeze %dma_start3A_21 : memref<1x256xi32, #tpu.memory_space<vmem>> -> memref<256xi32, #tpu.memory_space<vmem>>
    %dma_start3A_23 = arith.constant 0 : i32
    %dma_start3A_24 = arith.constant 0 : i32
    %dma_start3A_25 = tpu.memref_slice %arg2[%dma_start3A_23, %dma_start3A_24] : memref<20032x64xf32, #tpu.memory_space<hbm>> -> memref<20032x64xf32, #tpu.memory_space<hbm>>
    tpu.enqueue_indirect_dma source(%dma_start3A_25 : memref<20032x64xf32, #tpu.memory_space<hbm>>) target(%dma_start3A_19 : memref<256x64xf32, #tpu.memory_space<vmem>>) offsets(%dma_start3A_22 : memref<256xi32, #tpu.memory_space<vmem>>) semaphore(%arg12 : memref<!tpu.dma_semaphore, #tpu.memory_space<semaphore_mem>>)
    %scan3A = arith.constant 0 : i32
    %scan3A_26 = arith.constant 0 : i32
    %scan3A_27 = arith.constant 26 : i32
    %scan3A_28 = arith.addi %scan3A_26, %scan3A_27 : i32
    %scan3A_29 = arith.constant 1 : i32
    scf.for %scan3A_93 = %scan3A_26 to %scan3A_28 step %scan3A_29  : i32 {
      %mul3A_94 = arith.constant 3 : i32
      %mul3A_95 = arith.muli %scan3A_93, %mul3A_94 : i32
      %add3A_96 = arith.constant 0 : i32
      %add3A_97 = arith.addi %mul3A_95, %add3A_96 : i32
      %dma_wait3A_98 = arith.constant 0 : i32
      %dma_wait3A_99 = arith.constant 0 : i32
      %dma_wait3A_100 = arith.constant 0 : i32
      %dma_wait3A_101 = tpu.memref_slice %arg9[%dma_wait3A_98, %dma_wait3A_99, %dma_wait3A_100] : memref<3x256x64xf32, #tpu.memory_space<vmem>> -> memref<1x256x64xf32, #tpu.memory_space<vmem>>
      %dma_wait3A_102 = tpu.memref_squeeze %dma_wait3A_101 : memref<1x256x64xf32, #tpu.memory_space<vmem>> -> memref<256x64xf32, #tpu.memory_space<vmem>>
      %dma_wait3A_103 = arith.constant 0 : i32
      %dma_wait3A_104 = tpu.memref_slice %arg7[%add3A_97, %dma_wait3A_103] : memref<79x256xi32, #tpu.memory_space<vmem>> -> memref<1x256xi32, #tpu.memory_space<vmem>>
      %dma_wait3A_105 = tpu.memref_squeeze %dma_wait3A_104 : memref<1x256xi32, #tpu.memory_space<vmem>> -> memref<256xi32, #tpu.memory_space<vmem>>
      %dma_wait3A_106 = arith.constant 0 : i32
      %dma_wait3A_107 = arith.constant 0 : i32
      %dma_wait3A_108 = tpu.memref_slice %arg2[%dma_wait3A_106, %dma_wait3A_107] : memref<20032x64xf32, #tpu.memory_space<hbm>> -> memref<20032x64xf32, #tpu.memory_space<hbm>>
      tpu.wait_indirect_dma semaphore(%arg11 : memref<!tpu.dma_semaphore, #tpu.memory_space<semaphore_mem>>) src(%dma_wait3A_108 : memref<20032x64xf32, #tpu.memory_space<hbm>>) dst(%dma_wait3A_102 : memref<256x64xf32, #tpu.memory_space<vmem>>)
      %dma_start3A_109 = arith.constant 0 : i32
      %dma_start3A_110 = arith.constant 0 : i32
      %dma_start3A_111 = arith.constant 0 : i32
      %dma_start3A_112 = tpu.memref_slice %arg9[%dma_start3A_109, %dma_start3A_110, %dma_start3A_111] : memref<3x256x64xf32, #tpu.memory_space<vmem>> -> memref<1x256x64xf32, #tpu.memory_space<vmem>>
      %dma_start3A_113 = tpu.memref_squeeze %dma_start3A_112 : memref<1x256x64xf32, #tpu.memory_space<vmem>> -> memref<256x64xf32, #tpu.memory_space<vmem>>
      %dma_start3A_114 = arith.constant 0 : i32
      %dma_start3A_115 = tpu.memref_slice %arg8[%add3A_97, %dma_start3A_114] : memref<79x256xi32, #tpu.memory_space<vmem>> -> memref<1x256xi32, #tpu.memory_space<vmem>>
      %dma_start3A_116 = tpu.memref_squeeze %dma_start3A_115 : memref<1x256xi32, #tpu.memory_space<vmem>> -> memref<256xi32, #tpu.memory_space<vmem>>
      %dma_start3A_117 = arith.constant 0 : i32
      %dma_start3A_118 = arith.constant 0 : i32
      %dma_start3A_119 = tpu.memref_slice %arg10[%dma_start3A_117, %dma_start3A_118] : memref<10016x64xf32, #tpu.memory_space<vmem_shared>> -> memref<10016x64xf32, #tpu.memory_space<vmem_shared>>
      tpu.enqueue_indirect_dma source(%dma_start3A_113 : memref<256x64xf32, #tpu.memory_space<vmem>>) target(%dma_start3A_119 : memref<10016x64xf32, #tpu.memory_space<vmem_shared>>) offsets(%dma_start3A_116 : memref<256xi32, #tpu.memory_space<vmem>>) semaphore(%arg14 : memref<!tpu.dma_semaphore, #tpu.memory_space<semaphore_mem>>) {add = true}
      %add3A_120 = arith.constant 2 : i32
      %add3A_121 = arith.addi %add3A_97, %add3A_120 : i32
      %lt3A = arith.constant 79 : i32
      %lt3A_122 = arith.cmpi slt, %add3A_121, %lt3A : i32
      %convert_element_type3A = arith.extui %lt3A_122 : i1 to i32
      %cond3A = arith.constant 0 : i32
      %cond3A_123 = arith.cmpi ne, %convert_element_type3A, %cond3A : i32
      scf.if %cond3A_123 {
        %ge3A = arith.constant 3 : i32
        %ge3A_186 = arith.cmpi sge, %add3A_121, %ge3A : i32
        %convert_element_type3A_187 = arith.extui %ge3A_186 : i1 to i32
        %cond3A_188 = arith.constant 0 : i32
        %cond3A_189 = arith.cmpi ne, %convert_element_type3A_187, %cond3A_188 : i32
        scf.if %cond3A_189 {
          %sub3A = arith.constant 3 : i32
          %sub3A_201 = arith.subi %add3A_121, %sub3A : i32
          %dma_wait3A_202 = arith.constant 2 : i32
          %dma_wait3A_203 = arith.constant 0 : i32
          %dma_wait3A_204 = arith.constant 0 : i32
          %dma_wait3A_205 = tpu.memref_slice %arg9[%dma_wait3A_202, %dma_wait3A_203, %dma_wait3A_204] : memref<3x256x64xf32, #tpu.memory_space<vmem>> -> memref<1x256x64xf32, #tpu.memory_space<vmem>>
          %dma_wait3A_206 = tpu.memref_squeeze %dma_wait3A_205 : memref<1x256x64xf32, #tpu.memory_space<vmem>> -> memref<256x64xf32, #tpu.memory_space<vmem>>
          %dma_wait3A_207 = arith.constant 0 : i32
          %dma_wait3A_208 = tpu.memref_slice %arg8[%sub3A_201, %dma_wait3A_207] : memref<79x256xi32, #tpu.memory_space<vmem>> -> memref<1x256xi32, #tpu.memory_space<vmem>>
          %dma_wait3A_209 = tpu.memref_squeeze %dma_wait3A_208 : memref<1x256xi32, #tpu.memory_space<vmem>> -> memref<256xi32, #tpu.memory_space<vmem>>
          %dma_wait3A_210 = arith.constant 0 : i32
          %dma_wait3A_211 = arith.constant 0 : i32
          %dma_wait3A_212 = tpu.memref_slice %arg10[%dma_wait3A_210, %dma_wait3A_211] : memref<10016x64xf32, #tpu.memory_space<vmem_shared>> -> memref<10016x64xf32, #tpu.memory_space<vmem_shared>>
          tpu.wait_indirect_dma semaphore(%arg16 : memref<!tpu.dma_semaphore, #tpu.memory_space<semaphore_mem>>) src(%dma_wait3A_206 : memref<256x64xf32, #tpu.memory_space<vmem>>) dst(%dma_wait3A_212 : memref<10016x64xf32, #tpu.memory_space<vmem_shared>>)
        } else {
        }
        %dma_start3A_190 = arith.constant 2 : i32
        %dma_start3A_191 = arith.constant 0 : i32
        %dma_start3A_192 = arith.constant 0 : i32
        %dma_start3A_193 = tpu.memref_slice %arg9[%dma_start3A_190, %dma_start3A_191, %dma_start3A_192] : memref<3x256x64xf32, #tpu.memory_space<vmem>> -> memref<1x256x64xf32, #tpu.memory_space<vmem>>
        %dma_start3A_194 = tpu.memref_squeeze %dma_start3A_193 : memref<1x256x64xf32, #tpu.memory_space<vmem>> -> memref<256x64xf32, #tpu.memory_space<vmem>>
        %dma_start3A_195 = arith.constant 0 : i32
        %dma_start3A_196 = tpu.memref_slice %arg7[%add3A_121, %dma_start3A_195] : memref<79x256xi32, #tpu.memory_space<vmem>> -> memref<1x256xi32, #tpu.memory_space<vmem>>
        %dma_start3A_197 = tpu.memref_squeeze %dma_start3A_196 : memref<1x256xi32, #tpu.memory_space<vmem>> -> memref<256xi32, #tpu.memory_space<vmem>>
        %dma_start3A_198 = arith.constant 0 : i32
        %dma_start3A_199 = arith.constant 0 : i32
        %dma_start3A_200 = tpu.memref_slice %arg2[%dma_start3A_198, %dma_start3A_199] : memref<20032x64xf32, #tpu.memory_space<hbm>> -> memref<20032x64xf32, #tpu.memory_space<hbm>>
        tpu.enqueue_indirect_dma source(%dma_start3A_200 : memref<20032x64xf32, #tpu.memory_space<hbm>>) target(%dma_start3A_194 : memref<256x64xf32, #tpu.memory_space<vmem>>) offsets(%dma_start3A_197 : memref<256xi32, #tpu.memory_space<vmem>>) semaphore(%arg13 : memref<!tpu.dma_semaphore, #tpu.memory_space<semaphore_mem>>)
      } else {
      }
      %add3A_124 = arith.constant 1 : i32
      %add3A_125 = arith.addi %mul3A_95, %add3A_124 : i32
      %dma_wait3A_126 = arith.constant 1 : i32
      %dma_wait3A_127 = arith.constant 0 : i32
      %dma_wait3A_128 = arith.constant 0 : i32
      %dma_wait3A_129 = tpu.memref_slice %arg9[%dma_wait3A_126, %dma_wait3A_127, %dma_wait3A_128] : memref<3x256x64xf32, #tpu.memory_space<vmem>> -> memref<1x256x64xf32, #tpu.memory_space<vmem>>
      %dma_wait3A_130 = tpu.memref_squeeze %dma_wait3A_129 : memref<1x256x64xf32, #tpu.memory_space<vmem>> -> memref<256x64xf32, #tpu.memory_space<vmem>>
      %dma_wait3A_131 = arith.constant 0 : i32
      %dma_wait3A_132 = tpu.memref_slice %arg7[%add3A_125, %dma_wait3A_131] : memref<79x256xi32, #tpu.memory_space<vmem>> -> memref<1x256xi32, #tpu.memory_space<vmem>>
      %dma_wait3A_133 = tpu.memref_squeeze %dma_wait3A_132 : memref<1x256xi32, #tpu.memory_space<vmem>> -> memref<256xi32, #tpu.memory_space<vmem>>
      %dma_wait3A_134 = arith.constant 0 : i32
      %dma_wait3A_135 = arith.constant 0 : i32
      %dma_wait3A_136 = tpu.memref_slice %arg2[%dma_wait3A_134, %dma_wait3A_135] : memref<20032x64xf32, #tpu.memory_space<hbm>> -> memref<20032x64xf32, #tpu.memory_space<hbm>>
      tpu.wait_indirect_dma semaphore(%arg12 : memref<!tpu.dma_semaphore, #tpu.memory_space<semaphore_mem>>) src(%dma_wait3A_136 : memref<20032x64xf32, #tpu.memory_space<hbm>>) dst(%dma_wait3A_130 : memref<256x64xf32, #tpu.memory_space<vmem>>)
      %dma_start3A_137 = arith.constant 1 : i32
      %dma_start3A_138 = arith.constant 0 : i32
      %dma_start3A_139 = arith.constant 0 : i32
      %dma_start3A_140 = tpu.memref_slice %arg9[%dma_start3A_137, %dma_start3A_138, %dma_start3A_139] : memref<3x256x64xf32, #tpu.memory_space<vmem>> -> memref<1x256x64xf32, #tpu.memory_space<vmem>>
      %dma_start3A_141 = tpu.memref_squeeze %dma_start3A_140 : memref<1x256x64xf32, #tpu.memory_space<vmem>> -> memref<256x64xf32, #tpu.memory_space<vmem>>
      %dma_start3A_142 = arith.constant 0 : i32
      %dma_start3A_143 = tpu.memref_slice %arg8[%add3A_125, %dma_start3A_142] : memref<79x256xi32, #tpu.memory_space<vmem>> -> memref<1x256xi32, #tpu.memory_space<vmem>>
      %dma_start3A_144 = tpu.memref_squeeze %dma_start3A_143 : memref<1x256xi32, #tpu.memory_space<vmem>> -> memref<256xi32, #tpu.memory_space<vmem>>
      %dma_start3A_145 = arith.constant 0 : i32
      %dma_start3A_146 = arith.constant 0 : i32
      %dma_start3A_147 = tpu.memref_slice %arg10[%dma_start3A_145, %dma_start3A_146] : memref<10016x64xf32, #tpu.memory_space<vmem_shared>> -> memref<10016x64xf32, #tpu.memory_space<vmem_shared>>
      tpu.enqueue_indirect_dma source(%dma_start3A_141 : memref<256x64xf32, #tpu.memory_space<vmem>>) target(%dma_start3A_147 : memref<10016x64xf32, #tpu.memory_space<vmem_shared>>) offsets(%dma_start3A_144 : memref<256xi32, #tpu.memory_space<vmem>>) semaphore(%arg15 : memref<!tpu.dma_semaphore, #tpu.memory_space<semaphore_mem>>) {add = true}
      %add3A_148 = arith.constant 2 : i32
      %add3A_149 = arith.addi %add3A_125, %add3A_148 : i32
      %lt3A_150 = arith.constant 79 : i32
      %lt3A_151 = arith.cmpi slt, %add3A_149, %lt3A_150 : i32
      %convert_element_type3A_152 = arith.extui %lt3A_151 : i1 to i32
      %cond3A_153 = arith.constant 0 : i32
      %cond3A_154 = arith.cmpi ne, %convert_element_type3A_152, %cond3A_153 : i32
      scf.if %cond3A_154 {
        %ge3A = arith.constant 3 : i32
        %ge3A_186 = arith.cmpi sge, %add3A_149, %ge3A : i32
        %convert_element_type3A_187 = arith.extui %ge3A_186 : i1 to i32
        %cond3A_188 = arith.constant 0 : i32
        %cond3A_189 = arith.cmpi ne, %convert_element_type3A_187, %cond3A_188 : i32
        scf.if %cond3A_189 {
          %sub3A = arith.constant 3 : i32
          %sub3A_201 = arith.subi %add3A_149, %sub3A : i32
          %dma_wait3A_202 = arith.constant 0 : i32
          %dma_wait3A_203 = arith.constant 0 : i32
          %dma_wait3A_204 = arith.constant 0 : i32
          %dma_wait3A_205 = tpu.memref_slice %arg9[%dma_wait3A_202, %dma_wait3A_203, %dma_wait3A_204] : memref<3x256x64xf32, #tpu.memory_space<vmem>> -> memref<1x256x64xf32, #tpu.memory_space<vmem>>
          %dma_wait3A_206 = tpu.memref_squeeze %dma_wait3A_205 : memref<1x256x64xf32, #tpu.memory_space<vmem>> -> memref<256x64xf32, #tpu.memory_space<vmem>>
          %dma_wait3A_207 = arith.constant 0 : i32
          %dma_wait3A_208 = tpu.memref_slice %arg8[%sub3A_201, %dma_wait3A_207] : memref<79x256xi32, #tpu.memory_space<vmem>> -> memref<1x256xi32, #tpu.memory_space<vmem>>
          %dma_wait3A_209 = tpu.memref_squeeze %dma_wait3A_208 : memref<1x256xi32, #tpu.memory_space<vmem>> -> memref<256xi32, #tpu.memory_space<vmem>>
          %dma_wait3A_210 = arith.constant 0 : i32
          %dma_wait3A_211 = arith.constant 0 : i32
          %dma_wait3A_212 = tpu.memref_slice %arg10[%dma_wait3A_210, %dma_wait3A_211] : memref<10016x64xf32, #tpu.memory_space<vmem_shared>> -> memref<10016x64xf32, #tpu.memory_space<vmem_shared>>
          tpu.wait_indirect_dma semaphore(%arg14 : memref<!tpu.dma_semaphore, #tpu.memory_space<semaphore_mem>>) src(%dma_wait3A_206 : memref<256x64xf32, #tpu.memory_space<vmem>>) dst(%dma_wait3A_212 : memref<10016x64xf32, #tpu.memory_space<vmem_shared>>)
        } else {
        }
        %dma_start3A_190 = arith.constant 0 : i32
        %dma_start3A_191 = arith.constant 0 : i32
        %dma_start3A_192 = arith.constant 0 : i32
        %dma_start3A_193 = tpu.memref_slice %arg9[%dma_start3A_190, %dma_start3A_191, %dma_start3A_192] : memref<3x256x64xf32, #tpu.memory_space<vmem>> -> memref<1x256x64xf32, #tpu.memory_space<vmem>>
        %dma_start3A_194 = tpu.memref_squeeze %dma_start3A_193 : memref<1x256x64xf32, #tpu.memory_space<vmem>> -> memref<256x64xf32, #tpu.memory_space<vmem>>
        %dma_start3A_195 = arith.constant 0 : i32
        %dma_start3A_196 = tpu.memref_slice %arg7[%add3A_149, %dma_start3A_195] : memref<79x256xi32, #tpu.memory_space<vmem>> -> memref<1x256xi32, #tpu.memory_space<vmem>>
        %dma_start3A_197 = tpu.memref_squeeze %dma_start3A_196 : memref<1x256xi32, #tpu.memory_space<vmem>> -> memref<256xi32, #tpu.memory_space<vmem>>
        %dma_start3A_198 = arith.constant 0 : i32
        %dma_start3A_199 = arith.constant 0 : i32
        %dma_start3A_200 = tpu.memref_slice %arg2[%dma_start3A_198, %dma_start3A_199] : memref<20032x64xf32, #tpu.memory_space<hbm>> -> memref<20032x64xf32, #tpu.memory_space<hbm>>
        tpu.enqueue_indirect_dma source(%dma_start3A_200 : memref<20032x64xf32, #tpu.memory_space<hbm>>) target(%dma_start3A_194 : memref<256x64xf32, #tpu.memory_space<vmem>>) offsets(%dma_start3A_197 : memref<256xi32, #tpu.memory_space<vmem>>) semaphore(%arg11 : memref<!tpu.dma_semaphore, #tpu.memory_space<semaphore_mem>>)
      } else {
      }
      %add3A_155 = arith.constant 2 : i32
      %add3A_156 = arith.addi %mul3A_95, %add3A_155 : i32
      %dma_wait3A_157 = arith.constant 2 : i32
      %dma_wait3A_158 = arith.constant 0 : i32
      %dma_wait3A_159 = arith.constant 0 : i32
      %dma_wait3A_160 = tpu.memref_slice %arg9[%dma_wait3A_157, %dma_wait3A_158, %dma_wait3A_159] : memref<3x256x64xf32, #tpu.memory_space<vmem>> -> memref<1x256x64xf32, #tpu.memory_space<vmem>>
      %dma_wait3A_161 = tpu.memref_squeeze %dma_wait3A_160 : memref<1x256x64xf32, #tpu.memory_space<vmem>> -> memref<256x64xf32, #tpu.memory_space<vmem>>
      %dma_wait3A_162 = arith.constant 0 : i32
      %dma_wait3A_163 = tpu.memref_slice %arg7[%add3A_156, %dma_wait3A_162] : memref<79x256xi32, #tpu.memory_space<vmem>> -> memref<1x256xi32, #tpu.memory_space<vmem>>
      %dma_wait3A_164 = tpu.memref_squeeze %dma_wait3A_163 : memref<1x256xi32, #tpu.memory_space<vmem>> -> memref<256xi32, #tpu.memory_space<vmem>>
      %dma_wait3A_165 = arith.constant 0 : i32
      %dma_wait3A_166 = arith.constant 0 : i32
      %dma_wait3A_167 = tpu.memref_slice %arg2[%dma_wait3A_165, %dma_wait3A_166] : memref<20032x64xf32, #tpu.memory_space<hbm>> -> memref<20032x64xf32, #tpu.memory_space<hbm>>
      tpu.wait_indirect_dma semaphore(%arg13 : memref<!tpu.dma_semaphore, #tpu.memory_space<semaphore_mem>>) src(%dma_wait3A_167 : memref<20032x64xf32, #tpu.memory_space<hbm>>) dst(%dma_wait3A_161 : memref<256x64xf32, #tpu.memory_space<vmem>>)
      %dma_start3A_168 = arith.constant 2 : i32
      %dma_start3A_169 = arith.constant 0 : i32
      %dma_start3A_170 = arith.constant 0 : i32
      %dma_start3A_171 = tpu.memref_slice %arg9[%dma_start3A_168, %dma_start3A_169, %dma_start3A_170] : memref<3x256x64xf32, #tpu.memory_space<vmem>> -> memref<1x256x64xf32, #tpu.memory_space<vmem>>
      %dma_start3A_172 = tpu.memref_squeeze %dma_start3A_171 : memref<1x256x64xf32, #tpu.memory_space<vmem>> -> memref<256x64xf32, #tpu.memory_space<vmem>>
      %dma_start3A_173 = arith.constant 0 : i32
      %dma_start3A_174 = tpu.memref_slice %arg8[%add3A_156, %dma_start3A_173] : memref<79x256xi32, #tpu.memory_space<vmem>> -> memref<1x256xi32, #tpu.memory_space<vmem>>
      %dma_start3A_175 = tpu.memref_squeeze %dma_start3A_174 : memref<1x256xi32, #tpu.memory_space<vmem>> -> memref<256xi32, #tpu.memory_space<vmem>>
      %dma_start3A_176 = arith.constant 0 : i32
      %dma_start3A_177 = arith.constant 0 : i32
      %dma_start3A_178 = tpu.memref_slice %arg10[%dma_start3A_176, %dma_start3A_177] : memref<10016x64xf32, #tpu.memory_space<vmem_shared>> -> memref<10016x64xf32, #tpu.memory_space<vmem_shared>>
      tpu.enqueue_indirect_dma source(%dma_start3A_172 : memref<256x64xf32, #tpu.memory_space<vmem>>) target(%dma_start3A_178 : memref<10016x64xf32, #tpu.memory_space<vmem_shared>>) offsets(%dma_start3A_175 : memref<256xi32, #tpu.memory_space<vmem>>) semaphore(%arg16 : memref<!tpu.dma_semaphore, #tpu.memory_space<semaphore_mem>>) {add = true}
      %add3A_179 = arith.constant 2 : i32
      %add3A_180 = arith.addi %add3A_156, %add3A_179 : i32
      %lt3A_181 = arith.constant 79 : i32
      %lt3A_182 = arith.cmpi slt, %add3A_180, %lt3A_181 : i32
      %convert_element_type3A_183 = arith.extui %lt3A_182 : i1 to i32
      %cond3A_184 = arith.constant 0 : i32
      %cond3A_185 = arith.cmpi ne, %convert_element_type3A_183, %cond3A_184 : i32
      scf.if %cond3A_185 {
        %ge3A = arith.constant 3 : i32
        %ge3A_186 = arith.cmpi sge, %add3A_180, %ge3A : i32
        %convert_element_type3A_187 = arith.extui %ge3A_186 : i1 to i32
        %cond3A_188 = arith.constant 0 : i32
        %cond3A_189 = arith.cmpi ne, %convert_element_type3A_187, %cond3A_188 : i32
        scf.if %cond3A_189 {
          %sub3A = arith.constant 3 : i32
          %sub3A_201 = arith.subi %add3A_180, %sub3A : i32
          %dma_wait3A_202 = arith.constant 1 : i32
          %dma_wait3A_203 = arith.constant 0 : i32
          %dma_wait3A_204 = arith.constant 0 : i32
          %dma_wait3A_205 = tpu.memref_slice %arg9[%dma_wait3A_202, %dma_wait3A_203, %dma_wait3A_204] : memref<3x256x64xf32, #tpu.memory_space<vmem>> -> memref<1x256x64xf32, #tpu.memory_space<vmem>>
          %dma_wait3A_206 = tpu.memref_squeeze %dma_wait3A_205 : memref<1x256x64xf32, #tpu.memory_space<vmem>> -> memref<256x64xf32, #tpu.memory_space<vmem>>
          %dma_wait3A_207 = arith.constant 0 : i32
          %dma_wait3A_208 = tpu.memref_slice %arg8[%sub3A_201, %dma_wait3A_207] : memref<79x256xi32, #tpu.memory_space<vmem>> -> memref<1x256xi32, #tpu.memory_space<vmem>>
          %dma_wait3A_209 = tpu.memref_squeeze %dma_wait3A_208 : memref<1x256xi32, #tpu.memory_space<vmem>> -> memref<256xi32, #tpu.memory_space<vmem>>
          %dma_wait3A_210 = arith.constant 0 : i32
          %dma_wait3A_211 = arith.constant 0 : i32
          %dma_wait3A_212 = tpu.memref_slice %arg10[%dma_wait3A_210, %dma_wait3A_211] : memref<10016x64xf32, #tpu.memory_space<vmem_shared>> -> memref<10016x64xf32, #tpu.memory_space<vmem_shared>>
          tpu.wait_indirect_dma semaphore(%arg15 : memref<!tpu.dma_semaphore, #tpu.memory_space<semaphore_mem>>) src(%dma_wait3A_206 : memref<256x64xf32, #tpu.memory_space<vmem>>) dst(%dma_wait3A_212 : memref<10016x64xf32, #tpu.memory_space<vmem_shared>>)
        } else {
        }
        %dma_start3A_190 = arith.constant 1 : i32
        %dma_start3A_191 = arith.constant 0 : i32
        %dma_start3A_192 = arith.constant 0 : i32
        %dma_start3A_193 = tpu.memref_slice %arg9[%dma_start3A_190, %dma_start3A_191, %dma_start3A_192] : memref<3x256x64xf32, #tpu.memory_space<vmem>> -> memref<1x256x64xf32, #tpu.memory_space<vmem>>
        %dma_start3A_194 = tpu.memref_squeeze %dma_start3A_193 : memref<1x256x64xf32, #tpu.memory_space<vmem>> -> memref<256x64xf32, #tpu.memory_space<vmem>>
        %dma_start3A_195 = arith.constant 0 : i32
        %dma_start3A_196 = tpu.memref_slice %arg7[%add3A_180, %dma_start3A_195] : memref<79x256xi32, #tpu.memory_space<vmem>> -> memref<1x256xi32, #tpu.memory_space<vmem>>
        %dma_start3A_197 = tpu.memref_squeeze %dma_start3A_196 : memref<1x256xi32, #tpu.memory_space<vmem>> -> memref<256xi32, #tpu.memory_space<vmem>>
        %dma_start3A_198 = arith.constant 0 : i32
        %dma_start3A_199 = arith.constant 0 : i32
        %dma_start3A_200 = tpu.memref_slice %arg2[%dma_start3A_198, %dma_start3A_199] : memref<20032x64xf32, #tpu.memory_space<hbm>> -> memref<20032x64xf32, #tpu.memory_space<hbm>>
        tpu.enqueue_indirect_dma source(%dma_start3A_200 : memref<20032x64xf32, #tpu.memory_space<hbm>>) target(%dma_start3A_194 : memref<256x64xf32, #tpu.memory_space<vmem>>) offsets(%dma_start3A_197 : memref<256xi32, #tpu.memory_space<vmem>>) semaphore(%arg12 : memref<!tpu.dma_semaphore, #tpu.memory_space<semaphore_mem>>)
      } else {
      }
    }
    %scan3A_30 = arith.constant 26 : i32
    %dma_wait3A = arith.constant 78 : i32
    %dma_wait3A_31 = arith.constant 0 : i32
    %dma_wait3A_32 = arith.constant 0 : i32
    %dma_wait3A_33 = arith.constant 0 : i32
    %dma_wait3A_34 = tpu.memref_slice %arg9[%dma_wait3A_31, %dma_wait3A_32, %dma_wait3A_33] : memref<3x256x64xf32, #tpu.memory_space<vmem>> -> memref<1x256x64xf32, #tpu.memory_space<vmem>>
    %dma_wait3A_35 = tpu.memref_squeeze %dma_wait3A_34 : memref<1x256x64xf32, #tpu.memory_space<vmem>> -> memref<256x64xf32, #tpu.memory_space<vmem>>
    %dma_wait3A_36 = arith.constant 0 : i32
    %dma_wait3A_37 = tpu.memref_slice %arg7[%dma_wait3A, %dma_wait3A_36] : memref<79x256xi32, #tpu.memory_space<vmem>> -> memref<1x256xi32, #tpu.memory_space<vmem>>
    %dma_wait3A_38 = tpu.memref_squeeze %dma_wait3A_37 : memref<1x256xi32, #tpu.memory_space<vmem>> -> memref<256xi32, #tpu.memory_space<vmem>>
    %dma_wait3A_39 = arith.constant 0 : i32
    %dma_wait3A_40 = arith.constant 0 : i32
    %dma_wait3A_41 = tpu.memref_slice %arg2[%dma_wait3A_39, %dma_wait3A_40] : memref<20032x64xf32, #tpu.memory_space<hbm>> -> memref<20032x64xf32, #tpu.memory_space<hbm>>
    tpu.wait_indirect_dma semaphore(%arg11 : memref<!tpu.dma_semaphore, #tpu.memory_space<semaphore_mem>>) src(%dma_wait3A_41 : memref<20032x64xf32, #tpu.memory_space<hbm>>) dst(%dma_wait3A_35 : memref<256x64xf32, #tpu.memory_space<vmem>>)
    %dma_start3A_42 = arith.constant 0 : i32
    %dma_start3A_43 = arith.constant 78 : i32
    %dma_start3A_44 = arith.constant 0 : i32
    %dma_start3A_45 = arith.constant 0 : i32
    %dma_start3A_46 = tpu.memref_slice %arg9[%dma_start3A_42, %dma_start3A_44, %dma_start3A_45] : memref<3x256x64xf32, #tpu.memory_space<vmem>> -> memref<1x256x64xf32, #tpu.memory_space<vmem>>
    %dma_start3A_47 = tpu.memref_squeeze %dma_start3A_46 : memref<1x256x64xf32, #tpu.memory_space<vmem>> -> memref<256x64xf32, #tpu.memory_space<vmem>>
    %dma_start3A_48 = arith.constant 0 : i32
    %dma_start3A_49 = tpu.memref_slice %arg8[%dma_start3A_43, %dma_start3A_48] : memref<79x256xi32, #tpu.memory_space<vmem>> -> memref<1x256xi32, #tpu.memory_space<vmem>>
    %dma_start3A_50 = tpu.memref_squeeze %dma_start3A_49 : memref<1x256xi32, #tpu.memory_space<vmem>> -> memref<256xi32, #tpu.memory_space<vmem>>
    %dma_start3A_51 = arith.constant 0 : i32
    %dma_start3A_52 = arith.constant 0 : i32
    %dma_start3A_53 = tpu.memref_slice %arg10[%dma_start3A_51, %dma_start3A_52] : memref<10016x64xf32, #tpu.memory_space<vmem_shared>> -> memref<10016x64xf32, #tpu.memory_space<vmem_shared>>
    tpu.enqueue_indirect_dma source(%dma_start3A_47 : memref<256x64xf32, #tpu.memory_space<vmem>>) target(%dma_start3A_53 : memref<10016x64xf32, #tpu.memory_space<vmem_shared>>) offsets(%dma_start3A_50 : memref<256xi32, #tpu.memory_space<vmem>>) semaphore(%arg14 : memref<!tpu.dma_semaphore, #tpu.memory_space<semaphore_mem>>) {add = true}
    %dma_wait3A_54 = arith.constant 1 : i32
    %dma_wait3A_55 = arith.constant 76 : i32
    %dma_wait3A_56 = arith.constant 0 : i32
    %dma_wait3A_57 = arith.constant 0 : i32
    %dma_wait3A_58 = tpu.memref_slice %arg9[%dma_wait3A_54, %dma_wait3A_56, %dma_wait3A_57] : memref<3x256x64xf32, #tpu.memory_space<vmem>> -> memref<1x256x64xf32, #tpu.memory_space<vmem>>
    %dma_wait3A_59 = tpu.memref_squeeze %dma_wait3A_58 : memref<1x256x64xf32, #tpu.memory_space<vmem>> -> memref<256x64xf32, #tpu.memory_space<vmem>>
    %dma_wait3A_60 = arith.constant 0 : i32
    %dma_wait3A_61 = tpu.memref_slice %arg8[%dma_wait3A_55, %dma_wait3A_60] : memref<79x256xi32, #tpu.memory_space<vmem>> -> memref<1x256xi32, #tpu.memory_space<vmem>>
    %dma_wait3A_62 = tpu.memref_squeeze %dma_wait3A_61 : memref<1x256xi32, #tpu.memory_space<vmem>> -> memref<256xi32, #tpu.memory_space<vmem>>
    %dma_wait3A_63 = arith.constant 0 : i32
    %dma_wait3A_64 = arith.constant 0 : i32
    %dma_wait3A_65 = tpu.memref_slice %arg10[%dma_wait3A_63, %dma_wait3A_64] : memref<10016x64xf32, #tpu.memory_space<vmem_shared>> -> memref<10016x64xf32, #tpu.memory_space<vmem_shared>>
    tpu.wait_indirect_dma semaphore(%arg15 : memref<!tpu.dma_semaphore, #tpu.memory_space<semaphore_mem>>) src(%dma_wait3A_59 : memref<256x64xf32, #tpu.memory_space<vmem>>) dst(%dma_wait3A_65 : memref<10016x64xf32, #tpu.memory_space<vmem_shared>>)
    %dma_wait3A_66 = arith.constant 2 : i32
    %dma_wait3A_67 = arith.constant 77 : i32
    %dma_wait3A_68 = arith.constant 0 : i32
    %dma_wait3A_69 = arith.constant 0 : i32
    %dma_wait3A_70 = tpu.memref_slice %arg9[%dma_wait3A_66, %dma_wait3A_68, %dma_wait3A_69] : memref<3x256x64xf32, #tpu.memory_space<vmem>> -> memref<1x256x64xf32, #tpu.memory_space<vmem>>
    %dma_wait3A_71 = tpu.memref_squeeze %dma_wait3A_70 : memref<1x256x64xf32, #tpu.memory_space<vmem>> -> memref<256x64xf32, #tpu.memory_space<vmem>>
    %dma_wait3A_72 = arith.constant 0 : i32
    %dma_wait3A_73 = tpu.memref_slice %arg8[%dma_wait3A_67, %dma_wait3A_72] : memref<79x256xi32, #tpu.memory_space<vmem>> -> memref<1x256xi32, #tpu.memory_space<vmem>>
    %dma_wait3A_74 = tpu.memref_squeeze %dma_wait3A_73 : memref<1x256xi32, #tpu.memory_space<vmem>> -> memref<256xi32, #tpu.memory_space<vmem>>
    %dma_wait3A_75 = arith.constant 0 : i32
    %dma_wait3A_76 = arith.constant 0 : i32
    %dma_wait3A_77 = tpu.memref_slice %arg10[%dma_wait3A_75, %dma_wait3A_76] : memref<10016x64xf32, #tpu.memory_space<vmem_shared>> -> memref<10016x64xf32, #tpu.memory_space<vmem_shared>>
    tpu.wait_indirect_dma semaphore(%arg16 : memref<!tpu.dma_semaphore, #tpu.memory_space<semaphore_mem>>) src(%dma_wait3A_71 : memref<256x64xf32, #tpu.memory_space<vmem>>) dst(%dma_wait3A_77 : memref<10016x64xf32, #tpu.memory_space<vmem_shared>>)
    %dma_wait3A_78 = arith.constant 0 : i32
    %dma_wait3A_79 = arith.constant 78 : i32
    %dma_wait3A_80 = arith.constant 0 : i32
    %dma_wait3A_81 = arith.constant 0 : i32
    %dma_wait3A_82 = tpu.memref_slice %arg9[%dma_wait3A_78, %dma_wait3A_80, %dma_wait3A_81] : memref<3x256x64xf32, #tpu.memory_space<vmem>> -> memref<1x256x64xf32, #tpu.memory_space<vmem>>
    %dma_wait3A_83 = tpu.memref_squeeze %dma_wait3A_82 : memref<1x256x64xf32, #tpu.memory_space<vmem>> -> memref<256x64xf32, #tpu.memory_space<vmem>>
    %dma_wait3A_84 = arith.constant 0 : i32
    %dma_wait3A_85 = tpu.memref_slice %arg8[%dma_wait3A_79, %dma_wait3A_84] : memref<79x256xi32, #tpu.memory_space<vmem>> -> memref<1x256xi32, #tpu.memory_space<vmem>>
    %dma_wait3A_86 = tpu.memref_squeeze %dma_wait3A_85 : memref<1x256xi32, #tpu.memory_space<vmem>> -> memref<256xi32, #tpu.memory_space<vmem>>
    %dma_wait3A_87 = arith.constant 0 : i32
    %dma_wait3A_88 = arith.constant 0 : i32
    %dma_wait3A_89 = tpu.memref_slice %arg10[%dma_wait3A_87, %dma_wait3A_88] : memref<10016x64xf32, #tpu.memory_space<vmem_shared>> -> memref<10016x64xf32, #tpu.memory_space<vmem_shared>>
    tpu.wait_indirect_dma semaphore(%arg14 : memref<!tpu.dma_semaphore, #tpu.memory_space<semaphore_mem>>) src(%dma_wait3A_83 : memref<256x64xf32, #tpu.memory_space<vmem>>) dst(%dma_wait3A_89 : memref<10016x64xf32, #tpu.memory_space<vmem_shared>>)
    %barrier3A_90 = arith.constant 0 : index
    tpu.barrier barrier_id(%barrier3A_90)
    %mul3A_91 = arith.constant 626 : i32
    %mul3A_92 = arith.muli %arg1, %mul3A_91 : i32
    "tpu.region"() ({
      %run_scoped3A = tpu.sem_alloc : memref<!tpu.dma_semaphore, #tpu.memory_space<semaphore_mem>>
      %dma_start3A_93 = arith.constant 0 : i32
      %dma_start3A_94 = arith.constant 0 : i32
      %dma_start3A_95 = tpu.memref_slice %arg6[%add3A, %dma_start3A_93, %dma_start3A_94] : memref<32x626x64xf32, #tpu.memory_space<hbm>> -> memref<1x626x64xf32, #tpu.memory_space<hbm>>
      %dma_start3A_96 = tpu.memref_squeeze %dma_start3A_95 : memref<1x626x64xf32, #tpu.memory_space<hbm>> -> memref<626x64xf32, #tpu.memory_space<hbm>>
      %dma_start3A_97 = arith.constant 0 : i32
      %dma_start3A_98 = tpu.memref_slice %arg10[%mul3A_92, %dma_start3A_97] : memref<10016x64xf32, #tpu.memory_space<vmem_shared>> -> memref<626x64xf32, #tpu.memory_space<vmem_shared>>
      tpu.enqueue_dma source(%dma_start3A_98 : memref<626x64xf32, #tpu.memory_space<vmem_shared>>) target(%dma_start3A_96 : memref<626x64xf32, #tpu.memory_space<hbm>>) target_semaphore(%run_scoped3A : memref<!tpu.dma_semaphore, #tpu.memory_space<semaphore_mem>>)
      %dma_wait3A_99 = arith.constant 0 : i32
      %dma_wait3A_100 = arith.constant 0 : i32
      %dma_wait3A_101 = tpu.memref_slice %arg6[%add3A, %dma_wait3A_99, %dma_wait3A_100] : memref<32x626x64xf32, #tpu.memory_space<hbm>> -> memref<1x626x64xf32, #tpu.memory_space<hbm>>
      %dma_wait3A_102 = tpu.memref_squeeze %dma_wait3A_101 : memref<1x626x64xf32, #tpu.memory_space<hbm>> -> memref<626x64xf32, #tpu.memory_space<hbm>>
      %dma_wait3A_103 = arith.constant 0 : i32
      %dma_wait3A_104 = tpu.memref_slice %arg10[%mul3A_92, %dma_wait3A_103] : memref<10016x64xf32, #tpu.memory_space<vmem_shared>> -> memref<626x64xf32, #tpu.memory_space<vmem_shared>>
      tpu.wait_dma2 semaphore(%run_scoped3A : memref<!tpu.dma_semaphore, #tpu.memory_space<semaphore_mem>>) src(%dma_wait3A_104 : memref<626x64xf32, #tpu.memory_space<vmem_shared>>) dst(%dma_wait3A_102 : memref<626x64xf32, #tpu.memory_space<hbm>>)
      tpu.yield
    }) : () -> ()
    return
  }
}

#map = affine_map<(d0, d1) -> (0, 0)>
#map1 = affine_map<(d0, d1) -> (0)>
module attributes {stable_mosaic.version = 14 : i64} {
  func.func @_target_gather(%arg0: i32, %arg1: i32, %arg2: memref<10016x128xf32, #tpu.memory_space<hbm>>, %arg3: memref<4096xi32, #tpu.memory_space<hbm>>, %arg4: memref<4096x128xf32, #tpu.memory_space<hbm>>, %arg5: memref<128xi32, #tpu.memory_space<vmem>>, %arg6: memref<128x128xf32, #tpu.memory_space<vmem>>, %arg7: memref<!tpu.dma_semaphore, #tpu.memory_space<semaphore_mem>>) attributes {dimension_semantics = [#tpu.dimension_semantics<core_parallel>, #tpu.dimension_semantics<subcore_parallel>], iteration_bounds = array<i64: 2, 16>, scalar_prefetch = 0 : i64, scratch_operands = 3 : i64, tpu.core_type = #tpu.core_type<sc_vector_subcore>, window_params = [{transform_indices = #map}, {transform_indices = #map1}, {transform_indices = #map}]} {
    %mul3A = arith.constant 16 : i32
    %mul3A_0 = arith.muli %arg0, %mul3A : i32
    %add3A = arith.addi %mul3A_0, %arg1 : i32
    %mul3A_1 = arith.constant 128 : i32
    %mul3A_2 = arith.muli %add3A, %mul3A_1 : i32
    "tpu.region"() ({
      %run_scoped3A = tpu.sem_alloc : memref<!tpu.dma_semaphore, #tpu.memory_space<semaphore_mem>>
      %dma_start3A_9 = tpu.memref_slice %arg3[%mul3A_2] : memref<4096xi32, #tpu.memory_space<hbm>> -> memref<128xi32, #tpu.memory_space<hbm>>
      %dma_start3A_10 = tpu.memref_slice %arg3[%mul3A_2] : memref<4096xi32, #tpu.memory_space<hbm>> -> memref<128xi32, #tpu.memory_space<hbm>>
      tpu.enqueue_dma source(%dma_start3A_10 : memref<128xi32, #tpu.memory_space<hbm>>) target(%arg5 : memref<128xi32, #tpu.memory_space<vmem>>) target_semaphore(%run_scoped3A : memref<!tpu.dma_semaphore, #tpu.memory_space<semaphore_mem>>)
      %dma_wait3A_11 = tpu.memref_slice %arg3[%mul3A_2] : memref<4096xi32, #tpu.memory_space<hbm>> -> memref<128xi32, #tpu.memory_space<hbm>>
      %dma_wait3A_12 = tpu.memref_slice %arg3[%mul3A_2] : memref<4096xi32, #tpu.memory_space<hbm>> -> memref<128xi32, #tpu.memory_space<hbm>>
      tpu.wait_dma2 semaphore(%run_scoped3A : memref<!tpu.dma_semaphore, #tpu.memory_space<semaphore_mem>>) src(%dma_wait3A_12 : memref<128xi32, #tpu.memory_space<hbm>>) dst(%arg5 : memref<128xi32, #tpu.memory_space<vmem>>)
      tpu.yield
    }) : () -> ()
    %dma_start3A = arith.constant 0 : i32
    %dma_start3A_3 = arith.constant 0 : i32
    %dma_start3A_4 = tpu.memref_slice %arg2[%dma_start3A, %dma_start3A_3] : memref<10016x128xf32, #tpu.memory_space<hbm>> -> memref<10016x128xf32, #tpu.memory_space<hbm>>
    tpu.enqueue_indirect_dma source(%dma_start3A_4 : memref<10016x128xf32, #tpu.memory_space<hbm>>) target(%arg6 : memref<128x128xf32, #tpu.memory_space<vmem>>) offsets(%arg5 : memref<128xi32, #tpu.memory_space<vmem>>) semaphore(%arg7 : memref<!tpu.dma_semaphore, #tpu.memory_space<semaphore_mem>>)
    %dma_wait3A = arith.constant 0 : i32
    %dma_wait3A_5 = arith.constant 0 : i32
    %dma_wait3A_6 = tpu.memref_slice %arg2[%dma_wait3A, %dma_wait3A_5] : memref<10016x128xf32, #tpu.memory_space<hbm>> -> memref<10016x128xf32, #tpu.memory_space<hbm>>
    tpu.wait_indirect_dma semaphore(%arg7 : memref<!tpu.dma_semaphore, #tpu.memory_space<semaphore_mem>>) src(%dma_wait3A_6 : memref<10016x128xf32, #tpu.memory_space<hbm>>) dst(%arg6 : memref<128x128xf32, #tpu.memory_space<vmem>>)
    %mul3A_7 = arith.constant 128 : i32
    %mul3A_8 = arith.muli %add3A, %mul3A_7 : i32
    "tpu.region"() ({
      %run_scoped3A = tpu.sem_alloc : memref<!tpu.dma_semaphore, #tpu.memory_space<semaphore_mem>>
      %dma_start3A_9 = arith.constant 0 : i32
      %dma_start3A_10 = tpu.memref_slice %arg4[%mul3A_8, %dma_start3A_9] : memref<4096x128xf32, #tpu.memory_space<hbm>> -> memref<128x128xf32, #tpu.memory_space<hbm>>
      %dma_start3A_11 = arith.constant 0 : i32
      %dma_start3A_12 = tpu.memref_slice %arg4[%mul3A_8, %dma_start3A_11] : memref<4096x128xf32, #tpu.memory_space<hbm>> -> memref<128x128xf32, #tpu.memory_space<hbm>>
      tpu.enqueue_dma source(%arg6 : memref<128x128xf32, #tpu.memory_space<vmem>>) target(%dma_start3A_12 : memref<128x128xf32, #tpu.memory_space<hbm>>) target_semaphore(%run_scoped3A : memref<!tpu.dma_semaphore, #tpu.memory_space<semaphore_mem>>)
      %dma_wait3A_13 = arith.constant 0 : i32
      %dma_wait3A_14 = tpu.memref_slice %arg4[%mul3A_8, %dma_wait3A_13] : memref<4096x128xf32, #tpu.memory_space<hbm>> -> memref<128x128xf32, #tpu.memory_space<hbm>>
      %dma_wait3A_15 = arith.constant 0 : i32
      %dma_wait3A_16 = tpu.memref_slice %arg4[%mul3A_8, %dma_wait3A_15] : memref<4096x128xf32, #tpu.memory_space<hbm>> -> memref<128x128xf32, #tpu.memory_space<hbm>>
      tpu.wait_dma2 semaphore(%run_scoped3A : memref<!tpu.dma_semaphore, #tpu.memory_space<semaphore_mem>>) src(%arg6 : memref<128x128xf32, #tpu.memory_space<vmem>>) dst(%dma_wait3A_16 : memref<128x128xf32, #tpu.memory_space<hbm>>)
      tpu.yield
    }) : () -> ()
    return
  }
}

#map = affine_map<(d0, d1) -> (0, 0, 0)>
#map1 = affine_map<(d0, d1) -> (0, 0)>
module attributes {stable_mosaic.version = 14 : i64} {
  func.func @_deg_kernel(%arg0: i32, %arg1: i32, %arg2: memref<32x20x512xi32, #tpu.memory_space<hbm>>, %arg3: memref<512x16xf32, #tpu.memory_space<hbm>>, %arg4: memref<626x16xf32, #tpu.memory_space<hbm>>, %arg5: memref<32x626x16xf32, #tpu.memory_space<hbm>>, %arg6: memref<20x512xi32, #tpu.memory_space<vmem>>, %arg7: memref<512x16xf32, #tpu.memory_space<vmem>>, %arg8: memref<10016x16xf32, #tpu.memory_space<vmem_shared>>) attributes {dimension_semantics = [#tpu.dimension_semantics<core_parallel>, #tpu.dimension_semantics<subcore_parallel>], iteration_bounds = array<i64: 2, 16>, scalar_prefetch = 0 : i64, scratch_operands = 3 : i64, tpu.core_type = #tpu.core_type<sc_vector_subcore>, window_params = [{transform_indices = #map}, {transform_indices = #map1}, {transform_indices = #map1}, {transform_indices = #map}]} {
    %mul3A = arith.constant 16 : i32
    %mul3A_0 = arith.muli %arg0, %mul3A : i32
    %add3A = arith.addi %mul3A_0, %arg1 : i32
    "tpu.region"() ({
      %run_scoped3A = tpu.sem_alloc : memref<!tpu.dma_semaphore, #tpu.memory_space<semaphore_mem>>
      %dma_start3A = arith.constant 0 : i32
      %dma_start3A_11 = arith.constant 0 : i32
      %dma_start3A_12 = tpu.memref_slice %arg2[%add3A, %dma_start3A, %dma_start3A_11] : memref<32x20x512xi32, #tpu.memory_space<hbm>> -> memref<1x20x512xi32, #tpu.memory_space<hbm>>
      %dma_start3A_13 = tpu.memref_squeeze %dma_start3A_12 : memref<1x20x512xi32, #tpu.memory_space<hbm>> -> memref<20x512xi32, #tpu.memory_space<hbm>>
      %dma_start3A_14 = arith.constant 0 : i32
      %dma_start3A_15 = arith.constant 0 : i32
      %dma_start3A_16 = tpu.memref_slice %arg2[%add3A, %dma_start3A_14, %dma_start3A_15] : memref<32x20x512xi32, #tpu.memory_space<hbm>> -> memref<1x20x512xi32, #tpu.memory_space<hbm>>
      %dma_start3A_17 = tpu.memref_squeeze %dma_start3A_16 : memref<1x20x512xi32, #tpu.memory_space<hbm>> -> memref<20x512xi32, #tpu.memory_space<hbm>>
      tpu.enqueue_dma source(%dma_start3A_17 : memref<20x512xi32, #tpu.memory_space<hbm>>) target(%arg6 : memref<20x512xi32, #tpu.memory_space<vmem>>) target_semaphore(%run_scoped3A : memref<!tpu.dma_semaphore, #tpu.memory_space<semaphore_mem>>)
      %dma_wait3A = arith.constant 0 : i32
      %dma_wait3A_18 = arith.constant 0 : i32
      %dma_wait3A_19 = tpu.memref_slice %arg2[%add3A, %dma_wait3A, %dma_wait3A_18] : memref<32x20x512xi32, #tpu.memory_space<hbm>> -> memref<1x20x512xi32, #tpu.memory_space<hbm>>
      %dma_wait3A_20 = tpu.memref_squeeze %dma_wait3A_19 : memref<1x20x512xi32, #tpu.memory_space<hbm>> -> memref<20x512xi32, #tpu.memory_space<hbm>>
      %dma_wait3A_21 = arith.constant 0 : i32
      %dma_wait3A_22 = arith.constant 0 : i32
      %dma_wait3A_23 = tpu.memref_slice %arg2[%add3A, %dma_wait3A_21, %dma_wait3A_22] : memref<32x20x512xi32, #tpu.memory_space<hbm>> -> memref<1x20x512xi32, #tpu.memory_space<hbm>>
      %dma_wait3A_24 = tpu.memref_squeeze %dma_wait3A_23 : memref<1x20x512xi32, #tpu.memory_space<hbm>> -> memref<20x512xi32, #tpu.memory_space<hbm>>
      tpu.wait_dma2 semaphore(%run_scoped3A : memref<!tpu.dma_semaphore, #tpu.memory_space<semaphore_mem>>) src(%dma_wait3A_24 : memref<20x512xi32, #tpu.memory_space<hbm>>) dst(%arg6 : memref<20x512xi32, #tpu.memory_space<vmem>>)
      tpu.yield
    }) : () -> ()
    "tpu.region"() ({
      %run_scoped3A = tpu.sem_alloc : memref<!tpu.dma_semaphore, #tpu.memory_space<semaphore_mem>>
      tpu.enqueue_dma source(%arg3 : memref<512x16xf32, #tpu.memory_space<hbm>>) target(%arg7 : memref<512x16xf32, #tpu.memory_space<vmem>>) target_semaphore(%run_scoped3A : memref<!tpu.dma_semaphore, #tpu.memory_space<semaphore_mem>>)
      tpu.wait_dma2 semaphore(%run_scoped3A : memref<!tpu.dma_semaphore, #tpu.memory_space<semaphore_mem>>) src(%arg3 : memref<512x16xf32, #tpu.memory_space<hbm>>) dst(%arg7 : memref<512x16xf32, #tpu.memory_space<vmem>>)
      tpu.yield
    }) : () -> ()
    %mul3A_1 = arith.constant 626 : i32
    %mul3A_2 = arith.muli %arg1, %mul3A_1 : i32
    "tpu.region"() ({
      %run_scoped3A = tpu.sem_alloc : memref<!tpu.dma_semaphore, #tpu.memory_space<semaphore_mem>>
      %dma_start3A = arith.constant 0 : i32
      %dma_start3A_11 = tpu.memref_slice %arg8[%mul3A_2, %dma_start3A] : memref<10016x16xf32, #tpu.memory_space<vmem_shared>> -> memref<626x16xf32, #tpu.memory_space<vmem_shared>>
      tpu.enqueue_dma source(%arg4 : memref<626x16xf32, #tpu.memory_space<hbm>>) target(%dma_start3A_11 : memref<626x16xf32, #tpu.memory_space<vmem_shared>>) target_semaphore(%run_scoped3A : memref<!tpu.dma_semaphore, #tpu.memory_space<semaphore_mem>>)
      %dma_wait3A = arith.constant 0 : i32
      %dma_wait3A_12 = tpu.memref_slice %arg8[%mul3A_2, %dma_wait3A] : memref<10016x16xf32, #tpu.memory_space<vmem_shared>> -> memref<626x16xf32, #tpu.memory_space<vmem_shared>>
      tpu.wait_dma2 semaphore(%run_scoped3A : memref<!tpu.dma_semaphore, #tpu.memory_space<semaphore_mem>>) src(%arg4 : memref<626x16xf32, #tpu.memory_space<hbm>>) dst(%dma_wait3A_12 : memref<626x16xf32, #tpu.memory_space<vmem_shared>>)
      tpu.yield
    }) : () -> ()
    %barrier3A = arith.constant 0 : index
    tpu.barrier barrier_id(%barrier3A)
    %scan3A = arith.constant 0 : i32
    %scan3A_3 = arith.constant 0 : i32
    %scan3A_4 = arith.constant 20 : i32
    %scan3A_5 = arith.addi %scan3A_3, %scan3A_4 : i32
    %scan3A_6 = arith.constant 1 : i32
    scf.for %scan3A_11 = %scan3A_3 to %scan3A_5 step %scan3A_6  : i32 {
      "tpu.region"() ({
        %run_scoped3A = tpu.sem_alloc : memref<!tpu.dma_semaphore, #tpu.memory_space<semaphore_mem>>
        %dma_start3A = arith.constant 0 : i32
        %dma_start3A_12 = tpu.memref_slice %arg6[%scan3A_11, %dma_start3A] : memref<20x512xi32, #tpu.memory_space<vmem>> -> memref<1x512xi32, #tpu.memory_space<vmem>>
        %dma_start3A_13 = tpu.memref_squeeze %dma_start3A_12 : memref<1x512xi32, #tpu.memory_space<vmem>> -> memref<512xi32, #tpu.memory_space<vmem>>
        %dma_start3A_14 = arith.constant 0 : i32
        %dma_start3A_15 = arith.constant 0 : i32
        %dma_start3A_16 = tpu.memref_slice %arg8[%dma_start3A_14, %dma_start3A_15] : memref<10016x16xf32, #tpu.memory_space<vmem_shared>> -> memref<10016x16xf32, #tpu.memory_space<vmem_shared>>
        tpu.enqueue_indirect_dma source(%arg7 : memref<512x16xf32, #tpu.memory_space<vmem>>) target(%dma_start3A_16 : memref<10016x16xf32, #tpu.memory_space<vmem_shared>>) offsets(%dma_start3A_13 : memref<512xi32, #tpu.memory_space<vmem>>) semaphore(%run_scoped3A : memref<!tpu.dma_semaphore, #tpu.memory_space<semaphore_mem>>) {add = true}
        %dma_wait3A = arith.constant 0 : i32
        %dma_wait3A_17 = tpu.memref_slice %arg6[%scan3A_11, %dma_wait3A] : memref<20x512xi32, #tpu.memory_space<vmem>> -> memref<1x512xi32, #tpu.memory_space<vmem>>
        %dma_wait3A_18 = tpu.memref_squeeze %dma_wait3A_17 : memref<1x512xi32, #tpu.memory_space<vmem>> -> memref<512xi32, #tpu.memory_space<vmem>>
        %dma_wait3A_19 = arith.constant 0 : i32
        %dma_wait3A_20 = arith.constant 0 : i32
        %dma_wait3A_21 = tpu.memref_slice %arg8[%dma_wait3A_19, %dma_wait3A_20] : memref<10016x16xf32, #tpu.memory_space<vmem_shared>> -> memref<10016x16xf32, #tpu.memory_space<vmem_shared>>
        tpu.wait_indirect_dma semaphore(%run_scoped3A : memref<!tpu.dma_semaphore, #tpu.memory_space<semaphore_mem>>) src(%arg7 : memref<512x16xf32, #tpu.memory_space<vmem>>) dst(%dma_wait3A_21 : memref<10016x16xf32, #tpu.memory_space<vmem_shared>>)
        tpu.yield
      }) : () -> ()
    }
    %scan3A_7 = arith.constant 20 : i32
    %barrier3A_8 = arith.constant 0 : index
    tpu.barrier barrier_id(%barrier3A_8)
    %mul3A_9 = arith.constant 626 : i32
    %mul3A_10 = arith.muli %arg1, %mul3A_9 : i32
    "tpu.region"() ({
      %run_scoped3A = tpu.sem_alloc : memref<!tpu.dma_semaphore, #tpu.memory_space<semaphore_mem>>
      %dma_start3A = arith.constant 0 : i32
      %dma_start3A_11 = arith.constant 0 : i32
      %dma_start3A_12 = tpu.memref_slice %arg5[%add3A, %dma_start3A, %dma_start3A_11] : memref<32x626x16xf32, #tpu.memory_space<hbm>> -> memref<1x626x16xf32, #tpu.memory_space<hbm>>
      %dma_start3A_13 = tpu.memref_squeeze %dma_start3A_12 : memref<1x626x16xf32, #tpu.memory_space<hbm>> -> memref<626x16xf32, #tpu.memory_space<hbm>>
      %dma_start3A_14 = arith.constant 0 : i32
      %dma_start3A_15 = tpu.memref_slice %arg8[%mul3A_10, %dma_start3A_14] : memref<10016x16xf32, #tpu.memory_space<vmem_shared>> -> memref<626x16xf32, #tpu.memory_space<vmem_shared>>
      tpu.enqueue_dma source(%dma_start3A_15 : memref<626x16xf32, #tpu.memory_space<vmem_shared>>) target(%dma_start3A_13 : memref<626x16xf32, #tpu.memory_space<hbm>>) target_semaphore(%run_scoped3A : memref<!tpu.dma_semaphore, #tpu.memory_space<semaphore_mem>>)
      %dma_wait3A = arith.constant 0 : i32
      %dma_wait3A_16 = arith.constant 0 : i32
      %dma_wait3A_17 = tpu.memref_slice %arg5[%add3A, %dma_wait3A, %dma_wait3A_16] : memref<32x626x16xf32, #tpu.memory_space<hbm>> -> memref<1x626x16xf32, #tpu.memory_space<hbm>>
      %dma_wait3A_18 = tpu.memref_squeeze %dma_wait3A_17 : memref<1x626x16xf32, #tpu.memory_space<hbm>> -> memref<626x16xf32, #tpu.memory_space<hbm>>
      %dma_wait3A_19 = arith.constant 0 : i32
      %dma_wait3A_20 = tpu.memref_slice %arg8[%mul3A_10, %dma_wait3A_19] : memref<10016x16xf32, #tpu.memory_space<vmem_shared>> -> memref<626x16xf32, #tpu.memory_space<vmem_shared>>
      tpu.wait_dma2 semaphore(%run_scoped3A : memref<!tpu.dma_semaphore, #tpu.memory_space<semaphore_mem>>) src(%dma_wait3A_20 : memref<626x16xf32, #tpu.memory_space<vmem_shared>>) dst(%dma_wait3A_18 : memref<626x16xf32, #tpu.memory_space<hbm>>)
      tpu.yield
    }) : () -> ()
    return
  }
}

#map = affine_map<(d0, d1) -> (0, 0)>
#map1 = affine_map<(d0, d1) -> (0, 0, 0)>
module attributes {stable_mosaic.version = 14 : i64} {
  func.func @_edge_kernel(%arg0: i32, %arg1: i32, %arg2: memref<20032x64xf32, #tpu.memory_space<hbm>>, %arg3: memref<32x79x256xi32, #tpu.memory_space<hbm>>, %arg4: memref<32x79x256xi32, #tpu.memory_space<hbm>>, %arg5: memref<626x64xf32, #tpu.memory_space<hbm>>, %arg6: memref<32x626x64xf32, #tpu.memory_space<hbm>>, %arg7: memref<79x256xi32, #tpu.memory_space<vmem>>, %arg8: memref<79x256xi32, #tpu.memory_space<vmem>>, %arg9: memref<3x256x64xf32, #tpu.memory_space<vmem>>, %arg10: memref<10016x64xf32, #tpu.memory_space<vmem_shared>>, %arg11: memref<!tpu.dma_semaphore, #tpu.memory_space<semaphore_mem>>, %arg12: memref<!tpu.dma_semaphore, #tpu.memory_space<semaphore_mem>>, %arg13: memref<!tpu.dma_semaphore, #tpu.memory_space<semaphore_mem>>, %arg14: memref<!tpu.dma_semaphore, #tpu.memory_space<semaphore_mem>>, %arg15: memref<!tpu.dma_semaphore, #tpu.memory_space<semaphore_mem>>, %arg16: memref<!tpu.dma_semaphore, #tpu.memory_space<semaphore_mem>>) attributes {dimension_semantics = [#tpu.dimension_semantics<core_parallel>, #tpu.dimension_semantics<subcore_parallel>], iteration_bounds = array<i64: 2, 16>, scalar_prefetch = 0 : i64, scratch_operands = 10 : i64, tpu.core_type = #tpu.core_type<sc_vector_subcore>, window_params = [{transform_indices = #map}, {transform_indices = #map1}, {transform_indices = #map1}, {transform_indices = #map}, {transform_indices = #map1}]} {
    %mul3A = arith.constant 16 : i32
    %mul3A_0 = arith.muli %arg0, %mul3A : i32
    %add3A = arith.addi %mul3A_0, %arg1 : i32
    "tpu.region"() ({
      %run_scoped3A = tpu.sem_alloc : memref<!tpu.dma_semaphore, #tpu.memory_space<semaphore_mem>>
      %dma_start3A_93 = arith.constant 0 : i32
      %dma_start3A_94 = arith.constant 0 : i32
      %dma_start3A_95 = tpu.memref_slice %arg3[%add3A, %dma_start3A_93, %dma_start3A_94] : memref<32x79x256xi32, #tpu.memory_space<hbm>> -> memref<1x79x256xi32, #tpu.memory_space<hbm>>
      %dma_start3A_96 = tpu.memref_squeeze %dma_start3A_95 : memref<1x79x256xi32, #tpu.memory_space<hbm>> -> memref<79x256xi32, #tpu.memory_space<hbm>>
      %dma_start3A_97 = arith.constant 0 : i32
      %dma_start3A_98 = arith.constant 0 : i32
      %dma_start3A_99 = tpu.memref_slice %arg3[%add3A, %dma_start3A_97, %dma_start3A_98] : memref<32x79x256xi32, #tpu.memory_space<hbm>> -> memref<1x79x256xi32, #tpu.memory_space<hbm>>
      %dma_start3A_100 = tpu.memref_squeeze %dma_start3A_99 : memref<1x79x256xi32, #tpu.memory_space<hbm>> -> memref<79x256xi32, #tpu.memory_space<hbm>>
      tpu.enqueue_dma source(%dma_start3A_100 : memref<79x256xi32, #tpu.memory_space<hbm>>) target(%arg7 : memref<79x256xi32, #tpu.memory_space<vmem>>) target_semaphore(%run_scoped3A : memref<!tpu.dma_semaphore, #tpu.memory_space<semaphore_mem>>)
      %dma_wait3A_101 = arith.constant 0 : i32
      %dma_wait3A_102 = arith.constant 0 : i32
      %dma_wait3A_103 = tpu.memref_slice %arg3[%add3A, %dma_wait3A_101, %dma_wait3A_102] : memref<32x79x256xi32, #tpu.memory_space<hbm>> -> memref<1x79x256xi32, #tpu.memory_space<hbm>>
      %dma_wait3A_104 = tpu.memref_squeeze %dma_wait3A_103 : memref<1x79x256xi32, #tpu.memory_space<hbm>> -> memref<79x256xi32, #tpu.memory_space<hbm>>
      %dma_wait3A_105 = arith.constant 0 : i32
      %dma_wait3A_106 = arith.constant 0 : i32
      %dma_wait3A_107 = tpu.memref_slice %arg3[%add3A, %dma_wait3A_105, %dma_wait3A_106] : memref<32x79x256xi32, #tpu.memory_space<hbm>> -> memref<1x79x256xi32, #tpu.memory_space<hbm>>
      %dma_wait3A_108 = tpu.memref_squeeze %dma_wait3A_107 : memref<1x79x256xi32, #tpu.memory_space<hbm>> -> memref<79x256xi32, #tpu.memory_space<hbm>>
      tpu.wait_dma2 semaphore(%run_scoped3A : memref<!tpu.dma_semaphore, #tpu.memory_space<semaphore_mem>>) src(%dma_wait3A_108 : memref<79x256xi32, #tpu.memory_space<hbm>>) dst(%arg7 : memref<79x256xi32, #tpu.memory_space<vmem>>)
      tpu.yield
    }) : () -> ()
    "tpu.region"() ({
      %run_scoped3A = tpu.sem_alloc : memref<!tpu.dma_semaphore, #tpu.memory_space<semaphore_mem>>
      %dma_start3A_93 = arith.constant 0 : i32
      %dma_start3A_94 = arith.constant 0 : i32
      %dma_start3A_95 = tpu.memref_slice %arg4[%add3A, %dma_start3A_93, %dma_start3A_94] : memref<32x79x256xi32, #tpu.memory_space<hbm>> -> memref<1x79x256xi32, #tpu.memory_space<hbm>>
      %dma_start3A_96 = tpu.memref_squeeze %dma_start3A_95 : memref<1x79x256xi32, #tpu.memory_space<hbm>> -> memref<79x256xi32, #tpu.memory_space<hbm>>
      %dma_start3A_97 = arith.constant 0 : i32
      %dma_start3A_98 = arith.constant 0 : i32
      %dma_start3A_99 = tpu.memref_slice %arg4[%add3A, %dma_start3A_97, %dma_start3A_98] : memref<32x79x256xi32, #tpu.memory_space<hbm>> -> memref<1x79x256xi32, #tpu.memory_space<hbm>>
      %dma_start3A_100 = tpu.memref_squeeze %dma_start3A_99 : memref<1x79x256xi32, #tpu.memory_space<hbm>> -> memref<79x256xi32, #tpu.memory_space<hbm>>
      tpu.enqueue_dma source(%dma_start3A_100 : memref<79x256xi32, #tpu.memory_space<hbm>>) target(%arg8 : memref<79x256xi32, #tpu.memory_space<vmem>>) target_semaphore(%run_scoped3A : memref<!tpu.dma_semaphore, #tpu.memory_space<semaphore_mem>>)
      %dma_wait3A_101 = arith.constant 0 : i32
      %dma_wait3A_102 = arith.constant 0 : i32
      %dma_wait3A_103 = tpu.memref_slice %arg4[%add3A, %dma_wait3A_101, %dma_wait3A_102] : memref<32x79x256xi32, #tpu.memory_space<hbm>> -> memref<1x79x256xi32, #tpu.memory_space<hbm>>
      %dma_wait3A_104 = tpu.memref_squeeze %dma_wait3A_103 : memref<1x79x256xi32, #tpu.memory_space<hbm>> -> memref<79x256xi32, #tpu.memory_space<hbm>>
      %dma_wait3A_105 = arith.constant 0 : i32
      %dma_wait3A_106 = arith.constant 0 : i32
      %dma_wait3A_107 = tpu.memref_slice %arg4[%add3A, %dma_wait3A_105, %dma_wait3A_106] : memref<32x79x256xi32, #tpu.memory_space<hbm>> -> memref<1x79x256xi32, #tpu.memory_space<hbm>>
      %dma_wait3A_108 = tpu.memref_squeeze %dma_wait3A_107 : memref<1x79x256xi32, #tpu.memory_space<hbm>> -> memref<79x256xi32, #tpu.memory_space<hbm>>
      tpu.wait_dma2 semaphore(%run_scoped3A : memref<!tpu.dma_semaphore, #tpu.memory_space<semaphore_mem>>) src(%dma_wait3A_108 : memref<79x256xi32, #tpu.memory_space<hbm>>) dst(%arg8 : memref<79x256xi32, #tpu.memory_space<vmem>>)
      tpu.yield
    }) : () -> ()
    %mul3A_1 = arith.constant 626 : i32
    %mul3A_2 = arith.muli %arg1, %mul3A_1 : i32
    "tpu.region"() ({
      %run_scoped3A = tpu.sem_alloc : memref<!tpu.dma_semaphore, #tpu.memory_space<semaphore_mem>>
      %dma_start3A_93 = arith.constant 0 : i32
      %dma_start3A_94 = tpu.memref_slice %arg10[%mul3A_2, %dma_start3A_93] : memref<10016x64xf32, #tpu.memory_space<vmem_shared>> -> memref<626x64xf32, #tpu.memory_space<vmem_shared>>
      tpu.enqueue_dma source(%arg5 : memref<626x64xf32, #tpu.memory_space<hbm>>) target(%dma_start3A_94 : memref<626x64xf32, #tpu.memory_space<vmem_shared>>) target_semaphore(%run_scoped3A : memref<!tpu.dma_semaphore, #tpu.memory_space<semaphore_mem>>)
      %dma_wait3A_95 = arith.constant 0 : i32
      %dma_wait3A_96 = tpu.memref_slice %arg10[%mul3A_2, %dma_wait3A_95] : memref<10016x64xf32, #tpu.memory_space<vmem_shared>> -> memref<626x64xf32, #tpu.memory_space<vmem_shared>>
      tpu.wait_dma2 semaphore(%run_scoped3A : memref<!tpu.dma_semaphore, #tpu.memory_space<semaphore_mem>>) src(%arg5 : memref<626x64xf32, #tpu.memory_space<hbm>>) dst(%dma_wait3A_96 : memref<626x64xf32, #tpu.memory_space<vmem_shared>>)
      tpu.yield
    }) : () -> ()
    %barrier3A = arith.constant 0 : index
    tpu.barrier barrier_id(%barrier3A)
    %dma_start3A = arith.constant 0 : i32
    %dma_start3A_3 = arith.constant 0 : i32
    %dma_start3A_4 = arith.constant 0 : i32
    %dma_start3A_5 = arith.constant 0 : i32
    %dma_start3A_6 = tpu.memref_slice %arg9[%dma_start3A_3, %dma_start3A_4, %dma_start3A_5] : memref<3x256x64xf32, #tpu.memory_space<vmem>> -> memref<1x256x64xf32, #tpu.memory_space<vmem>>
    %dma_start3A_7 = tpu.memref_squeeze %dma_start3A_6 : memref<1x256x64xf32, #tpu.memory_space<vmem>> -> memref<256x64xf32, #tpu.memory_space<vmem>>
    %dma_start3A_8 = arith.constant 0 : i32
    %dma_start3A_9 = tpu.memref_slice %arg7[%dma_start3A, %dma_start3A_8] : memref<79x256xi32, #tpu.memory_space<vmem>> -> memref<1x256xi32, #tpu.memory_space<vmem>>
    %dma_start3A_10 = tpu.memref_squeeze %dma_start3A_9 : memref<1x256xi32, #tpu.memory_space<vmem>> -> memref<256xi32, #tpu.memory_space<vmem>>
    %dma_start3A_11 = arith.constant 0 : i32
    %dma_start3A_12 = arith.constant 0 : i32
    %dma_start3A_13 = tpu.memref_slice %arg2[%dma_start3A_11, %dma_start3A_12] : memref<20032x64xf32, #tpu.memory_space<hbm>> -> memref<20032x64xf32, #tpu.memory_space<hbm>>
    tpu.enqueue_indirect_dma source(%dma_start3A_13 : memref<20032x64xf32, #tpu.memory_space<hbm>>) target(%dma_start3A_7 : memref<256x64xf32, #tpu.memory_space<vmem>>) offsets(%dma_start3A_10 : memref<256xi32, #tpu.memory_space<vmem>>) semaphore(%arg11 : memref<!tpu.dma_semaphore, #tpu.memory_space<semaphore_mem>>)
    %dma_start3A_14 = arith.constant 1 : i32
    %dma_start3A_15 = arith.constant 1 : i32
    %dma_start3A_16 = arith.constant 0 : i32
    %dma_start3A_17 = arith.constant 0 : i32
    %dma_start3A_18 = tpu.memref_slice %arg9[%dma_start3A_15, %dma_start3A_16, %dma_start3A_17] : memref<3x256x64xf32, #tpu.memory_space<vmem>> -> memref<1x256x64xf32, #tpu.memory_space<vmem>>
    %dma_start3A_19 = tpu.memref_squeeze %dma_start3A_18 : memref<1x256x64xf32, #tpu.memory_space<vmem>> -> memref<256x64xf32, #tpu.memory_space<vmem>>
    %dma_start3A_20 = arith.constant 0 : i32
    %dma_start3A_21 = tpu.memref_slice %arg7[%dma_start3A_14, %dma_start3A_20] : memref<79x256xi32, #tpu.memory_space<vmem>> -> memref<1x256xi32, #tpu.memory_space<vmem>>
    %dma_start3A_22 = tpu.memref_squeeze %dma_start3A_21 : memref<1x256xi32, #tpu.memory_space<vmem>> -> memref<256xi32, #tpu.memory_space<vmem>>
    %dma_start3A_23 = arith.constant 0 : i32
    %dma_start3A_24 = arith.constant 0 : i32
    %dma_start3A_25 = tpu.memref_slice %arg2[%dma_start3A_23, %dma_start3A_24] : memref<20032x64xf32, #tpu.memory_space<hbm>> -> memref<20032x64xf32, #tpu.memory_space<hbm>>
    tpu.enqueue_indirect_dma source(%dma_start3A_25 : memref<20032x64xf32, #tpu.memory_space<hbm>>) target(%dma_start3A_19 : memref<256x64xf32, #tpu.memory_space<vmem>>) offsets(%dma_start3A_22 : memref<256xi32, #tpu.memory_space<vmem>>) semaphore(%arg12 : memref<!tpu.dma_semaphore, #tpu.memory_space<semaphore_mem>>)
    %scan3A = arith.constant 0 : i32
    %scan3A_26 = arith.constant 0 : i32
    %scan3A_27 = arith.constant 26 : i32
    %scan3A_28 = arith.addi %scan3A_26, %scan3A_27 : i32
    %scan3A_29 = arith.constant 1 : i32
    scf.for %scan3A_93 = %scan3A_26 to %scan3A_28 step %scan3A_29  : i32 {
      %mul3A_94 = arith.constant 3 : i32
      %mul3A_95 = arith.muli %scan3A_93, %mul3A_94 : i32
      %add3A_96 = arith.constant 0 : i32
      %add3A_97 = arith.addi %mul3A_95, %add3A_96 : i32
      %dma_wait3A_98 = arith.constant 0 : i32
      %dma_wait3A_99 = arith.constant 0 : i32
      %dma_wait3A_100 = arith.constant 0 : i32
      %dma_wait3A_101 = tpu.memref_slice %arg9[%dma_wait3A_98, %dma_wait3A_99, %dma_wait3A_100] : memref<3x256x64xf32, #tpu.memory_space<vmem>> -> memref<1x256x64xf32, #tpu.memory_space<vmem>>
      %dma_wait3A_102 = tpu.memref_squeeze %dma_wait3A_101 : memref<1x256x64xf32, #tpu.memory_space<vmem>> -> memref<256x64xf32, #tpu.memory_space<vmem>>
      %dma_wait3A_103 = arith.constant 0 : i32
      %dma_wait3A_104 = tpu.memref_slice %arg7[%add3A_97, %dma_wait3A_103] : memref<79x256xi32, #tpu.memory_space<vmem>> -> memref<1x256xi32, #tpu.memory_space<vmem>>
      %dma_wait3A_105 = tpu.memref_squeeze %dma_wait3A_104 : memref<1x256xi32, #tpu.memory_space<vmem>> -> memref<256xi32, #tpu.memory_space<vmem>>
      %dma_wait3A_106 = arith.constant 0 : i32
      %dma_wait3A_107 = arith.constant 0 : i32
      %dma_wait3A_108 = tpu.memref_slice %arg2[%dma_wait3A_106, %dma_wait3A_107] : memref<20032x64xf32, #tpu.memory_space<hbm>> -> memref<20032x64xf32, #tpu.memory_space<hbm>>
      tpu.wait_indirect_dma semaphore(%arg11 : memref<!tpu.dma_semaphore, #tpu.memory_space<semaphore_mem>>) src(%dma_wait3A_108 : memref<20032x64xf32, #tpu.memory_space<hbm>>) dst(%dma_wait3A_102 : memref<256x64xf32, #tpu.memory_space<vmem>>)
      %dma_start3A_109 = arith.constant 0 : i32
      %dma_start3A_110 = arith.constant 0 : i32
      %dma_start3A_111 = arith.constant 0 : i32
      %dma_start3A_112 = tpu.memref_slice %arg9[%dma_start3A_109, %dma_start3A_110, %dma_start3A_111] : memref<3x256x64xf32, #tpu.memory_space<vmem>> -> memref<1x256x64xf32, #tpu.memory_space<vmem>>
      %dma_start3A_113 = tpu.memref_squeeze %dma_start3A_112 : memref<1x256x64xf32, #tpu.memory_space<vmem>> -> memref<256x64xf32, #tpu.memory_space<vmem>>
      %dma_start3A_114 = arith.constant 0 : i32
      %dma_start3A_115 = tpu.memref_slice %arg8[%add3A_97, %dma_start3A_114] : memref<79x256xi32, #tpu.memory_space<vmem>> -> memref<1x256xi32, #tpu.memory_space<vmem>>
      %dma_start3A_116 = tpu.memref_squeeze %dma_start3A_115 : memref<1x256xi32, #tpu.memory_space<vmem>> -> memref<256xi32, #tpu.memory_space<vmem>>
      %dma_start3A_117 = arith.constant 0 : i32
      %dma_start3A_118 = arith.constant 0 : i32
      %dma_start3A_119 = tpu.memref_slice %arg10[%dma_start3A_117, %dma_start3A_118] : memref<10016x64xf32, #tpu.memory_space<vmem_shared>> -> memref<10016x64xf32, #tpu.memory_space<vmem_shared>>
      tpu.enqueue_indirect_dma source(%dma_start3A_113 : memref<256x64xf32, #tpu.memory_space<vmem>>) target(%dma_start3A_119 : memref<10016x64xf32, #tpu.memory_space<vmem_shared>>) offsets(%dma_start3A_116 : memref<256xi32, #tpu.memory_space<vmem>>) semaphore(%arg14 : memref<!tpu.dma_semaphore, #tpu.memory_space<semaphore_mem>>) {add = true}
      %add3A_120 = arith.constant 2 : i32
      %add3A_121 = arith.addi %add3A_97, %add3A_120 : i32
      %lt3A = arith.constant 79 : i32
      %lt3A_122 = arith.cmpi slt, %add3A_121, %lt3A : i32
      %convert_element_type3A = arith.extui %lt3A_122 : i1 to i32
      %cond3A = arith.constant 0 : i32
      %cond3A_123 = arith.cmpi ne, %convert_element_type3A, %cond3A : i32
      scf.if %cond3A_123 {
        %ge3A = arith.constant 3 : i32
        %ge3A_186 = arith.cmpi sge, %add3A_121, %ge3A : i32
        %convert_element_type3A_187 = arith.extui %ge3A_186 : i1 to i32
        %cond3A_188 = arith.constant 0 : i32
        %cond3A_189 = arith.cmpi ne, %convert_element_type3A_187, %cond3A_188 : i32
        scf.if %cond3A_189 {
          %sub3A = arith.constant 3 : i32
          %sub3A_201 = arith.subi %add3A_121, %sub3A : i32
          %dma_wait3A_202 = arith.constant 2 : i32
          %dma_wait3A_203 = arith.constant 0 : i32
          %dma_wait3A_204 = arith.constant 0 : i32
          %dma_wait3A_205 = tpu.memref_slice %arg9[%dma_wait3A_202, %dma_wait3A_203, %dma_wait3A_204] : memref<3x256x64xf32, #tpu.memory_space<vmem>> -> memref<1x256x64xf32, #tpu.memory_space<vmem>>
          %dma_wait3A_206 = tpu.memref_squeeze %dma_wait3A_205 : memref<1x256x64xf32, #tpu.memory_space<vmem>> -> memref<256x64xf32, #tpu.memory_space<vmem>>
          %dma_wait3A_207 = arith.constant 0 : i32
          %dma_wait3A_208 = tpu.memref_slice %arg8[%sub3A_201, %dma_wait3A_207] : memref<79x256xi32, #tpu.memory_space<vmem>> -> memref<1x256xi32, #tpu.memory_space<vmem>>
          %dma_wait3A_209 = tpu.memref_squeeze %dma_wait3A_208 : memref<1x256xi32, #tpu.memory_space<vmem>> -> memref<256xi32, #tpu.memory_space<vmem>>
          %dma_wait3A_210 = arith.constant 0 : i32
          %dma_wait3A_211 = arith.constant 0 : i32
          %dma_wait3A_212 = tpu.memref_slice %arg10[%dma_wait3A_210, %dma_wait3A_211] : memref<10016x64xf32, #tpu.memory_space<vmem_shared>> -> memref<10016x64xf32, #tpu.memory_space<vmem_shared>>
          tpu.wait_indirect_dma semaphore(%arg16 : memref<!tpu.dma_semaphore, #tpu.memory_space<semaphore_mem>>) src(%dma_wait3A_206 : memref<256x64xf32, #tpu.memory_space<vmem>>) dst(%dma_wait3A_212 : memref<10016x64xf32, #tpu.memory_space<vmem_shared>>)
        } else {
        }
        %dma_start3A_190 = arith.constant 2 : i32
        %dma_start3A_191 = arith.constant 0 : i32
        %dma_start3A_192 = arith.constant 0 : i32
        %dma_start3A_193 = tpu.memref_slice %arg9[%dma_start3A_190, %dma_start3A_191, %dma_start3A_192] : memref<3x256x64xf32, #tpu.memory_space<vmem>> -> memref<1x256x64xf32, #tpu.memory_space<vmem>>
        %dma_start3A_194 = tpu.memref_squeeze %dma_start3A_193 : memref<1x256x64xf32, #tpu.memory_space<vmem>> -> memref<256x64xf32, #tpu.memory_space<vmem>>
        %dma_start3A_195 = arith.constant 0 : i32
        %dma_start3A_196 = tpu.memref_slice %arg7[%add3A_121, %dma_start3A_195] : memref<79x256xi32, #tpu.memory_space<vmem>> -> memref<1x256xi32, #tpu.memory_space<vmem>>
        %dma_start3A_197 = tpu.memref_squeeze %dma_start3A_196 : memref<1x256xi32, #tpu.memory_space<vmem>> -> memref<256xi32, #tpu.memory_space<vmem>>
        %dma_start3A_198 = arith.constant 0 : i32
        %dma_start3A_199 = arith.constant 0 : i32
        %dma_start3A_200 = tpu.memref_slice %arg2[%dma_start3A_198, %dma_start3A_199] : memref<20032x64xf32, #tpu.memory_space<hbm>> -> memref<20032x64xf32, #tpu.memory_space<hbm>>
        tpu.enqueue_indirect_dma source(%dma_start3A_200 : memref<20032x64xf32, #tpu.memory_space<hbm>>) target(%dma_start3A_194 : memref<256x64xf32, #tpu.memory_space<vmem>>) offsets(%dma_start3A_197 : memref<256xi32, #tpu.memory_space<vmem>>) semaphore(%arg13 : memref<!tpu.dma_semaphore, #tpu.memory_space<semaphore_mem>>)
      } else {
      }
      %add3A_124 = arith.constant 1 : i32
      %add3A_125 = arith.addi %mul3A_95, %add3A_124 : i32
      %dma_wait3A_126 = arith.constant 1 : i32
      %dma_wait3A_127 = arith.constant 0 : i32
      %dma_wait3A_128 = arith.constant 0 : i32
      %dma_wait3A_129 = tpu.memref_slice %arg9[%dma_wait3A_126, %dma_wait3A_127, %dma_wait3A_128] : memref<3x256x64xf32, #tpu.memory_space<vmem>> -> memref<1x256x64xf32, #tpu.memory_space<vmem>>
      %dma_wait3A_130 = tpu.memref_squeeze %dma_wait3A_129 : memref<1x256x64xf32, #tpu.memory_space<vmem>> -> memref<256x64xf32, #tpu.memory_space<vmem>>
      %dma_wait3A_131 = arith.constant 0 : i32
      %dma_wait3A_132 = tpu.memref_slice %arg7[%add3A_125, %dma_wait3A_131] : memref<79x256xi32, #tpu.memory_space<vmem>> -> memref<1x256xi32, #tpu.memory_space<vmem>>
      %dma_wait3A_133 = tpu.memref_squeeze %dma_wait3A_132 : memref<1x256xi32, #tpu.memory_space<vmem>> -> memref<256xi32, #tpu.memory_space<vmem>>
      %dma_wait3A_134 = arith.constant 0 : i32
      %dma_wait3A_135 = arith.constant 0 : i32
      %dma_wait3A_136 = tpu.memref_slice %arg2[%dma_wait3A_134, %dma_wait3A_135] : memref<20032x64xf32, #tpu.memory_space<hbm>> -> memref<20032x64xf32, #tpu.memory_space<hbm>>
      tpu.wait_indirect_dma semaphore(%arg12 : memref<!tpu.dma_semaphore, #tpu.memory_space<semaphore_mem>>) src(%dma_wait3A_136 : memref<20032x64xf32, #tpu.memory_space<hbm>>) dst(%dma_wait3A_130 : memref<256x64xf32, #tpu.memory_space<vmem>>)
      %dma_start3A_137 = arith.constant 1 : i32
      %dma_start3A_138 = arith.constant 0 : i32
      %dma_start3A_139 = arith.constant 0 : i32
      %dma_start3A_140 = tpu.memref_slice %arg9[%dma_start3A_137, %dma_start3A_138, %dma_start3A_139] : memref<3x256x64xf32, #tpu.memory_space<vmem>> -> memref<1x256x64xf32, #tpu.memory_space<vmem>>
      %dma_start3A_141 = tpu.memref_squeeze %dma_start3A_140 : memref<1x256x64xf32, #tpu.memory_space<vmem>> -> memref<256x64xf32, #tpu.memory_space<vmem>>
      %dma_start3A_142 = arith.constant 0 : i32
      %dma_start3A_143 = tpu.memref_slice %arg8[%add3A_125, %dma_start3A_142] : memref<79x256xi32, #tpu.memory_space<vmem>> -> memref<1x256xi32, #tpu.memory_space<vmem>>
      %dma_start3A_144 = tpu.memref_squeeze %dma_start3A_143 : memref<1x256xi32, #tpu.memory_space<vmem>> -> memref<256xi32, #tpu.memory_space<vmem>>
      %dma_start3A_145 = arith.constant 0 : i32
      %dma_start3A_146 = arith.constant 0 : i32
      %dma_start3A_147 = tpu.memref_slice %arg10[%dma_start3A_145, %dma_start3A_146] : memref<10016x64xf32, #tpu.memory_space<vmem_shared>> -> memref<10016x64xf32, #tpu.memory_space<vmem_shared>>
      tpu.enqueue_indirect_dma source(%dma_start3A_141 : memref<256x64xf32, #tpu.memory_space<vmem>>) target(%dma_start3A_147 : memref<10016x64xf32, #tpu.memory_space<vmem_shared>>) offsets(%dma_start3A_144 : memref<256xi32, #tpu.memory_space<vmem>>) semaphore(%arg15 : memref<!tpu.dma_semaphore, #tpu.memory_space<semaphore_mem>>) {add = true}
      %add3A_148 = arith.constant 2 : i32
      %add3A_149 = arith.addi %add3A_125, %add3A_148 : i32
      %lt3A_150 = arith.constant 79 : i32
      %lt3A_151 = arith.cmpi slt, %add3A_149, %lt3A_150 : i32
      %convert_element_type3A_152 = arith.extui %lt3A_151 : i1 to i32
      %cond3A_153 = arith.constant 0 : i32
      %cond3A_154 = arith.cmpi ne, %convert_element_type3A_152, %cond3A_153 : i32
      scf.if %cond3A_154 {
        %ge3A = arith.constant 3 : i32
        %ge3A_186 = arith.cmpi sge, %add3A_149, %ge3A : i32
        %convert_element_type3A_187 = arith.extui %ge3A_186 : i1 to i32
        %cond3A_188 = arith.constant 0 : i32
        %cond3A_189 = arith.cmpi ne, %convert_element_type3A_187, %cond3A_188 : i32
        scf.if %cond3A_189 {
          %sub3A = arith.constant 3 : i32
          %sub3A_201 = arith.subi %add3A_149, %sub3A : i32
          %dma_wait3A_202 = arith.constant 0 : i32
          %dma_wait3A_203 = arith.constant 0 : i32
          %dma_wait3A_204 = arith.constant 0 : i32
          %dma_wait3A_205 = tpu.memref_slice %arg9[%dma_wait3A_202, %dma_wait3A_203, %dma_wait3A_204] : memref<3x256x64xf32, #tpu.memory_space<vmem>> -> memref<1x256x64xf32, #tpu.memory_space<vmem>>
          %dma_wait3A_206 = tpu.memref_squeeze %dma_wait3A_205 : memref<1x256x64xf32, #tpu.memory_space<vmem>> -> memref<256x64xf32, #tpu.memory_space<vmem>>
          %dma_wait3A_207 = arith.constant 0 : i32
          %dma_wait3A_208 = tpu.memref_slice %arg8[%sub3A_201, %dma_wait3A_207] : memref<79x256xi32, #tpu.memory_space<vmem>> -> memref<1x256xi32, #tpu.memory_space<vmem>>
          %dma_wait3A_209 = tpu.memref_squeeze %dma_wait3A_208 : memref<1x256xi32, #tpu.memory_space<vmem>> -> memref<256xi32, #tpu.memory_space<vmem>>
          %dma_wait3A_210 = arith.constant 0 : i32
          %dma_wait3A_211 = arith.constant 0 : i32
          %dma_wait3A_212 = tpu.memref_slice %arg10[%dma_wait3A_210, %dma_wait3A_211] : memref<10016x64xf32, #tpu.memory_space<vmem_shared>> -> memref<10016x64xf32, #tpu.memory_space<vmem_shared>>
          tpu.wait_indirect_dma semaphore(%arg14 : memref<!tpu.dma_semaphore, #tpu.memory_space<semaphore_mem>>) src(%dma_wait3A_206 : memref<256x64xf32, #tpu.memory_space<vmem>>) dst(%dma_wait3A_212 : memref<10016x64xf32, #tpu.memory_space<vmem_shared>>)
        } else {
        }
        %dma_start3A_190 = arith.constant 0 : i32
        %dma_start3A_191 = arith.constant 0 : i32
        %dma_start3A_192 = arith.constant 0 : i32
        %dma_start3A_193 = tpu.memref_slice %arg9[%dma_start3A_190, %dma_start3A_191, %dma_start3A_192] : memref<3x256x64xf32, #tpu.memory_space<vmem>> -> memref<1x256x64xf32, #tpu.memory_space<vmem>>
        %dma_start3A_194 = tpu.memref_squeeze %dma_start3A_193 : memref<1x256x64xf32, #tpu.memory_space<vmem>> -> memref<256x64xf32, #tpu.memory_space<vmem>>
        %dma_start3A_195 = arith.constant 0 : i32
        %dma_start3A_196 = tpu.memref_slice %arg7[%add3A_149, %dma_start3A_195] : memref<79x256xi32, #tpu.memory_space<vmem>> -> memref<1x256xi32, #tpu.memory_space<vmem>>
        %dma_start3A_197 = tpu.memref_squeeze %dma_start3A_196 : memref<1x256xi32, #tpu.memory_space<vmem>> -> memref<256xi32, #tpu.memory_space<vmem>>
        %dma_start3A_198 = arith.constant 0 : i32
        %dma_start3A_199 = arith.constant 0 : i32
        %dma_start3A_200 = tpu.memref_slice %arg2[%dma_start3A_198, %dma_start3A_199] : memref<20032x64xf32, #tpu.memory_space<hbm>> -> memref<20032x64xf32, #tpu.memory_space<hbm>>
        tpu.enqueue_indirect_dma source(%dma_start3A_200 : memref<20032x64xf32, #tpu.memory_space<hbm>>) target(%dma_start3A_194 : memref<256x64xf32, #tpu.memory_space<vmem>>) offsets(%dma_start3A_197 : memref<256xi32, #tpu.memory_space<vmem>>) semaphore(%arg11 : memref<!tpu.dma_semaphore, #tpu.memory_space<semaphore_mem>>)
      } else {
      }
      %add3A_155 = arith.constant 2 : i32
      %add3A_156 = arith.addi %mul3A_95, %add3A_155 : i32
      %dma_wait3A_157 = arith.constant 2 : i32
      %dma_wait3A_158 = arith.constant 0 : i32
      %dma_wait3A_159 = arith.constant 0 : i32
      %dma_wait3A_160 = tpu.memref_slice %arg9[%dma_wait3A_157, %dma_wait3A_158, %dma_wait3A_159] : memref<3x256x64xf32, #tpu.memory_space<vmem>> -> memref<1x256x64xf32, #tpu.memory_space<vmem>>
      %dma_wait3A_161 = tpu.memref_squeeze %dma_wait3A_160 : memref<1x256x64xf32, #tpu.memory_space<vmem>> -> memref<256x64xf32, #tpu.memory_space<vmem>>
      %dma_wait3A_162 = arith.constant 0 : i32
      %dma_wait3A_163 = tpu.memref_slice %arg7[%add3A_156, %dma_wait3A_162] : memref<79x256xi32, #tpu.memory_space<vmem>> -> memref<1x256xi32, #tpu.memory_space<vmem>>
      %dma_wait3A_164 = tpu.memref_squeeze %dma_wait3A_163 : memref<1x256xi32, #tpu.memory_space<vmem>> -> memref<256xi32, #tpu.memory_space<vmem>>
      %dma_wait3A_165 = arith.constant 0 : i32
      %dma_wait3A_166 = arith.constant 0 : i32
      %dma_wait3A_167 = tpu.memref_slice %arg2[%dma_wait3A_165, %dma_wait3A_166] : memref<20032x64xf32, #tpu.memory_space<hbm>> -> memref<20032x64xf32, #tpu.memory_space<hbm>>
      tpu.wait_indirect_dma semaphore(%arg13 : memref<!tpu.dma_semaphore, #tpu.memory_space<semaphore_mem>>) src(%dma_wait3A_167 : memref<20032x64xf32, #tpu.memory_space<hbm>>) dst(%dma_wait3A_161 : memref<256x64xf32, #tpu.memory_space<vmem>>)
      %dma_start3A_168 = arith.constant 2 : i32
      %dma_start3A_169 = arith.constant 0 : i32
      %dma_start3A_170 = arith.constant 0 : i32
      %dma_start3A_171 = tpu.memref_slice %arg9[%dma_start3A_168, %dma_start3A_169, %dma_start3A_170] : memref<3x256x64xf32, #tpu.memory_space<vmem>> -> memref<1x256x64xf32, #tpu.memory_space<vmem>>
      %dma_start3A_172 = tpu.memref_squeeze %dma_start3A_171 : memref<1x256x64xf32, #tpu.memory_space<vmem>> -> memref<256x64xf32, #tpu.memory_space<vmem>>
      %dma_start3A_173 = arith.constant 0 : i32
      %dma_start3A_174 = tpu.memref_slice %arg8[%add3A_156, %dma_start3A_173] : memref<79x256xi32, #tpu.memory_space<vmem>> -> memref<1x256xi32, #tpu.memory_space<vmem>>
      %dma_start3A_175 = tpu.memref_squeeze %dma_start3A_174 : memref<1x256xi32, #tpu.memory_space<vmem>> -> memref<256xi32, #tpu.memory_space<vmem>>
      %dma_start3A_176 = arith.constant 0 : i32
      %dma_start3A_177 = arith.constant 0 : i32
      %dma_start3A_178 = tpu.memref_slice %arg10[%dma_start3A_176, %dma_start3A_177] : memref<10016x64xf32, #tpu.memory_space<vmem_shared>> -> memref<10016x64xf32, #tpu.memory_space<vmem_shared>>
      tpu.enqueue_indirect_dma source(%dma_start3A_172 : memref<256x64xf32, #tpu.memory_space<vmem>>) target(%dma_start3A_178 : memref<10016x64xf32, #tpu.memory_space<vmem_shared>>) offsets(%dma_start3A_175 : memref<256xi32, #tpu.memory_space<vmem>>) semaphore(%arg16 : memref<!tpu.dma_semaphore, #tpu.memory_space<semaphore_mem>>) {add = true}
      %add3A_179 = arith.constant 2 : i32
      %add3A_180 = arith.addi %add3A_156, %add3A_179 : i32
      %lt3A_181 = arith.constant 79 : i32
      %lt3A_182 = arith.cmpi slt, %add3A_180, %lt3A_181 : i32
      %convert_element_type3A_183 = arith.extui %lt3A_182 : i1 to i32
      %cond3A_184 = arith.constant 0 : i32
      %cond3A_185 = arith.cmpi ne, %convert_element_type3A_183, %cond3A_184 : i32
      scf.if %cond3A_185 {
        %ge3A = arith.constant 3 : i32
        %ge3A_186 = arith.cmpi sge, %add3A_180, %ge3A : i32
        %convert_element_type3A_187 = arith.extui %ge3A_186 : i1 to i32
        %cond3A_188 = arith.constant 0 : i32
        %cond3A_189 = arith.cmpi ne, %convert_element_type3A_187, %cond3A_188 : i32
        scf.if %cond3A_189 {
          %sub3A = arith.constant 3 : i32
          %sub3A_201 = arith.subi %add3A_180, %sub3A : i32
          %dma_wait3A_202 = arith.constant 1 : i32
          %dma_wait3A_203 = arith.constant 0 : i32
          %dma_wait3A_204 = arith.constant 0 : i32
          %dma_wait3A_205 = tpu.memref_slice %arg9[%dma_wait3A_202, %dma_wait3A_203, %dma_wait3A_204] : memref<3x256x64xf32, #tpu.memory_space<vmem>> -> memref<1x256x64xf32, #tpu.memory_space<vmem>>
          %dma_wait3A_206 = tpu.memref_squeeze %dma_wait3A_205 : memref<1x256x64xf32, #tpu.memory_space<vmem>> -> memref<256x64xf32, #tpu.memory_space<vmem>>
          %dma_wait3A_207 = arith.constant 0 : i32
          %dma_wait3A_208 = tpu.memref_slice %arg8[%sub3A_201, %dma_wait3A_207] : memref<79x256xi32, #tpu.memory_space<vmem>> -> memref<1x256xi32, #tpu.memory_space<vmem>>
          %dma_wait3A_209 = tpu.memref_squeeze %dma_wait3A_208 : memref<1x256xi32, #tpu.memory_space<vmem>> -> memref<256xi32, #tpu.memory_space<vmem>>
          %dma_wait3A_210 = arith.constant 0 : i32
          %dma_wait3A_211 = arith.constant 0 : i32
          %dma_wait3A_212 = tpu.memref_slice %arg10[%dma_wait3A_210, %dma_wait3A_211] : memref<10016x64xf32, #tpu.memory_space<vmem_shared>> -> memref<10016x64xf32, #tpu.memory_space<vmem_shared>>
          tpu.wait_indirect_dma semaphore(%arg15 : memref<!tpu.dma_semaphore, #tpu.memory_space<semaphore_mem>>) src(%dma_wait3A_206 : memref<256x64xf32, #tpu.memory_space<vmem>>) dst(%dma_wait3A_212 : memref<10016x64xf32, #tpu.memory_space<vmem_shared>>)
        } else {
        }
        %dma_start3A_190 = arith.constant 1 : i32
        %dma_start3A_191 = arith.constant 0 : i32
        %dma_start3A_192 = arith.constant 0 : i32
        %dma_start3A_193 = tpu.memref_slice %arg9[%dma_start3A_190, %dma_start3A_191, %dma_start3A_192] : memref<3x256x64xf32, #tpu.memory_space<vmem>> -> memref<1x256x64xf32, #tpu.memory_space<vmem>>
        %dma_start3A_194 = tpu.memref_squeeze %dma_start3A_193 : memref<1x256x64xf32, #tpu.memory_space<vmem>> -> memref<256x64xf32, #tpu.memory_space<vmem>>
        %dma_start3A_195 = arith.constant 0 : i32
        %dma_start3A_196 = tpu.memref_slice %arg7[%add3A_180, %dma_start3A_195] : memref<79x256xi32, #tpu.memory_space<vmem>> -> memref<1x256xi32, #tpu.memory_space<vmem>>
        %dma_start3A_197 = tpu.memref_squeeze %dma_start3A_196 : memref<1x256xi32, #tpu.memory_space<vmem>> -> memref<256xi32, #tpu.memory_space<vmem>>
        %dma_start3A_198 = arith.constant 0 : i32
        %dma_start3A_199 = arith.constant 0 : i32
        %dma_start3A_200 = tpu.memref_slice %arg2[%dma_start3A_198, %dma_start3A_199] : memref<20032x64xf32, #tpu.memory_space<hbm>> -> memref<20032x64xf32, #tpu.memory_space<hbm>>
        tpu.enqueue_indirect_dma source(%dma_start3A_200 : memref<20032x64xf32, #tpu.memory_space<hbm>>) target(%dma_start3A_194 : memref<256x64xf32, #tpu.memory_space<vmem>>) offsets(%dma_start3A_197 : memref<256xi32, #tpu.memory_space<vmem>>) semaphore(%arg12 : memref<!tpu.dma_semaphore, #tpu.memory_space<semaphore_mem>>)
      } else {
      }
    }
    %scan3A_30 = arith.constant 26 : i32
    %dma_wait3A = arith.constant 78 : i32
    %dma_wait3A_31 = arith.constant 0 : i32
    %dma_wait3A_32 = arith.constant 0 : i32
    %dma_wait3A_33 = arith.constant 0 : i32
    %dma_wait3A_34 = tpu.memref_slice %arg9[%dma_wait3A_31, %dma_wait3A_32, %dma_wait3A_33] : memref<3x256x64xf32, #tpu.memory_space<vmem>> -> memref<1x256x64xf32, #tpu.memory_space<vmem>>
    %dma_wait3A_35 = tpu.memref_squeeze %dma_wait3A_34 : memref<1x256x64xf32, #tpu.memory_space<vmem>> -> memref<256x64xf32, #tpu.memory_space<vmem>>
    %dma_wait3A_36 = arith.constant 0 : i32
    %dma_wait3A_37 = tpu.memref_slice %arg7[%dma_wait3A, %dma_wait3A_36] : memref<79x256xi32, #tpu.memory_space<vmem>> -> memref<1x256xi32, #tpu.memory_space<vmem>>
    %dma_wait3A_38 = tpu.memref_squeeze %dma_wait3A_37 : memref<1x256xi32, #tpu.memory_space<vmem>> -> memref<256xi32, #tpu.memory_space<vmem>>
    %dma_wait3A_39 = arith.constant 0 : i32
    %dma_wait3A_40 = arith.constant 0 : i32
    %dma_wait3A_41 = tpu.memref_slice %arg2[%dma_wait3A_39, %dma_wait3A_40] : memref<20032x64xf32, #tpu.memory_space<hbm>> -> memref<20032x64xf32, #tpu.memory_space<hbm>>
    tpu.wait_indirect_dma semaphore(%arg11 : memref<!tpu.dma_semaphore, #tpu.memory_space<semaphore_mem>>) src(%dma_wait3A_41 : memref<20032x64xf32, #tpu.memory_space<hbm>>) dst(%dma_wait3A_35 : memref<256x64xf32, #tpu.memory_space<vmem>>)
    %dma_start3A_42 = arith.constant 0 : i32
    %dma_start3A_43 = arith.constant 78 : i32
    %dma_start3A_44 = arith.constant 0 : i32
    %dma_start3A_45 = arith.constant 0 : i32
    %dma_start3A_46 = tpu.memref_slice %arg9[%dma_start3A_42, %dma_start3A_44, %dma_start3A_45] : memref<3x256x64xf32, #tpu.memory_space<vmem>> -> memref<1x256x64xf32, #tpu.memory_space<vmem>>
    %dma_start3A_47 = tpu.memref_squeeze %dma_start3A_46 : memref<1x256x64xf32, #tpu.memory_space<vmem>> -> memref<256x64xf32, #tpu.memory_space<vmem>>
    %dma_start3A_48 = arith.constant 0 : i32
    %dma_start3A_49 = tpu.memref_slice %arg8[%dma_start3A_43, %dma_start3A_48] : memref<79x256xi32, #tpu.memory_space<vmem>> -> memref<1x256xi32, #tpu.memory_space<vmem>>
    %dma_start3A_50 = tpu.memref_squeeze %dma_start3A_49 : memref<1x256xi32, #tpu.memory_space<vmem>> -> memref<256xi32, #tpu.memory_space<vmem>>
    %dma_start3A_51 = arith.constant 0 : i32
    %dma_start3A_52 = arith.constant 0 : i32
    %dma_start3A_53 = tpu.memref_slice %arg10[%dma_start3A_51, %dma_start3A_52] : memref<10016x64xf32, #tpu.memory_space<vmem_shared>> -> memref<10016x64xf32, #tpu.memory_space<vmem_shared>>
    tpu.enqueue_indirect_dma source(%dma_start3A_47 : memref<256x64xf32, #tpu.memory_space<vmem>>) target(%dma_start3A_53 : memref<10016x64xf32, #tpu.memory_space<vmem_shared>>) offsets(%dma_start3A_50 : memref<256xi32, #tpu.memory_space<vmem>>) semaphore(%arg14 : memref<!tpu.dma_semaphore, #tpu.memory_space<semaphore_mem>>) {add = true}
    %dma_wait3A_54 = arith.constant 1 : i32
    %dma_wait3A_55 = arith.constant 76 : i32
    %dma_wait3A_56 = arith.constant 0 : i32
    %dma_wait3A_57 = arith.constant 0 : i32
    %dma_wait3A_58 = tpu.memref_slice %arg9[%dma_wait3A_54, %dma_wait3A_56, %dma_wait3A_57] : memref<3x256x64xf32, #tpu.memory_space<vmem>> -> memref<1x256x64xf32, #tpu.memory_space<vmem>>
    %dma_wait3A_59 = tpu.memref_squeeze %dma_wait3A_58 : memref<1x256x64xf32, #tpu.memory_space<vmem>> -> memref<256x64xf32, #tpu.memory_space<vmem>>
    %dma_wait3A_60 = arith.constant 0 : i32
    %dma_wait3A_61 = tpu.memref_slice %arg8[%dma_wait3A_55, %dma_wait3A_60] : memref<79x256xi32, #tpu.memory_space<vmem>> -> memref<1x256xi32, #tpu.memory_space<vmem>>
    %dma_wait3A_62 = tpu.memref_squeeze %dma_wait3A_61 : memref<1x256xi32, #tpu.memory_space<vmem>> -> memref<256xi32, #tpu.memory_space<vmem>>
    %dma_wait3A_63 = arith.constant 0 : i32
    %dma_wait3A_64 = arith.constant 0 : i32
    %dma_wait3A_65 = tpu.memref_slice %arg10[%dma_wait3A_63, %dma_wait3A_64] : memref<10016x64xf32, #tpu.memory_space<vmem_shared>> -> memref<10016x64xf32, #tpu.memory_space<vmem_shared>>
    tpu.wait_indirect_dma semaphore(%arg15 : memref<!tpu.dma_semaphore, #tpu.memory_space<semaphore_mem>>) src(%dma_wait3A_59 : memref<256x64xf32, #tpu.memory_space<vmem>>) dst(%dma_wait3A_65 : memref<10016x64xf32, #tpu.memory_space<vmem_shared>>)
    %dma_wait3A_66 = arith.constant 2 : i32
    %dma_wait3A_67 = arith.constant 77 : i32
    %dma_wait3A_68 = arith.constant 0 : i32
    %dma_wait3A_69 = arith.constant 0 : i32
    %dma_wait3A_70 = tpu.memref_slice %arg9[%dma_wait3A_66, %dma_wait3A_68, %dma_wait3A_69] : memref<3x256x64xf32, #tpu.memory_space<vmem>> -> memref<1x256x64xf32, #tpu.memory_space<vmem>>
    %dma_wait3A_71 = tpu.memref_squeeze %dma_wait3A_70 : memref<1x256x64xf32, #tpu.memory_space<vmem>> -> memref<256x64xf32, #tpu.memory_space<vmem>>
    %dma_wait3A_72 = arith.constant 0 : i32
    %dma_wait3A_73 = tpu.memref_slice %arg8[%dma_wait3A_67, %dma_wait3A_72] : memref<79x256xi32, #tpu.memory_space<vmem>> -> memref<1x256xi32, #tpu.memory_space<vmem>>
    %dma_wait3A_74 = tpu.memref_squeeze %dma_wait3A_73 : memref<1x256xi32, #tpu.memory_space<vmem>> -> memref<256xi32, #tpu.memory_space<vmem>>
    %dma_wait3A_75 = arith.constant 0 : i32
    %dma_wait3A_76 = arith.constant 0 : i32
    %dma_wait3A_77 = tpu.memref_slice %arg10[%dma_wait3A_75, %dma_wait3A_76] : memref<10016x64xf32, #tpu.memory_space<vmem_shared>> -> memref<10016x64xf32, #tpu.memory_space<vmem_shared>>
    tpu.wait_indirect_dma semaphore(%arg16 : memref<!tpu.dma_semaphore, #tpu.memory_space<semaphore_mem>>) src(%dma_wait3A_71 : memref<256x64xf32, #tpu.memory_space<vmem>>) dst(%dma_wait3A_77 : memref<10016x64xf32, #tpu.memory_space<vmem_shared>>)
    %dma_wait3A_78 = arith.constant 0 : i32
    %dma_wait3A_79 = arith.constant 78 : i32
    %dma_wait3A_80 = arith.constant 0 : i32
    %dma_wait3A_81 = arith.constant 0 : i32
    %dma_wait3A_82 = tpu.memref_slice %arg9[%dma_wait3A_78, %dma_wait3A_80, %dma_wait3A_81] : memref<3x256x64xf32, #tpu.memory_space<vmem>> -> memref<1x256x64xf32, #tpu.memory_space<vmem>>
    %dma_wait3A_83 = tpu.memref_squeeze %dma_wait3A_82 : memref<1x256x64xf32, #tpu.memory_space<vmem>> -> memref<256x64xf32, #tpu.memory_space<vmem>>
    %dma_wait3A_84 = arith.constant 0 : i32
    %dma_wait3A_85 = tpu.memref_slice %arg8[%dma_wait3A_79, %dma_wait3A_84] : memref<79x256xi32, #tpu.memory_space<vmem>> -> memref<1x256xi32, #tpu.memory_space<vmem>>
    %dma_wait3A_86 = tpu.memref_squeeze %dma_wait3A_85 : memref<1x256xi32, #tpu.memory_space<vmem>> -> memref<256xi32, #tpu.memory_space<vmem>>
    %dma_wait3A_87 = arith.constant 0 : i32
    %dma_wait3A_88 = arith.constant 0 : i32
    %dma_wait3A_89 = tpu.memref_slice %arg10[%dma_wait3A_87, %dma_wait3A_88] : memref<10016x64xf32, #tpu.memory_space<vmem_shared>> -> memref<10016x64xf32, #tpu.memory_space<vmem_shared>>
    tpu.wait_indirect_dma semaphore(%arg14 : memref<!tpu.dma_semaphore, #tpu.memory_space<semaphore_mem>>) src(%dma_wait3A_83 : memref<256x64xf32, #tpu.memory_space<vmem>>) dst(%dma_wait3A_89 : memref<10016x64xf32, #tpu.memory_space<vmem_shared>>)
    %barrier3A_90 = arith.constant 0 : index
    tpu.barrier barrier_id(%barrier3A_90)
    %mul3A_91 = arith.constant 626 : i32
    %mul3A_92 = arith.muli %arg1, %mul3A_91 : i32
    "tpu.region"() ({
      %run_scoped3A = tpu.sem_alloc : memref<!tpu.dma_semaphore, #tpu.memory_space<semaphore_mem>>
      %dma_start3A_93 = arith.constant 0 : i32
      %dma_start3A_94 = arith.constant 0 : i32
      %dma_start3A_95 = tpu.memref_slice %arg6[%add3A, %dma_start3A_93, %dma_start3A_94] : memref<32x626x64xf32, #tpu.memory_space<hbm>> -> memref<1x626x64xf32, #tpu.memory_space<hbm>>
      %dma_start3A_96 = tpu.memref_squeeze %dma_start3A_95 : memref<1x626x64xf32, #tpu.memory_space<hbm>> -> memref<626x64xf32, #tpu.memory_space<hbm>>
      %dma_start3A_97 = arith.constant 0 : i32
      %dma_start3A_98 = tpu.memref_slice %arg10[%mul3A_92, %dma_start3A_97] : memref<10016x64xf32, #tpu.memory_space<vmem_shared>> -> memref<626x64xf32, #tpu.memory_space<vmem_shared>>
      tpu.enqueue_dma source(%dma_start3A_98 : memref<626x64xf32, #tpu.memory_space<vmem_shared>>) target(%dma_start3A_96 : memref<626x64xf32, #tpu.memory_space<hbm>>) target_semaphore(%run_scoped3A : memref<!tpu.dma_semaphore, #tpu.memory_space<semaphore_mem>>)
      %dma_wait3A_99 = arith.constant 0 : i32
      %dma_wait3A_100 = arith.constant 0 : i32
      %dma_wait3A_101 = tpu.memref_slice %arg6[%add3A, %dma_wait3A_99, %dma_wait3A_100] : memref<32x626x64xf32, #tpu.memory_space<hbm>> -> memref<1x626x64xf32, #tpu.memory_space<hbm>>
      %dma_wait3A_102 = tpu.memref_squeeze %dma_wait3A_101 : memref<1x626x64xf32, #tpu.memory_space<hbm>> -> memref<626x64xf32, #tpu.memory_space<hbm>>
      %dma_wait3A_103 = arith.constant 0 : i32
      %dma_wait3A_104 = tpu.memref_slice %arg10[%mul3A_92, %dma_wait3A_103] : memref<10016x64xf32, #tpu.memory_space<vmem_shared>> -> memref<626x64xf32, #tpu.memory_space<vmem_shared>>
      tpu.wait_dma2 semaphore(%run_scoped3A : memref<!tpu.dma_semaphore, #tpu.memory_space<semaphore_mem>>) src(%dma_wait3A_104 : memref<626x64xf32, #tpu.memory_space<vmem_shared>>) dst(%dma_wait3A_102 : memref<626x64xf32, #tpu.memory_space<hbm>>)
      tpu.yield
    }) : () -> ()
    return
  }
}

module attributes {stable_mosaic.version = 14 : i64} {
  func.func @_mm0_body(%arg0: memref<10016x128xf32, #tpu.memory_space<vmem>>, %arg1: memref<128x128xf32, #tpu.memory_space<vmem>>, %arg2: memref<10016x128xf32, #tpu.memory_space<vmem>>) attributes {dimension_semantics = [], scalar_prefetch = 0 : i64, scratch_operands = 0 : i64, tpu.core_type = #tpu.core_type<tc>} {
    %get3A = arith.constant 0 : index
    %get3A_0 = arith.constant 0 : index
    %get3A_1 = vector.load %arg0[%get3A, %get3A_0] : memref<10016x128xf32, #tpu.memory_space<vmem>>, vector<10016x128xf32>
    %get3A_2 = arith.constant 0 : index
    %get3A_3 = arith.constant 0 : index
    %get3A_4 = vector.load %arg1[%get3A_2, %get3A_3] : memref<128x128xf32, #tpu.memory_space<vmem>>, vector<128x128xf32>
    %dot_general3A = arith.constant dense<0.000000e+00> : vector<10016x128xf32>
    %dot_general3A_5 = tpu.matmul %get3A_1, %get3A_4, %dot_general3A {dimension_numbers = #tpu.dot_dimension_numbers<[1], [0], [0], [1], [0, 0, 1, 1], [], []>, transpose_lhs_hint = false} : vector<10016x128xf32>, vector<128x128xf32>, vector<10016x128xf32> -> vector<10016x128xf32>
    %swap3A = arith.constant 0 : index
    %swap3A_6 = arith.constant 0 : index
    %swap3A_7 = vector.load %arg2[%swap3A, %swap3A_6] : memref<10016x128xf32, #tpu.memory_space<vmem>>, vector<10016x128xf32>
    tpu.vector_store %arg2[%swap3A, %swap3A_6], %dot_general3A_5 {strides = array<i32>} : memref<10016x128xf32, #tpu.memory_space<vmem>>, vector<10016x128xf32>,
    return
  }
}

module attributes {stable_mosaic.version = 14 : i64} {
  func.func @_scale0_body(%arg0: memref<2x10016x16xf32, #tpu.memory_space<vmem>>, %arg1: memref<10016x128xf32, #tpu.memory_space<vmem>>, %arg2: memref<20032x64xf32, #tpu.memory_space<vmem>>, %arg3: memref<10016x128xf32, #tpu.memory_space<vmem>>) attributes {dimension_semantics = [], scalar_prefetch = 0 : i64, scratch_operands = 0 : i64, tpu.core_type = #tpu.core_type<tc>} {
    %get3A = arith.constant 0 : index
    %get3A_0 = arith.constant 0 : index
    %get3A_1 = arith.constant 0 : index
    %get3A_2 = vector.load %arg0[%get3A, %get3A_0, %get3A_1] : memref<2x10016x16xf32, #tpu.memory_space<vmem>>, vector<1x10016x16xf32>
    %get3A_3 = vector.shape_cast %get3A_2 : vector<1x10016x16xf32> to vector<10016x16xf32>
    %get3A_4 = arith.constant 1 : index
    %get3A_5 = arith.constant 0 : index
    %get3A_6 = arith.constant 0 : index
    %get3A_7 = vector.load %arg0[%get3A_4, %get3A_5, %get3A_6] : memref<2x10016x16xf32, #tpu.memory_space<vmem>>, vector<1x10016x16xf32>
    %get3A_8 = vector.shape_cast %get3A_7 : vector<1x10016x16xf32> to vector<10016x16xf32>
    %add3A = arith.addf %get3A_3, %get3A_8 : vector<10016x16xf32>
    %reduce_sum3A = arith.constant dense<0.000000e+00> : vector<10016xf32>
    %reduce_sum3A_9 = vector.multi_reduction <add>, %add3A, %reduce_sum3A [1] : vector<10016x16xf32> to vector<10016xf32>
    %iota3A = tpu.iota {dimensions = array<i32: 0>} : vector<10016x1xi32>
    %add3A_10 = arith.constant 1.000000e+00 : f32
    %add3A_11 = vector.broadcast %add3A_10 : f32 to vector<10016xf32>
    %add3A_12 = arith.addf %reduce_sum3A_9, %add3A_11 : vector<10016xf32>
    %rsqrt3A = math.rsqrt %add3A_12 : vector<10016xf32>
    %broadcast_in_dim3A = vector.shape_cast %rsqrt3A : vector<10016xf32> to vector<10016x1xf32>
    %lt3A = arith.constant 10000 : i32
    %lt3A_13 = vector.broadcast %lt3A : i32 to vector<10016x1xi32>
    %lt3A_14 = arith.cmpi slt, %iota3A, %lt3A_13 : vector<10016x1xi32>
    %jit3A = arith.constant 0.000000e+00 : f32
    %broadcast_in_dim3A_15 = vector.broadcast %jit3A : f32 to vector<10016x1xf32>
    %select_n3A = arith.select %lt3A_14, %broadcast_in_dim3A, %broadcast_in_dim3A_15 : vector<10016x1xi1>, vector<10016x1xf32>
    %broadcast_in_dim3A_16 = vector.shape_cast %select_n3A : vector<10016x1xf32> to vector<10016x1xf32>
    %broadcast_in_dim3A_17 = vector.broadcast %broadcast_in_dim3A_16 : vector<10016x1xf32> to vector<10016x128xf32>
    %get3A_18 = arith.constant 0 : index
    %get3A_19 = arith.constant 0 : index
    %get3A_20 = vector.load %arg1[%get3A_18, %get3A_19] : memref<10016x128xf32, #tpu.memory_space<vmem>>, vector<10016x128xf32>
    %mul3A = arith.mulf %get3A_20, %broadcast_in_dim3A_17 : vector<10016x128xf32>
    %slice3A = vector.extract_strided_slice %mul3A {offsets = [0, 0], sizes = [10016, 64], strides = [1, 1]} : vector<10016x128xf32> to vector<10016x64xf32>
    %swap3A = arith.constant 0 : index
    %swap3A_21 = arith.constant 0 : index
    %swap3A_22 = vector.load %arg2[%swap3A, %swap3A_21] : memref<20032x64xf32, #tpu.memory_space<vmem>>, vector<10016x64xf32>
    tpu.vector_store %arg2[%swap3A, %swap3A_21], %slice3A {strides = array<i32>} : memref<20032x64xf32, #tpu.memory_space<vmem>>, vector<10016x64xf32>,
    %slice3A_23 = vector.extract_strided_slice %mul3A {offsets = [0, 64], sizes = [10016, 64], strides = [1, 1]} : vector<10016x128xf32> to vector<10016x64xf32>
    %swap3A_24 = arith.constant 10016 : index
    %swap3A_25 = arith.constant 0 : index
    %swap3A_26 = vector.load %arg2[%swap3A_24, %swap3A_25] : memref<20032x64xf32, #tpu.memory_space<vmem>>, vector<10016x64xf32>
    tpu.vector_store %arg2[%swap3A_24, %swap3A_25], %slice3A_23 {strides = array<i32>} : memref<20032x64xf32, #tpu.memory_space<vmem>>, vector<10016x64xf32>,
    %swap3A_27 = arith.constant 0 : index
    %swap3A_28 = arith.constant 0 : index
    %swap3A_29 = vector.load %arg3[%swap3A_27, %swap3A_28] : memref<10016x128xf32, #tpu.memory_space<vmem>>, vector<10016x128xf32>
    tpu.vector_store %arg3[%swap3A_27, %swap3A_28], %broadcast_in_dim3A_17 {strides = array<i32>} : memref<10016x128xf32, #tpu.memory_space<vmem>>, vector<10016x128xf32>,
    return
  }
}

module attributes {stable_mosaic.version = 14 : i64} {
  func.func @_mid_body(%arg0: memref<2x10016x64xf32, #tpu.memory_space<vmem>>, %arg1: memref<20032x64xf32, #tpu.memory_space<vmem>>, %arg2: memref<10016x128xf32, #tpu.memory_space<vmem>>, %arg3: memref<1x128xf32, #tpu.memory_space<vmem>>, %arg4: memref<1x128xf32, #tpu.memory_space<vmem>>, %arg5: memref<1x128xf32, #tpu.memory_space<vmem>>, %arg6: memref<128x128xf32, #tpu.memory_space<vmem>>, %arg7: memref<20032x64xf32, #tpu.memory_space<vmem>>) attributes {dimension_semantics = [], scalar_prefetch = 0 : i64, scratch_operands = 0 : i64, tpu.core_type = #tpu.core_type<tc>} {
    %get3A = arith.constant 0 : index
    %get3A_0 = arith.constant 0 : index
    %get3A_1 = arith.constant 0 : index
    %get3A_2 = vector.load %arg0[%get3A, %get3A_0, %get3A_1] : memref<2x10016x64xf32, #tpu.memory_space<vmem>>, vector<1x10016x64xf32>
    %get3A_3 = vector.shape_cast %get3A_2 : vector<1x10016x64xf32> to vector<10016x64xf32>
    %get3A_4 = arith.constant 1 : index
    %get3A_5 = arith.constant 0 : index
    %get3A_6 = arith.constant 0 : index
    %get3A_7 = vector.load %arg0[%get3A_4, %get3A_5, %get3A_6] : memref<2x10016x64xf32, #tpu.memory_space<vmem>>, vector<1x10016x64xf32>
    %get3A_8 = vector.shape_cast %get3A_7 : vector<1x10016x64xf32> to vector<10016x64xf32>
    %concatenate3A = tpu.concatenate %get3A_3, %get3A_8 in 1 : vector<10016x64xf32>, vector<10016x64xf32> -> vector<10016x128xf32>
    %get3A_9 = arith.constant 0 : index
    %get3A_10 = arith.constant 0 : index
    %get3A_11 = vector.load %arg1[%get3A_9, %get3A_10] : memref<20032x64xf32, #tpu.memory_space<vmem>>, vector<10016x64xf32>
    %get3A_12 = arith.constant 10016 : index
    %get3A_13 = arith.constant 0 : index
    %get3A_14 = vector.load %arg1[%get3A_12, %get3A_13] : memref<20032x64xf32, #tpu.memory_space<vmem>>, vector<10016x64xf32>
    %concatenate3A_15 = tpu.concatenate %get3A_11, %get3A_14 in 1 : vector<10016x64xf32>, vector<10016x64xf32> -> vector<10016x128xf32>
    %add3A = arith.addf %concatenate3A, %concatenate3A_15 : vector<10016x128xf32>
    %get3A_16 = arith.constant 0 : index
    %get3A_17 = arith.constant 0 : index
    %get3A_18 = vector.load %arg2[%get3A_16, %get3A_17] : memref<10016x128xf32, #tpu.memory_space<vmem>>, vector<10016x128xf32>
    %mul3A = arith.mulf %add3A, %get3A_18 : vector<10016x128xf32>
    %get3A_19 = arith.constant 0 : index
    %get3A_20 = arith.constant 0 : index
    %get3A_21 = vector.load %arg3[%get3A_19, %get3A_20] : memref<1x128xf32, #tpu.memory_space<vmem>>, vector<1x128xf32>
    %add3A_22 = vector.broadcast %get3A_21 : vector<1x128xf32> to vector<10016x128xf32>
    %add3A_23 = arith.addf %mul3A, %add3A_22 : vector<10016x128xf32>
    %slice3A = vector.extract_strided_slice %add3A_23 {offsets = [0, 0], sizes = [10000, 128], strides = [1, 1]} : vector<10016x128xf32> to vector<10000x128xf32>
    %reduce_sum3A = arith.constant dense<0.000000e+00> : vector<128xf32>
    %reduce_sum3A_24 = vector.multi_reduction <add>, %slice3A, %reduce_sum3A [0] : vector<10000x128xf32> to vector<128xf32>
    %broadcast_in_dim3A = vector.shape_cast %reduce_sum3A_24 : vector<128xf32> to vector<1x128xf32>
    %div3A = arith.constant 1.000000e+04 : f32
    %div3A_25 = vector.broadcast %div3A : f32 to vector<1x128xf32>
    %div3A_26 = arith.divf %broadcast_in_dim3A, %div3A_25 : vector<1x128xf32>
    %sub3A = vector.broadcast %div3A_26 : vector<1x128xf32> to vector<10000x128xf32>
    %sub3A_27 = arith.subf %slice3A, %sub3A : vector<10000x128xf32>
    %integer_pow3A = arith.mulf %sub3A_27, %sub3A_27 : vector<10000x128xf32>
    %reduce_sum3A_28 = arith.constant dense<0.000000e+00> : vector<128xf32>
    %reduce_sum3A_29 = vector.multi_reduction <add>, %integer_pow3A, %reduce_sum3A_28 [0] : vector<10000x128xf32> to vector<128xf32>
    %broadcast_in_dim3A_30 = vector.shape_cast %reduce_sum3A_29 : vector<128xf32> to vector<1x128xf32>
    %div3A_31 = arith.constant 1.000000e+04 : f32
    %div3A_32 = vector.broadcast %div3A_31 : f32 to vector<1x128xf32>
    %div3A_33 = arith.divf %broadcast_in_dim3A_30, %div3A_32 : vector<1x128xf32>
    %sub3A_34 = vector.broadcast %div3A_26 : vector<1x128xf32> to vector<10016x128xf32>
    %sub3A_35 = arith.subf %add3A_23, %sub3A_34 : vector<10016x128xf32>
    %add3A_36 = arith.constant 9.99999974E-6 : f32
    %add3A_37 = vector.broadcast %add3A_36 : f32 to vector<1x128xf32>
    %add3A_38 = arith.addf %div3A_33, %add3A_37 : vector<1x128xf32>
    %rsqrt3A = math.rsqrt %add3A_38 : vector<1x128xf32>
    %mul3A_39 = vector.broadcast %rsqrt3A : vector<1x128xf32> to vector<10016x128xf32>
    %mul3A_40 = arith.mulf %sub3A_35, %mul3A_39 : vector<10016x128xf32>
    %get3A_41 = arith.constant 0 : index
    %get3A_42 = arith.constant 0 : index
    %get3A_43 = vector.load %arg4[%get3A_41, %get3A_42] : memref<1x128xf32, #tpu.memory_space<vmem>>, vector<1x128xf32>
    %mul3A_44 = vector.broadcast %get3A_43 : vector<1x128xf32> to vector<10016x128xf32>
    %mul3A_45 = arith.mulf %mul3A_40, %mul3A_44 : vector<10016x128xf32>
    %get3A_46 = arith.constant 0 : index
    %get3A_47 = arith.constant 0 : index
    %get3A_48 = vector.load %arg5[%get3A_46, %get3A_47] : memref<1x128xf32, #tpu.memory_space<vmem>>, vector<1x128xf32>
    %add3A_49 = vector.broadcast %get3A_48 : vector<1x128xf32> to vector<10016x128xf32>
    %add3A_50 = arith.addf %mul3A_45, %add3A_49 : vector<10016x128xf32>
    %max3A = arith.constant 0.000000e+00 : f32
    %max3A_51 = vector.broadcast %max3A : f32 to vector<10016x128xf32>
    %max3A_52 = arith.maximumf %add3A_50, %max3A_51 : vector<10016x128xf32>
    %get3A_53 = arith.constant 0 : index
    %get3A_54 = arith.constant 0 : index
    %get3A_55 = vector.load %arg6[%get3A_53, %get3A_54] : memref<128x128xf32, #tpu.memory_space<vmem>>, vector<128x128xf32>
    %dot_general3A = arith.constant dense<0.000000e+00> : vector<10016x128xf32>
    %dot_general3A_56 = tpu.matmul %max3A_52, %get3A_55, %dot_general3A {dimension_numbers = #tpu.dot_dimension_numbers<[1], [0], [0], [1], [0, 0, 1, 1], [], []>, transpose_lhs_hint = false} : vector<10016x128xf32>, vector<128x128xf32>, vector<10016x128xf32> -> vector<10016x128xf32>
    %get3A_57 = arith.constant 0 : index
    %get3A_58 = arith.constant 0 : index
    %get3A_59 = vector.load %arg2[%get3A_57, %get3A_58] : memref<10016x128xf32, #tpu.memory_space<vmem>>, vector<10016x128xf32>
    %mul3A_60 = arith.mulf %dot_general3A_56, %get3A_59 : vector<10016x128xf32>
    %slice3A_61 = vector.extract_strided_slice %mul3A_60 {offsets = [0, 0], sizes = [10016, 64], strides = [1, 1]} : vector<10016x128xf32> to vector<10016x64xf32>
    %swap3A = arith.constant 0 : index
    %swap3A_62 = arith.constant 0 : index
    %swap3A_63 = vector.load %arg7[%swap3A, %swap3A_62] : memref<20032x64xf32, #tpu.memory_space<vmem>>, vector<10016x64xf32>
    tpu.vector_store %arg7[%swap3A, %swap3A_62], %slice3A_61 {strides = array<i32>} : memref<20032x64xf32, #tpu.memory_space<vmem>>, vector<10016x64xf32>,
    %slice3A_64 = vector.extract_strided_slice %mul3A_60 {offsets = [0, 64], sizes = [10016, 64], strides = [1, 1]} : vector<10016x128xf32> to vector<10016x64xf32>
    %swap3A_65 = arith.constant 10016 : index
    %swap3A_66 = arith.constant 0 : index
    %swap3A_67 = vector.load %arg7[%swap3A_65, %swap3A_66] : memref<20032x64xf32, #tpu.memory_space<vmem>>, vector<10016x64xf32>
    tpu.vector_store %arg7[%swap3A_65, %swap3A_66], %slice3A_64 {strides = array<i32>} : memref<20032x64xf32, #tpu.memory_space<vmem>>, vector<10016x64xf32>,
    return
  }
}

module attributes {stable_mosaic.version = 14 : i64} {
  func.func @_fin_body(%arg0: memref<2x10016x64xf32, #tpu.memory_space<vmem>>, %arg1: memref<20032x64xf32, #tpu.memory_space<vmem>>, %arg2: memref<10016x128xf32, #tpu.memory_space<vmem>>, %arg3: memref<1x128xf32, #tpu.memory_space<vmem>>, %arg4: memref<128x128xf32, #tpu.memory_space<vmem>>, %arg5: memref<1x128xf32, #tpu.memory_space<vmem>>, %arg6: memref<128x128xf32, #tpu.memory_space<vmem>>, %arg7: memref<1x128xf32, #tpu.memory_space<vmem>>, %arg8: memref<10016x128xf32, #tpu.memory_space<vmem>>) attributes {dimension_semantics = [], scalar_prefetch = 0 : i64, scratch_operands = 0 : i64, tpu.core_type = #tpu.core_type<tc>} {
    %get3A = arith.constant 0 : index
    %get3A_0 = arith.constant 0 : index
    %get3A_1 = arith.constant 0 : index
    %get3A_2 = vector.load %arg0[%get3A, %get3A_0, %get3A_1] : memref<2x10016x64xf32, #tpu.memory_space<vmem>>, vector<1x10016x64xf32>
    %get3A_3 = vector.shape_cast %get3A_2 : vector<1x10016x64xf32> to vector<10016x64xf32>
    %get3A_4 = arith.constant 1 : index
    %get3A_5 = arith.constant 0 : index
    %get3A_6 = arith.constant 0 : index
    %get3A_7 = vector.load %arg0[%get3A_4, %get3A_5, %get3A_6] : memref<2x10016x64xf32, #tpu.memory_space<vmem>>, vector<1x10016x64xf32>
    %get3A_8 = vector.shape_cast %get3A_7 : vector<1x10016x64xf32> to vector<10016x64xf32>
    %concatenate3A = tpu.concatenate %get3A_3, %get3A_8 in 1 : vector<10016x64xf32>, vector<10016x64xf32> -> vector<10016x128xf32>
    %get3A_9 = arith.constant 0 : index
    %get3A_10 = arith.constant 0 : index
    %get3A_11 = vector.load %arg1[%get3A_9, %get3A_10] : memref<20032x64xf32, #tpu.memory_space<vmem>>, vector<10016x64xf32>
    %get3A_12 = arith.constant 10016 : index
    %get3A_13 = arith.constant 0 : index
    %get3A_14 = vector.load %arg1[%get3A_12, %get3A_13] : memref<20032x64xf32, #tpu.memory_space<vmem>>, vector<10016x64xf32>
    %concatenate3A_15 = tpu.concatenate %get3A_11, %get3A_14 in 1 : vector<10016x64xf32>, vector<10016x64xf32> -> vector<10016x128xf32>
    %add3A = arith.addf %concatenate3A, %concatenate3A_15 : vector<10016x128xf32>
    %get3A_16 = arith.constant 0 : index
    %get3A_17 = arith.constant 0 : index
    %get3A_18 = vector.load %arg2[%get3A_16, %get3A_17] : memref<10016x128xf32, #tpu.memory_space<vmem>>, vector<10016x128xf32>
    %mul3A = arith.mulf %add3A, %get3A_18 : vector<10016x128xf32>
    %get3A_19 = arith.constant 0 : index
    %get3A_20 = arith.constant 0 : index
    %get3A_21 = vector.load %arg3[%get3A_19, %get3A_20] : memref<1x128xf32, #tpu.memory_space<vmem>>, vector<1x128xf32>
    %add3A_22 = vector.broadcast %get3A_21 : vector<1x128xf32> to vector<10016x128xf32>
    %add3A_23 = arith.addf %mul3A, %add3A_22 : vector<10016x128xf32>
    %get3A_24 = arith.constant 0 : index
    %get3A_25 = arith.constant 0 : index
    %get3A_26 = vector.load %arg4[%get3A_24, %get3A_25] : memref<128x128xf32, #tpu.memory_space<vmem>>, vector<128x128xf32>
    %dot_general3A = arith.constant dense<0.000000e+00> : vector<10016x128xf32>
    %dot_general3A_27 = tpu.matmul %add3A_23, %get3A_26, %dot_general3A {dimension_numbers = #tpu.dot_dimension_numbers<[1], [0], [0], [1], [0, 0, 1, 1], [], []>, transpose_lhs_hint = false} : vector<10016x128xf32>, vector<128x128xf32>, vector<10016x128xf32> -> vector<10016x128xf32>
    %get3A_28 = arith.constant 0 : index
    %get3A_29 = arith.constant 0 : index
    %get3A_30 = vector.load %arg5[%get3A_28, %get3A_29] : memref<1x128xf32, #tpu.memory_space<vmem>>, vector<1x128xf32>
    %add3A_31 = vector.broadcast %get3A_30 : vector<1x128xf32> to vector<10016x128xf32>
    %add3A_32 = arith.addf %dot_general3A_27, %add3A_31 : vector<10016x128xf32>
    %max3A = arith.constant 0.000000e+00 : f32
    %max3A_33 = vector.broadcast %max3A : f32 to vector<10016x128xf32>
    %max3A_34 = arith.maximumf %add3A_32, %max3A_33 : vector<10016x128xf32>
    %get3A_35 = arith.constant 0 : index
    %get3A_36 = arith.constant 0 : index
    %get3A_37 = vector.load %arg6[%get3A_35, %get3A_36] : memref<128x128xf32, #tpu.memory_space<vmem>>, vector<128x128xf32>
    %dot_general3A_38 = arith.constant dense<0.000000e+00> : vector<10016x128xf32>
    %dot_general3A_39 = tpu.matmul %max3A_34, %get3A_37, %dot_general3A_38 {dimension_numbers = #tpu.dot_dimension_numbers<[1], [0], [0], [1], [0, 0, 1, 1], [], []>, transpose_lhs_hint = false} : vector<10016x128xf32>, vector<128x128xf32>, vector<10016x128xf32> -> vector<10016x128xf32>
    %get3A_40 = arith.constant 0 : index
    %get3A_41 = arith.constant 0 : index
    %get3A_42 = vector.load %arg7[%get3A_40, %get3A_41] : memref<1x128xf32, #tpu.memory_space<vmem>>, vector<1x128xf32>
    %add3A_43 = vector.broadcast %get3A_42 : vector<1x128xf32> to vector<10016x128xf32>
    %add3A_44 = arith.addf %dot_general3A_39, %add3A_43 : vector<10016x128xf32>
    %swap3A = arith.constant 0 : index
    %swap3A_45 = arith.constant 0 : index
    %swap3A_46 = vector.load %arg8[%swap3A, %swap3A_45] : memref<10016x128xf32, #tpu.memory_space<vmem>>, vector<10016x128xf32>
    tpu.vector_store %arg8[%swap3A, %swap3A_45], %add3A_44 {strides = array<i32>} : memref<10016x128xf32, #tpu.memory_space<vmem>>, vector<10016x128xf32>,
    return
  }
}

</mosaic_0001>

<sc_bundles>
// kernel: kernel.10.cloned.1.call-start
scs
__scs_entry_jumppad:
0x0: {  	(pc) =	sbr.rel $0x88, $3  }
0x1: {  	(tag) =	ssettag $0x0;
	lr =	simm.s32 $0x1  }
0x2: {  	[smem:$0x3F94] =	sst lr;
	_ =	strace $0xD0000000  }
0x3: {  	_ = 	snop  }
0x4: {  	_ = 	snop  }
0x5: {  	_ = 	snop  }
0x6: {  	_ = 	snop  }
0x7: {  	_ = 	snop  }
__scs_overlays_trampoline_lowered:
0x8: {  	[smem:$0x3FA3] =	sst s0  }
0x9: {  	[smem:$0x3FA4] =	sst s1  }
0xa: {  	[smem:$0x3FA5] =	sst s2  }
0xb: {  	[smem:$0x3FA6] =	sst s3  }
0xc: {  	[smem:$0x3FA7] =	sst s4  }
0xd: {  	[smem:$0x3FA8] =	sst s5  }
0xe: {  	[smem:$0x3FA9] =	sst s6  }
0xf: {  	[smem:$0x3FAA] =	sst s7  }
0x10: {  	[smem:$0x3FAB] =	sst s8  }
0x11: {  	[smem:$0x3FAC] =	sst s9;
	s0 =	simm.s32 @!p0 $0x0  }
0x12: {  	s1 =	sld [smem:$0x3F92];
	s0 =	simm.s32 @p0 $0x1  }
0x13: {  	[smem:$0x3FAD] =	sst s0;
	s0 =	simm.s32 @!p1 $0x0  }
0x14: {  	s2 =	sld [smem:$0x3F91];
	s0 =	simm.s32 @p1 $0x1  }
0x15: {  	[smem:$0x3FAE] =	sst s0;
	s0 =	simm.s32 @!p2 $0x0  }
0x16: {  	s3 =	sld [smem:$0x3FDB];
	s0 =	simm.s32 @p2 $0x1  }
0x17: {  	s4 =	simm.s32 $0x1BF5;
	[smem:$0x3FB0] =	sst s0  }
0x18: {  	s0 =	sld [smem:$0x3F93];
	_ =	swait.ge [sflag:s4], $0x0  }
0x19: {  	s7 =	sld [smem:$0x3F94]  }
0x1a: {  	s8 =	sadd.s32 $0xFFFFE003, lr  }
0x1b: {  	s9 =	sadd.s32 $0xFFFFFEF7, lr;
	s5 =	simm.s32 $0xFFFFFFFF;
	p2 =	slt.u32 s8, $0xFFFFF086  }
0x1c: {  	p1 =	slt.u32 s9, $0xF7A;
	s5 =	simm.s32 @!p2 $0x0  }
0x1d: {  	s5 =	simm.s32 @p1 $0x1;
	p0 =	seq.s32 s7, s2  }
0x1e: {  	s7 =	smul.u32 @!p0 $0xF7A, s2;
	p2 =	seq.s32 @!p0 s5, $0x0  }
0x1f: {  	s9 =	smul.u32 $0xF7A, s1;
	s8 =	simm.s32 @!p0 $0x1BF5;
	p2 =	por !p2, p0  }
0x20: {  	[sflag:s8] =	ssyncset.s32 @!p0 $0xFFFFF086;
	s6 =	sadd.s32 @!p0 s3, s7;
	s7 =	simm.s32 @!p0 $0x108  }
0x21: {  	s3 =	sadd.s32 s3, s9;
	s6 =	sadd.s32 @!p0 $0x88, s6;
	s7 =	simm.s32 @p2 $0x1082  }
0x22: {  	[simem:s7], [sflag:s8] =	dma.local @!p0 [hbm:s6], $0xF7A  }
0x23: {  	s9 =	sor.u32 $0xD0000000, s2;
	s6 =	simm.s32 $0x108;
	_ =	swait.ge @!p0 [sflag:s8], $0x0  }
0x24: {  	s3 =	sadd.s32 $0x88, s3;
	s6 =	simm.s32 @!p1 $0x1082;
	[sflag:s4] =	ssyncset.s32 $0xFFFFF086  }
0x25: {  	[simem:s6], [sflag:s4] =	dma.local [hbm:s3], $0xF7A  }
0x26: {  	[smem:$0x3F94] =	sst s1;
	(tag) =	ssettag s2;
	_ =	strace s9  }
0x27: {  	s1 =	sld [smem:$0x3FA4]  }
0x28: {  	s2 =	sld [smem:$0x3FA5]  }
0x29: {  	s4 =	sld [smem:$0x3FA7]  }
0x2a: {  	p0 =	seq.s32 s5, $0x0;
	s5 =	sld [smem:$0x3FA8]  }
0x2b: {  	s6 =	sld [smem:$0x3FA9]  }
0x2c: {  	s7 =	sld [smem:$0x3FAA]  }
0x2d: {  	s3 =	simm.s32 $0x108;
	s8 =	sld [smem:$0x3FAB]  }
0x2e: {  	s3 =	simm.s32 @!p0 $0x1082;
	s9 =	sld [smem:$0x3FAC]  }
0x2f: {  	lr =	sadd.s32 s0, s3;
	s0 =	sld [smem:$0x3FA3]  }
0x30: {  	s3 =	sld [smem:$0x3FA6]  }
0x31: {  	[smem:$0x3FAF] =	sst s10  }
0x32: {  	s10 =	sld [smem:$0x3FAD];
	_ =	sdelay $0x3  }
0x33: {  	p0 =	seq.s32 s10, $0x1;
	s10 =	sld [smem:$0x3FAF];
	_ =	sdelay $0x3  }
0x34: {  	[smem:$0x3FAF] =	sst s10  }
0x35: {  	s10 =	sld [smem:$0x3FAE];
	_ =	sdelay $0x3  }
0x36: {  	p1 =	seq.s32 s10, $0x1;
	s10 =	sld [smem:$0x3FAF];
	_ =	sdelay $0x3  }
0x37: {  	[smem:$0x3FAF] =	sst s10  }
0x38: {  	s10 =	sld [smem:$0x3FB0]  }
0x39: {  	_ = 	snop;
	(pc) =	sbr.ind lr, $3  }
0x3a: {  	_ = 	snop  }
0x3b: {  	_ = 	snop  }
0x3c: {  	p2 =	seq.s32 s10, $0x1;
	s10 =	sld [smem:$0x3FAF]  }
0x3d: {  	_ =	shalt  }
0x3e: {  	_ =	shalt  }
0x3f: {  	_ =	shalt  }
0x40: {  	_ =	shalt  }
0x41: {  	_ =	shalt  }
0x42: {  	_ =	shalt  }
0x43: {  	_ =	shalt  }
0x44: {  	_ =	shalt  }
0x45: {  	_ =	shalt  }
0x46: {  	_ =	shalt  }
0x47: {  	_ =	shalt  }
0x48: {  	_ =	shalt  }
0x49: {  	_ =	shalt  }
0x4a: {  	_ =	shalt  }
0x4b: {  	_ =	shalt  }
0x4c: {  	_ =	shalt  }
0x4d: {  	_ =	shalt  }
0x4e: {  	_ =	shalt  }
0x4f: {  	_ =	shalt  }
0x50: {  	_ =	shalt  }
0x51: {  	_ =	shalt  }
0x52: {  	_ =	shalt  }
0x53: {  	_ =	shalt  }
0x54: {  	_ =	shalt  }
0x55: {  	_ =	shalt  }
0x56: {  	_ =	shalt  }
0x57: {  	_ =	shalt  }
0x58: {  	_ =	shalt  }
0x59: {  	_ =	shalt  }
0x5a: {  	_ =	shalt  }
0x5b: {  	_ =	shalt  }
0x5c: {  	_ =	shalt  }
0x5d: {  	_ =	shalt  }
0x5e: {  	_ =	shalt  }
0x5f: {  	_ =	shalt  }
0x60: {  	_ =	shalt  }
0x61: {  	_ =	shalt  }
0x62: {  	_ =	shalt  }
0x63: {  	_ =	shalt  }
0x64: {  	_ =	shalt  }
0x65: {  	_ =	shalt  }
0x66: {  	_ =	shalt  }
0x67: {  	_ =	shalt  }
0x68: {  	_ =	shalt  }
0x69: {  	_ =	shalt  }
0x6a: {  	_ =	shalt  }
0x6b: {  	_ =	shalt  }
0x6c: {  	_ =	shalt  }
0x6d: {  	_ =	shalt  }
0x6e: {  	_ =	shalt  }
0x6f: {  	_ =	shalt  }
0x70: {  	_ =	shalt  }
0x71: {  	_ =	shalt  }
0x72: {  	_ =	shalt  }
0x73: {  	_ =	shalt  }
0x74: {  	_ =	shalt  }
0x75: {  	_ =	shalt  }
0x76: {  	_ =	shalt  }
0x77: {  	_ =	shalt  }
0x78: {  	_ =	shalt  }
0x79: {  	_ =	shalt  }
0x7a: {  	_ =	shalt  }
0x7b: {  	_ =	shalt  }
0x7c: {  	_ =	shalt  }
0x7d: {  	_ =	shalt  }
0x7e: {  	_ =	shalt  }
0x7f: {  	_ =	shalt  }
0x80: {  	_ =	shalt  }
0x81: {  	_ =	shalt  }
0x82: {  	_ =	shalt  }
0x83: {  	_ =	shalt  }
0x84: {  	_ =	shalt  }
0x85: {  	_ =	shalt  }
0x86: {  	_ =	shalt  }
0x87: {  	_ =	shalt  }
.Lfunc_end0:
.L_simem_size_0:
called_computation_lowered:
.L_overlay_start_0:
0x88: {  	s2 =	sld [smem:$0x3FD9]  }
0x89: {  	s3 =	sld [smem:$0x3FFE];
	_ =	sdelay $0x1  }
0x8a: {  	s1 =	srdreg.scid  }
0x8b: {  	s0 =	sand.u32 $0x1, s1  }
0x8c: {  	s17 =	sshll.u32 s0, $0xA;
	s2 =	sadd.s32 s3, s2  }
0x8d: {  	s2 =	sadd.s32 s2, s17  }
0x8e: {  	[smem:$0x3FBB] =	sst s2  }
0x8f: {  	_ = 	snop  }
0x90: {  	s2 =	sld [smem:$0x3FD0];
	(tm) =	ssettm $0x1  }
0x91: {  	s18 =	sld [smem:$0x3FFB];
	_ =	sdelay $0x3  }
0x92: {  	_ =	strace s18  }
0x93: {  	s3 =	sld [smem:$0x3FFC];
	_ =	sdelay $0x3  }
0x94: {  	_ =	strace s3  }
0x95: {  	s3 =	sld [smem:$0x3FFD];
	_ =	sdelay $0x3  }
0x96: {  	_ =	strace s3  }
0x97: {  	_ =	strace $0x8FFFFFFF  }
0x98: {  	s19 =	sld [smem:$0x3FDB];
	_ =	sdelay $0x1  }
0x99: {  	s4 =	simm.s32 $_scs_section_size  }
0x9a: {  	s5 =	simm.s32 $_size__tile_overlayer_lowered;
	s6 =	simm.s32 $_tile_overlayer_lowered  }
0x9b: {  	s22 =	simm.s32 $0x1BFF;
	s21 =	sshll.u32 s6, $0x1;
	s3 =	sadd.s32 s4, s19  }
0x9c: {  	s7 =	simm.s32 $0x0;
	s20 =	sshll.u32 s5, $0x1;
	s5 =	sadd.s32 s21, s3  }
0x9d: {  	[timem:s7], [sflag:s22] =	dma.local [hbm:s5], s20  }
0x9e: {  	_ =	swait.ge [sflag:s22], s20  }
0x9f: {  	s4 =	ssub.s32 $0x0, s20;
	[sflag:s22] =	ssyncset.done $0x0  }
0xa0: {  	[sflag:s22] =	ssyncadd.s32 s4;
	_ =	sdelay $0x1  }
0xa1: {  	s23 =	simm.s32 $0x1B8B  }
0xa2: {  	_ =	swait.ge [sflag:s23], $0x1  }
0xa3: {  	[sflag:s23] =	ssyncset.done $0x0  }
0xa4: {  	s25 =	simm.s32 $0x1B8E;
	s24 =	sld [smem:$0x3FFE];
	[sflag:s23] =	ssyncadd.s32 $0xFFFFFFFF  }
0xa5: {  	s26 =	simm.s32 $execute0_lowered;
	[smem:$0x3FD2] =	sst s25  }
0xa6: {  	s5 =	sshll.u32 s26, $0x1;
	_ =	strace $0x80000046;
	[dreg:$0x1] =	wrdreg $0xFFFFFFFF  }
0xa7: {  	s28 =	simm.s32 $_size_execute0_lowered;
	s3 =	sadd.s32 s3, s5;
	[dreg:$0x0] =	wrdreg $0x0  }
0xa8: {  	s5 =	sshll.u32 s28, $0x1;
	[dreg:$0x2] =	wrdreg s3  }
0xa9: {  	[dreg:$0x3] =	wrdreg s5  }
0xaa: {  	[dreg:$0x4] =	wrdreg $0xC0  }
0xab: {  	_ =	task [dreg:s7], $0x5FFFF  }
0xac: {  	[dreg:$0x1] =	wrdreg $0xFFFFFFFF  }
0xad: {  	[dreg:$0x0] =	wrdreg $0x60  }
0xae: {  	[dreg:$0x2] =	wrdreg s2  }
0xaf: {  	[dreg:$0x3] =	wrdreg s24  }
0xb0: {  	[dreg:$0x4] =	wrdreg $0x48000  }
0xb1: {  	[dreg:$0x5] =	wrdreg $0x9  }
0xb2: {  	_ =	task.clear_ibuf [dreg:s7], $0x6FFFF;
	_ =	strace $0x90000046  }
0xb3: {  	s29 =	simm.s32 $0x9;
	_ =	strace $0x80000048  }
0xb4: {  	_ =	swait.ge [sflag:s29], $0x1  }
0xb5: {  	[sflag:s29] =	ssyncadd.s32 $0xFFFFFFFF  }
0xb6: {  	_ =	strace $0x90000048  }
0xb7: {  	_ =	sfence  }
0xb8: {  	s30 =	sld [smem:$0x0];
	_ =	sdelay $0x2  }
0xb9: {  	s31 =	sshll.u32 s1, $0xD;
	s1 =	sshrl.u32 s1, $0x2  }
0xba: {  	s3 =	sand.u32 $0x4000, s31;
	s1 =	sadd.s32 s1, s30  }
0xbb: {  	s0 =	sor.u32 s3, s0;
	s1 =	sshll.u32 s1, $0x11  }
0xbc: {  	s0 =	sor.u32 s1, s0  }
0xbd: {  	s0 =	sadd.s32 $0x8F2B, s0  }
0xbe: {  	[sflag:s0] =	ssyncadd.remote.s32 $0x1  }
0xbf: {  	_ =	sfence.sel $0xFFFF  }
0xc0: {  	[dreg:$0x0] =	wrdreg $0xFFFFFFFF;
	(pc) =	sbr.abs _section_cstart, $3  }
0xc1: {  	[dreg:$0x1] =	wrdreg $0xFFFFFFFF  }
0xc2: {  	_ =	task.clear_ibuf [dreg:s7], $0x2FFFF;
	_ =	strace $0x9FFFFFFF  }
0xc3: {  	(tm) =	ssettm $0x7FFFFFFF  }
tec
execute0_lowered:
.L_overlay_start_1:
0x0: {  	(tag) =	ssettag $0x1  }
0x1: {  	s0 =	srdreg.scid  }
0x2: {  	s31 =	sand.u32 $0x1, s0  }
0x3: {  	s4 =	rddreg [dreg:$0x0];
	s1 =	stileid.u32;
	s0 =	sshll.u32 s31, $0x4  }
0x4: {  	s30 =	rddreg [dreg:$0x1];
	s3 =	simm.s32 $0x0;
	s0 =	sor.u32 s1, s0  }
0x5: {  	[smem:$0x7FF] =	sst s3;
	s5 =	smul.u32 $0x500, s0  }
0x6: {  	s2 =	rddreg [dreg:$0x2];
	s6 =	sadd.s32 $0x3000, s30;
	_ =	strace $0x80000047  }
0x7: {  	[dreg:$0x4] =	wrdreg s6;
	s5 =	sadd.s32 s4, s5;
	s4 =	simm.s32 $0x1  }
0x8: {  	[tilespmem:s3], [sflag:$0x1] =	stream.linear.gather [hbm4b:s5+s3], $0x2800, $0x38;
	[tilespmem:$0x6F20] =	vst v63  }
0x9: {  	_ =	swait.ge [sflag:s4], $0x2800  }
0xa: {  	s8 =	smul.u32 $0x9C80, s1;
	[sflag:s4] =	ssyncset.done $0x0  }
0xb: {  	s6 =	simm.s32 $0x2800;
	s7 =	rddreg [dreg:$0x4];
	[sflag:s4] =	ssyncadd.s32 $0xFFFFD800  }
0xc: {  	[tilespmem:s6], [sflag:$0x1] =	stream.linear.gather [hbm4b:s7+s3], $0x2000, $0x38;
	[tilespmem:$0x6F20] =	vst v63  }
0xd: {  	s26 =	sshll.u32 s1, $0x6;
	s8 =	sshrl.u32 s8, $0x2;
	_ =	swait.ge [sflag:s4], $0x2000  }
0xe: {  	s9 =	sadd.s32 s8, s2;
	s8 =	sor.u32 $0x1C01, s26;
	[sflag:s4] =	ssyncset.done $0x0  }
0xf: {  	s9 =	sshrl.u32 s9, $0x3;
	s7 =	sadd.s32 $0x3400, s30;
	[sflag:s4] =	ssyncadd.s32 $0xFFFFE000  }
0x10: {  	[spmem:s9], [sflag:s8] =	dma.local [hbm:s7], $0x4E4  }
0x11: {  	_ =	swait.ge [sflag:s4], $0x4E4  }
0x12: {  	[sflag:s4] =	ssyncset.done $0x0  }
0x13: {  	[sflag:s4] =	ssyncadd.s32 $0xFFFFFB1C  }
0x14: {  	s10 =	simm.s32 $0x200;
	[bflag:$0x0] =	sbarrier.arrive $0xFFFF  }
0x15: {  	[spmem:s2] =	stream.indirect.scatter.add.f32 [tilespmem:s6], [sflag:$0x1], $0x10, s3, s10, $0xb8;
	[tilespmem:$0x6F20] =	vst v63  }
0x16: {  	_ =	swait.ge [sflag:s4], $0x2000  }
0x17: {  	[sflag:s4] =	ssyncset.done $0x0  }
0x18: {  	[sflag:s4] =	ssyncadd.s32 $0xFFFFE000  }
0x19: {  	[spmem:s2] =	stream.indirect.scatter.add.f32 [tilespmem:s6], [sflag:$0x1], $0x10, s10, s10, $0xb8;
	[tilespmem:$0x6F20] =	vst v63  }
0x1a: {  	_ =	swait.ge [sflag:s4], $0x2000  }
0x1b: {  	[sflag:s4] =	ssyncset.done $0x0  }
0x1c: {  	s11 =	simm.s32 $0x400;
	[sflag:s4] =	ssyncadd.s32 $0xFFFFE000  }
0x1d: {  	[spmem:s2] =	stream.indirect.scatter.add.f32 [tilespmem:s6], [sflag:$0x1], $0x10, s11, s10, $0xb8;
	[tilespmem:$0x6F20] =	vst v63  }
0x1e: {  	_ =	swait.ge [sflag:s4], $0x2000  }
0x1f: {  	[sflag:s4] =	ssyncset.done $0x0  }
0x20: {  	s12 =	simm.s32 $0x600;
	[sflag:s4] =	ssyncadd.s32 $0xFFFFE000  }
0x21: {  	[spmem:s2] =	stream.indirect.scatter.add.f32 [tilespmem:s6], [sflag:$0x1], $0x10, s12, s10, $0xb8;
	[tilespmem:$0x6F20] =	vst v63  }
0x22: {  	_ =	swait.ge [sflag:s4], $0x2000  }
0x23: {  	[sflag:s4] =	ssyncset.done $0x0  }
0x24: {  	s13 =	simm.s32 $0x800;
	[sflag:s4] =	ssyncadd.s32 $0xFFFFE000  }
0x25: {  	[spmem:s2] =	stream.indirect.scatter.add.f32 [tilespmem:s6], [sflag:$0x1], $0x10, s13, s10, $0xb8;
	[tilespmem:$0x6F20] =	vst v63  }
0x26: {  	_ =	swait.ge [sflag:s4], $0x2000  }
0x27: {  	[sflag:s4] =	ssyncset.done $0x0  }
0x28: {  	s14 =	simm.s32 $0xA00;
	[sflag:s4] =	ssyncadd.s32 $0xFFFFE000  }
0x29: {  	[spmem:s2] =	stream.indirect.scatter.add.f32 [tilespmem:s6], [sflag:$0x1], $0x10, s14, s10, $0xb8;
	[tilespmem:$0x6F20] =	vst v63  }
0x2a: {  	_ =	swait.ge [sflag:s4], $0x2000  }
0x2b: {  	[sflag:s4] =	ssyncset.done $0x0  }
0x2c: {  	s15 =	simm.s32 $0xC00;
	[sflag:s4] =	ssyncadd.s32 $0xFFFFE000  }
0x2d: {  	[spmem:s2] =	stream.indirect.scatter.add.f32 [tilespmem:s6], [sflag:$0x1], $0x10, s15, s10, $0xb8;
	[tilespmem:$0x6F20] =	vst v63  }
0x2e: {  	_ =	swait.ge [sflag:s4], $0x2000  }
0x2f: {  	[sflag:s4] =	ssyncset.done $0x0  }
0x30: {  	s16 =	simm.s32 $0xE00;
	[sflag:s4] =	ssyncadd.s32 $0xFFFFE000  }
0x31: {  	[spmem:s2] =	stream.indirect.scatter.add.f32 [tilespmem:s6], [sflag:$0x1], $0x10, s16, s10, $0xb8;
	[tilespmem:$0x6F20] =	vst v63  }
0x32: {  	_ =	swait.ge [sflag:s4], $0x2000  }
0x33: {  	[sflag:s4] =	ssyncset.done $0x0  }
0x34: {  	s17 =	simm.s32 $0x1000;
	[sflag:s4] =	ssyncadd.s32 $0xFFFFE000  }
0x35: {  	[spmem:s2] =	stream.indirect.scatter.add.f32 [tilespmem:s6], [sflag:$0x1], $0x10, s17, s10, $0xb8;
	[tilespmem:$0x6F20] =	vst v63  }
0x36: {  	_ =	swait.ge [sflag:s4], $0x2000  }
0x37: {  	[sflag:s4] =	ssyncset.done $0x0  }
0x38: {  	s18 =	simm.s32 $0x1200;
	[sflag:s4] =	ssyncadd.s32 $0xFFFFE000  }
0x39: {  	[spmem:s2] =	stream.indirect.scatter.add.f32 [tilespmem:s6], [sflag:$0x1], $0x10, s18, s10, $0xb8;
	[tilespmem:$0x6F20] =	vst v63  }
0x3a: {  	_ =	swait.ge [sflag:s4], $0x2000  }
0x3b: {  	[sflag:s4] =	ssyncset.done $0x0  }
0x3c: {  	s19 =	simm.s32 $0x1400;
	[sflag:s4] =	ssyncadd.s32 $0xFFFFE000  }
0x3d: {  	[spmem:s2] =	stream.indirect.scatter.add.f32 [tilespmem:s6], [sflag:$0x1], $0x10, s19, s10, $0xb8;
	[tilespmem:$0x6F20] =	vst v63  }
0x3e: {  	_ =	swait.ge [sflag:s4], $0x2000  }
0x3f: {  	[sflag:s4] =	ssyncset.done $0x0  }
0x40: {  	s20 =	simm.s32 $0x1600;
	[sflag:s4] =	ssyncadd.s32 $0xFFFFE000  }
0x41: {  	[spmem:s2] =	stream.indirect.scatter.add.f32 [tilespmem:s6], [sflag:$0x1], $0x10, s20, s10, $0xb8;
	[tilespmem:$0x6F20] =	vst v63  }
0x42: {  	_ =	swait.ge [sflag:s4], $0x2000  }
0x43: {  	[sflag:s4] =	ssyncset.done $0x0  }
0x44: {  	s21 =	simm.s32 $0x1800;
	[sflag:s4] =	ssyncadd.s32 $0xFFFFE000  }
0x45: {  	[spmem:s2] =	stream.indirect.scatter.add.f32 [tilespmem:s6], [sflag:$0x1], $0x10, s21, s10, $0xb8;
	[tilespmem:$0x6F20] =	vst v63  }
0x46: {  	_ =	swait.ge [sflag:s4], $0x2000  }
0x47: {  	[sflag:s4] =	ssyncset.done $0x0  }
0x48: {  	s22 =	simm.s32 $0x1A00;
	[sflag:s4] =	ssyncadd.s32 $0xFFFFE000  }
0x49: {  	[spmem:s2] =	stream.indirect.scatter.add.f32 [tilespmem:s6], [sflag:$0x1], $0x10, s22, s10, $0xb8;
	[tilespmem:$0x6F20] =	vst v63  }
0x4a: {  	_ =	swait.ge [sflag:s4], $0x2000  }
0x4b: {  	[sflag:s4] =	ssyncset.done $0x0  }
0x4c: {  	s23 =	simm.s32 $0x1C00;
	[sflag:s4] =	ssyncadd.s32 $0xFFFFE000  }
0x4d: {  	[spmem:s2] =	stream.indirect.scatter.add.f32 [tilespmem:s6], [sflag:$0x1], $0x10, s23, s10, $0xb8;
	[tilespmem:$0x6F20] =	vst v63  }
0x4e: {  	_ =	swait.ge [sflag:s4], $0x2000  }
0x4f: {  	[sflag:s4] =	ssyncset.done $0x0  }
0x50: {  	s24 =	simm.s32 $0x1E00;
	[sflag:s4] =	ssyncadd.s32 $0xFFFFE000  }
0x51: {  	[spmem:s2] =	stream.indirect.scatter.add.f32 [tilespmem:s6], [sflag:$0x1], $0x10, s24, s10, $0xb8;
	[tilespmem:$0x6F20] =	vst v63  }
0x52: {  	_ =	swait.ge [sflag:s4], $0x2000  }
0x53: {  	[sflag:s4] =	ssyncset.done $0x0  }
0x54: {  	s25 =	simm.s32 $0x2000;
	[sflag:s4] =	ssyncadd.s32 $0xFFFFE000  }
0x55: {  	[spmem:s2] =	stream.indirect.scatter.add.f32 [tilespmem:s6], [sflag:$0x1], $0x10, s25, s10, $0xb8;
	[tilespmem:$0x6F20] =	vst v63  }
0x56: {  	_ =	swait.ge [sflag:s4], $0x2000  }
0x57: {  	[sflag:s4] =	ssyncset.done $0x0  }
0x58: {  	s26 =	simm.s32 $0x2200;
	[sflag:s4] =	ssyncadd.s32 $0xFFFFE000  }
0x59: {  	[spmem:s2] =	stream.indirect.scatter.add.f32 [tilespmem:s6], [sflag:$0x1], $0x10, s26, s10, $0xb8;
	[tilespmem:$0x6F20] =	vst v63  }
0x5a: {  	_ =	swait.ge [sflag:s4], $0x2000  }
0x5b: {  	[sflag:s4] =	ssyncset.done $0x0  }
0x5c: {  	s28 =	simm.s32 $0x2400;
	[sflag:s4] =	ssyncadd.s32 $0xFFFFE000  }
0x5d: {  	[spmem:s2] =	stream.indirect.scatter.add.f32 [tilespmem:s6], [sflag:$0x1], $0x10, s28, s10, $0xb8;
	[tilespmem:$0x6F20] =	vst v63  }
0x5e: {  	s31 =	ssub.s32 $0x2, s31;
	_ =	swait.ge [sflag:s4], $0x2000  }
0x5f: {  	s1 =	sshrl.u32 s31, $0x1;
	[sflag:s4] =	ssyncset.done $0x0  }
0x60: {  	s29 =	simm.s32 $0x2600;
	s1 =	ssub.s32 s31, s1;
	[sflag:s4] =	ssyncadd.s32 $0xFFFFE000  }
0x61: {  	[spmem:s2] =	stream.indirect.scatter.add.f32 [tilespmem:s6], [sflag:$0x1], $0x10, s29, s10, $0xb8;
	[tilespmem:$0x6F20] =	vst v63  }
0x62: {  	s0 =	smul.u32 $0x4E4, s0;
	s1 =	smax.u32 s1, $0x1;
	_ =	swait.ge [sflag:s4], $0x2000  }
0x63: {  	p0 =	sne.s32 s1, $0x1;
	[sflag:s4] =	ssyncset.done $0x0  }
.Ltmp0:
0x64: {  	s0 =	sadd.s32 s0, s30;
	[sflag:s4] =	ssyncadd.s32 $0xFFFFE000;
	(pc) =	sbr.rel @!p0 .LBB2_2-.Ltmp0, $4  }
0x65: {  	s30 =	sadd.s32 $0x3A00, s0;
	[bflag:$0x0] =	sbarrier.arrive $0xFFFF  }
0x66: {  	[hbm:s30], [sflag:s8] =	dma.local [spmem:s9], $0x4E4  }
0x67: {  	_ =	swait.ge [sflag:s4], $0x4E4  }
0x68: {  	s31 =	sadd.s32 $0xFFFFFFFF, s1;
	[sflag:s4] =	ssyncset.done $0x0  }
.LBB2_1:
0x69: {  	[sflag:s4] =	ssyncadd.s32 $0xFFFFFB1C  }
0x6a: {  	[tilespmem:s3], [sflag:$0x1] =	stream.linear.gather [hbm4b:s5+s3], $0x2800, $0x38;
	[tilespmem:$0x6F20] =	vst v63  }
0x6b: {  	_ =	swait.ge [sflag:s4], $0x2800  }
0x6c: {  	[sflag:s4] =	ssyncset.done $0x0  }
0x6d: {  	s0 =	rddreg [dreg:$0x4];
	[sflag:s4] =	ssyncadd.s32 $0xFFFFD800  }
0x6e: {  	[tilespmem:s6], [sflag:$0x1] =	stream.linear.gather [hbm4b:s0+s3], $0x2000, $0x38;
	[tilespmem:$0x6F20] =	vst v63  }
0x6f: {  	_ =	swait.ge [sflag:s4], $0x2000  }
0x70: {  	[sflag:s4] =	ssyncset.done $0x0  }
0x71: {  	[sflag:s4] =	ssyncadd.s32 $0xFFFFE000  }
0x72: {  	[spmem:s9], [sflag:s8] =	dma.local [hbm:s7], $0x4E4  }
0x73: {  	_ =	swait.ge [sflag:s4], $0x4E4  }
0x74: {  	[sflag:s4] =	ssyncset.done $0x0  }
0x75: {  	[sflag:s4] =	ssyncadd.s32 $0xFFFFFB1C  }
0x76: {  	[bflag:$0x0] =	sbarrier.arrive $0xFFFF  }
0x77: {  	[spmem:s2] =	stream.indirect.scatter.add.f32 [tilespmem:s6], [sflag:$0x1], $0x10, s3, s10, $0xb8;
	[tilespmem:$0x6F20] =	vst v63  }
0x78: {  	_ =	swait.ge [sflag:s4], $0x2000  }
0x79: {  	[sflag:s4] =	ssyncset.done $0x0  }
0x7a: {  	[sflag:s4] =	ssyncadd.s32 $0xFFFFE000  }
0x7b: {  	[spmem:s2] =	stream.indirect.scatter.add.f32 [tilespmem:s6], [sflag:$0x1], $0x10, s10, s10, $0xb8;
	[tilespmem:$0x6F20] =	vst v63  }
0x7c: {  	_ =	swait.ge [sflag:s4], $0x2000  }
0x7d: {  	[sflag:s4] =	ssyncset.done $0x0  }
0x7e: {  	[sflag:s4] =	ssyncadd.s32 $0xFFFFE000  }
0x7f: {  	[spmem:s2] =	stream.indirect.scatter.add.f32 [tilespmem:s6], [sflag:$0x1], $0x10, s11, s10, $0xb8;
	[tilespmem:$0x6F20] =	vst v63  }
0x80: {  	_ =	swait.ge [sflag:s4], $0x2000  }
0x81: {  	[sflag:s4] =	ssyncset.done $0x0  }
0x82: {  	[sflag:s4] =	ssyncadd.s32 $0xFFFFE000  }
0x83: {  	[spmem:s2] =	stream.indirect.scatter.add.f32 [tilespmem:s6], [sflag:$0x1], $0x10, s12, s10, $0xb8;
	[tilespmem:$0x6F20] =	vst v63  }
0x84: {  	_ =	swait.ge [sflag:s4], $0x2000  }
0x85: {  	[sflag:s4] =	ssyncset.done $0x0  }
0x86: {  	[sflag:s4] =	ssyncadd.s32 $0xFFFFE000  }
0x87: {  	[spmem:s2] =	stream.indirect.scatter.add.f32 [tilespmem:s6], [sflag:$0x1], $0x10, s13, s10, $0xb8;
	[tilespmem:$0x6F20] =	vst v63  }
0x88: {  	_ =	swait.ge [sflag:s4], $0x2000  }
0x89: {  	[sflag:s4] =	ssyncset.done $0x0  }
0x8a: {  	[sflag:s4] =	ssyncadd.s32 $0xFFFFE000  }
0x8b: {  	[spmem:s2] =	stream.indirect.scatter.add.f32 [tilespmem:s6], [sflag:$0x1], $0x10, s14, s10, $0xb8;
	[tilespmem:$0x6F20] =	vst v63  }
0x8c: {  	_ =	swait.ge [sflag:s4], $0x2000  }
0x8d: {  	[sflag:s4] =	ssyncset.done $0x0  }
0x8e: {  	[sflag:s4] =	ssyncadd.s32 $0xFFFFE000  }
0x8f: {  	[spmem:s2] =	stream.indirect.scatter.add.f32 [tilespmem:s6], [sflag:$0x1], $0x10, s15, s10, $0xb8;
	[tilespmem:$0x6F20] =	vst v63  }
0x90: {  	_ =	swait.ge [sflag:s4], $0x2000  }
0x91: {  	[sflag:s4] =	ssyncset.done $0x0  }
0x92: {  	[sflag:s4] =	ssyncadd.s32 $0xFFFFE000  }
0x93: {  	[spmem:s2] =	stream.indirect.scatter.add.f32 [tilespmem:s6], [sflag:$0x1], $0x10, s16, s10, $0xb8;
	[tilespmem:$0x6F20] =	vst v63  }
0x94: {  	_ =	swait.ge [sflag:s4], $0x2000  }
0x95: {  	[sflag:s4] =	ssyncset.done $0x0  }
0x96: {  	[sflag:s4] =	ssyncadd.s32 $0xFFFFE000  }
0x97: {  	[spmem:s2] =	stream.indirect.scatter.add.f32 [tilespmem:s6], [sflag:$0x1], $0x10, s17, s10, $0xb8;
	[tilespmem:$0x6F20] =	vst v63  }
0x98: {  	_ =	swait.ge [sflag:s4], $0x2000  }
0x99: {  	[sflag:s4] =	ssyncset.done $0x0  }
0x9a: {  	[sflag:s4] =	ssyncadd.s32 $0xFFFFE000  }
0x9b: {  	[spmem:s2] =	stream.indirect.scatter.add.f32 [tilespmem:s6], [sflag:$0x1], $0x10, s18, s10, $0xb8;
	[tilespmem:$0x6F20] =	vst v63  }
0x9c: {  	_ =	swait.ge [sflag:s4], $0x2000  }
0x9d: {  	[sflag:s4] =	ssyncset.done $0x0  }
0x9e: {  	[sflag:s4] =	ssyncadd.s32 $0xFFFFE000  }
0x9f: {  	[spmem:s2] =	stream.indirect.scatter.add.f32 [tilespmem:s6], [sflag:$0x1], $0x10, s19, s10, $0xb8;
	[tilespmem:$0x6F20] =	vst v63  }
0xa0: {  	_ =	swait.ge [sflag:s4], $0x2000  }
0xa1: {  	[sflag:s4] =	ssyncset.done $0x0  }
0xa2: {  	[sflag:s4] =	ssyncadd.s32 $0xFFFFE000  }
0xa3: {  	[spmem:s2] =	stream.indirect.scatter.add.f32 [tilespmem:s6], [sflag:$0x1], $0x10, s20, s10, $0xb8;
	[tilespmem:$0x6F20] =	vst v63  }
0xa4: {  	_ =	swait.ge [sflag:s4], $0x2000  }
0xa5: {  	[sflag:s4] =	ssyncset.done $0x0  }
0xa6: {  	[sflag:s4] =	ssyncadd.s32 $0xFFFFE000  }
0xa7: {  	[spmem:s2] =	stream.indirect.scatter.add.f32 [tilespmem:s6], [sflag:$0x1], $0x10, s21, s10, $0xb8;
	[tilespmem:$0x6F20] =	vst v63  }
0xa8: {  	_ =	swait.ge [sflag:s4], $0x2000  }
0xa9: {  	[sflag:s4] =	ssyncset.done $0x0  }
0xaa: {  	[sflag:s4] =	ssyncadd.s32 $0xFFFFE000  }
0xab: {  	[spmem:s2] =	stream.indirect.scatter.add.f32 [tilespmem:s6], [sflag:$0x1], $0x10, s22, s10, $0xb8;
	[tilespmem:$0x6F20] =	vst v63  }
0xac: {  	_ =	swait.ge [sflag:s4], $0x2000  }
0xad: {  	[sflag:s4] =	ssyncset.done $0x0  }
0xae: {  	[sflag:s4] =	ssyncadd.s32 $0xFFFFE000  }
0xaf: {  	[spmem:s2] =	stream.indirect.scatter.add.f32 [tilespmem:s6], [sflag:$0x1], $0x10, s23, s10, $0xb8;
	[tilespmem:$0x6F20] =	vst v63  }
0xb0: {  	_ =	swait.ge [sflag:s4], $0x2000  }
0xb1: {  	[sflag:s4] =	ssyncset.done $0x0  }
0xb2: {  	[sflag:s4] =	ssyncadd.s32 $0xFFFFE000  }
0xb3: {  	[spmem:s2] =	stream.indirect.scatter.add.f32 [tilespmem:s6], [sflag:$0x1], $0x10, s24, s10, $0xb8;
	[tilespmem:$0x6F20] =	vst v63  }
0xb4: {  	_ =	swait.ge [sflag:s4], $0x2000  }
0xb5: {  	[sflag:s4] =	ssyncset.done $0x0  }
0xb6: {  	[sflag:s4] =	ssyncadd.s32 $0xFFFFE000  }
0xb7: {  	[spmem:s2] =	stream.indirect.scatter.add.f32 [tilespmem:s6], [sflag:$0x1], $0x10, s25, s10, $0xb8;
	[tilespmem:$0x6F20] =	vst v63  }
0xb8: {  	_ =	swait.ge [sflag:s4], $0x2000  }
0xb9: {  	[sflag:s4] =	ssyncset.done $0x0  }
0xba: {  	[sflag:s4] =	ssyncadd.s32 $0xFFFFE000  }
0xbb: {  	[spmem:s2] =	stream.indirect.scatter.add.f32 [tilespmem:s6], [sflag:$0x1], $0x10, s26, s10, $0xb8;
	[tilespmem:$0x6F20] =	vst v63  }
0xbc: {  	_ =	swait.ge [sflag:s4], $0x2000  }
0xbd: {  	[sflag:s4] =	ssyncset.done $0x0  }
0xbe: {  	[sflag:s4] =	ssyncadd.s32 $0xFFFFE000  }
0xbf: {  	[spmem:s2] =	stream.indirect.scatter.add.f32 [tilespmem:s6], [sflag:$0x1], $0x10, s28, s10, $0xb8;
	[tilespmem:$0x6F20] =	vst v63  }
0xc0: {  	_ =	swait.ge [sflag:s4], $0x2000  }
0xc1: {  	[sflag:s4] =	ssyncset.done $0x0  }
0xc2: {  	[sflag:s4] =	ssyncadd.s32 $0xFFFFE000  }
0xc3: {  	[spmem:s2] =	stream.indirect.scatter.add.f32 [tilespmem:s6], [sflag:$0x1], $0x10, s29, s10, $0xb8;
	[tilespmem:$0x6F20] =	vst v63  }
0xc4: {  	_ =	swait.ge [sflag:s4], $0x2000  }
0xc5: {  	p0 =	sne.s32 s31, $0x1;
	[sflag:s4] =	ssyncset.done $0x0  }
.Ltmp1:
0xc6: {  	[sflag:s4] =	ssyncadd.s32 $0xFFFFE000;
	(pc) =	sbr.rel @p0 .LBB2_1-.Ltmp1, $4  }
0xc7: {  	[bflag:$0x0] =	sbarrier.arrive $0xFFFF  }
0xc8: {  	[hbm:s30], [sflag:s8] =	dma.local [spmem:s9], $0x4E4  }
0xc9: {  	_ =	swait.ge [sflag:s4], $0x4E4  }
0xca: {  	s31 =	sadd.s32 $0xFFFFFFFF, s31;
	[sflag:s4] =	ssyncset.done $0x0  }
.LBB2_2:
0xcb: {  	[sflag:s4] =	ssyncadd.s32 $0xFFFFFB1C  }
0xcc: {  	_ =	sfence.sel $0x180000  }
0xcd: {  	[bflag:$0x0] =	sbarrier.arrive $0xFFFF  }
0xce: {  	_ =	strace $0x90000047  }
0xcf: {  	s0 =	stileid.u32;
	[bflag:$0x2] =	sbarrier.arrive $0xFFFF  }
0xd0: {  	p0 =	sne.s32 s0, $0x0;
	s0 =	rddreg [dreg:$0x3]  }
0xd1: {  	s0 =	sadd.s32 @!p0 $0x100000, s0  }
0xd2: {  	[sflag:s0] =	ssyncadd.tile.s32 @!p0 $0x1;
	_ =	shalt  }
.Lfunc_end2:
_tile_overlayer_lowered:
.L_overlay_start_2:
0xd3: {  	(tag) =	ssettag $0x2  }
0xd4: {  	s0 =	rddreg [dreg:$0x0];
	s2 =	stileid.u32  }
0xd5: {  	s1 =	rddreg [dreg:$0x1];
	p0 =	sne.s32 s2, $0x0  }
0xd6: {  	s3 =	rddreg [dreg:$0x2];
	[bflag:$0x3] =	sbarrier.arrive $0xFFFF;
	s2 =	simm.s32 @!p0 $0x1C01  }
0xd7: {  	[timem:s3], [sflag:s2] =	dma.local @!p0 [hbm:s0], s1  }
0xd8: {  	s0 =	simm.s32 @!p0 $0x1  }
0xd9: {  	_ =	swait.ge @!p0 [sflag:s0], s1  }
0xda: {  	s1 =	ssub.s32 @!p0 $0x0, s1;
	[sflag:s0] =	ssyncset.done @!p0 $0x0  }
0xdb: {  	[sflag:s0] =	ssyncadd.s32 @!p0 s1  }
0xdc: {  	[bflag:$0x3] =	sbarrier.arrive $0xFFFF  }
0xdd: {  	_ =	shalt  }

// kernel: kernel.13.cloned.1.call-start
scs
__scs_entry_jumppad:
0x0: {  	(pc) =	sbr.rel $0x88, $3  }
0x1: {  	(tag) =	ssettag $0x0;
	lr =	simm.s32 $0x1  }
0x2: {  	[smem:$0x3F94] =	sst lr;
	_ =	strace $0xD0000000  }
0x3: {  	_ = 	snop  }
0x4: {  	_ = 	snop  }
0x5: {  	_ = 	snop  }
0x6: {  	_ = 	snop  }
0x7: {  	_ = 	snop  }
__scs_overlays_trampoline_lowered:
0x8: {  	[smem:$0x3FA3] =	sst s0  }
0x9: {  	[smem:$0x3FA4] =	sst s1  }
0xa: {  	[smem:$0x3FA5] =	sst s2  }
0xb: {  	[smem:$0x3FA6] =	sst s3  }
0xc: {  	[smem:$0x3FA7] =	sst s4  }
0xd: {  	[smem:$0x3FA8] =	sst s5  }
0xe: {  	[smem:$0x3FA9] =	sst s6  }
0xf: {  	[smem:$0x3FAA] =	sst s7  }
0x10: {  	[smem:$0x3FAB] =	sst s8  }
0x11: {  	[smem:$0x3FAC] =	sst s9;
	s0 =	simm.s32 @!p0 $0x0  }
0x12: {  	s1 =	sld [smem:$0x3F92];
	s0 =	simm.s32 @p0 $0x1  }
0x13: {  	[smem:$0x3FAD] =	sst s0;
	s0 =	simm.s32 @!p1 $0x0  }
0x14: {  	s2 =	sld [smem:$0x3F91];
	s0 =	simm.s32 @p1 $0x1  }
0x15: {  	[smem:$0x3FAE] =	sst s0;
	s0 =	simm.s32 @!p2 $0x0  }
0x16: {  	s3 =	sld [smem:$0x3FDB];
	s0 =	simm.s32 @p2 $0x1  }
0x17: {  	s4 =	simm.s32 $0x1BF5;
	[smem:$0x3FB0] =	sst s0  }
0x18: {  	s0 =	sld [smem:$0x3F93];
	_ =	swait.ge [sflag:s4], $0x0  }
0x19: {  	s7 =	sld [smem:$0x3F94]  }
0x1a: {  	s8 =	sadd.s32 $0xFFFFE003, lr  }
0x1b: {  	s9 =	sadd.s32 $0xFFFFFEF7, lr;
	s5 =	simm.s32 $0xFFFFFFFF;
	p2 =	slt.u32 s8, $0xFFFFF086  }
0x1c: {  	p1 =	slt.u32 s9, $0xF7A;
	s5 =	simm.s32 @!p2 $0x0  }
0x1d: {  	s5 =	simm.s32 @p1 $0x1;
	p0 =	seq.s32 s7, s2  }
0x1e: {  	s7 =	smul.u32 @!p0 $0xF7A, s2;
	p2 =	seq.s32 @!p0 s5, $0x0  }
0x1f: {  	s9 =	smul.u32 $0xF7A, s1;
	s8 =	simm.s32 @!p0 $0x1BF5;
	p2 =	por !p2, p0  }
0x20: {  	[sflag:s8] =	ssyncset.s32 @!p0 $0xFFFFF086;
	s6 =	sadd.s32 @!p0 s3, s7;
	s7 =	simm.s32 @!p0 $0x108  }
0x21: {  	s3 =	sadd.s32 s3, s9;
	s6 =	sadd.s32 @!p0 $0x88, s6;
	s7 =	simm.s32 @p2 $0x1082  }
0x22: {  	[simem:s7], [sflag:s8] =	dma.local @!p0 [hbm:s6], $0xF7A  }
0x23: {  	s9 =	sor.u32 $0xD0000000, s2;
	s6 =	simm.s32 $0x108;
	_ =	swait.ge @!p0 [sflag:s8], $0x0  }
0x24: {  	s3 =	sadd.s32 $0x88, s3;
	s6 =	simm.s32 @!p1 $0x1082;
	[sflag:s4] =	ssyncset.s32 $0xFFFFF086  }
0x25: {  	[simem:s6], [sflag:s4] =	dma.local [hbm:s3], $0xF7A  }
0x26: {  	[smem:$0x3F94] =	sst s1;
	(tag) =	ssettag s2;
	_ =	strace s9  }
0x27: {  	s1 =	sld [smem:$0x3FA4]  }
0x28: {  	s2 =	sld [smem:$0x3FA5]  }
0x29: {  	s4 =	sld [smem:$0x3FA7]  }
0x2a: {  	p0 =	seq.s32 s5, $0x0;
	s5 =	sld [smem:$0x3FA8]  }
0x2b: {  	s6 =	sld [smem:$0x3FA9]  }
0x2c: {  	s7 =	sld [smem:$0x3FAA]  }
0x2d: {  	s3 =	simm.s32 $0x108;
	s8 =	sld [smem:$0x3FAB]  }
0x2e: {  	s3 =	simm.s32 @!p0 $0x1082;
	s9 =	sld [smem:$0x3FAC]  }
0x2f: {  	lr =	sadd.s32 s0, s3;
	s0 =	sld [smem:$0x3FA3]  }
0x30: {  	s3 =	sld [smem:$0x3FA6]  }
0x31: {  	[smem:$0x3FAF] =	sst s10  }
0x32: {  	s10 =	sld [smem:$0x3FAD];
	_ =	sdelay $0x3  }
0x33: {  	p0 =	seq.s32 s10, $0x1;
	s10 =	sld [smem:$0x3FAF];
	_ =	sdelay $0x3  }
0x34: {  	[smem:$0x3FAF] =	sst s10  }
0x35: {  	s10 =	sld [smem:$0x3FAE];
	_ =	sdelay $0x3  }
0x36: {  	p1 =	seq.s32 s10, $0x1;
	s10 =	sld [smem:$0x3FAF];
	_ =	sdelay $0x3  }
0x37: {  	[smem:$0x3FAF] =	sst s10  }
0x38: {  	s10 =	sld [smem:$0x3FB0]  }
0x39: {  	_ = 	snop;
	(pc) =	sbr.ind lr, $3  }
0x3a: {  	_ = 	snop  }
0x3b: {  	_ = 	snop  }
0x3c: {  	p2 =	seq.s32 s10, $0x1;
	s10 =	sld [smem:$0x3FAF]  }
0x3d: {  	_ =	shalt  }
0x3e: {  	_ =	shalt  }
0x3f: {  	_ =	shalt  }
0x40: {  	_ =	shalt  }
0x41: {  	_ =	shalt  }
0x42: {  	_ =	shalt  }
0x43: {  	_ =	shalt  }
0x44: {  	_ =	shalt  }
0x45: {  	_ =	shalt  }
0x46: {  	_ =	shalt  }
0x47: {  	_ =	shalt  }
0x48: {  	_ =	shalt  }
0x49: {  	_ =	shalt  }
0x4a: {  	_ =	shalt  }
0x4b: {  	_ =	shalt  }
0x4c: {  	_ =	shalt  }
0x4d: {  	_ =	shalt  }
0x4e: {  	_ =	shalt  }
0x4f: {  	_ =	shalt  }
0x50: {  	_ =	shalt  }
0x51: {  	_ =	shalt  }
0x52: {  	_ =	shalt  }
0x53: {  	_ =	shalt  }
0x54: {  	_ =	shalt  }
0x55: {  	_ =	shalt  }
0x56: {  	_ =	shalt  }
0x57: {  	_ =	shalt  }
0x58: {  	_ =	shalt  }
0x59: {  	_ =	shalt  }
0x5a: {  	_ =	shalt  }
0x5b: {  	_ =	shalt  }
0x5c: {  	_ =	shalt  }
0x5d: {  	_ =	shalt  }
0x5e: {  	_ =	shalt  }
0x5f: {  	_ =	shalt  }
0x60: {  	_ =	shalt  }
0x61: {  	_ =	shalt  }
0x62: {  	_ =	shalt  }
0x63: {  	_ =	shalt  }
0x64: {  	_ =	shalt  }
0x65: {  	_ =	shalt  }
0x66: {  	_ =	shalt  }
0x67: {  	_ =	shalt  }
0x68: {  	_ =	shalt  }
0x69: {  	_ =	shalt  }
0x6a: {  	_ =	shalt  }
0x6b: {  	_ =	shalt  }
0x6c: {  	_ =	shalt  }
0x6d: {  	_ =	shalt  }
0x6e: {  	_ =	shalt  }
0x6f: {  	_ =	shalt  }
0x70: {  	_ =	shalt  }
0x71: {  	_ =	shalt  }
0x72: {  	_ =	shalt  }
0x73: {  	_ =	shalt  }
0x74: {  	_ =	shalt  }
0x75: {  	_ =	shalt  }
0x76: {  	_ =	shalt  }
0x77: {  	_ =	shalt  }
0x78: {  	_ =	shalt  }
0x79: {  	_ =	shalt  }
0x7a: {  	_ =	shalt  }
0x7b: {  	_ =	shalt  }
0x7c: {  	_ =	shalt  }
0x7d: {  	_ =	shalt  }
0x7e: {  	_ =	shalt  }
0x7f: {  	_ =	shalt  }
0x80: {  	_ =	shalt  }
0x81: {  	_ =	shalt  }
0x82: {  	_ =	shalt  }
0x83: {  	_ =	shalt  }
0x84: {  	_ =	shalt  }
0x85: {  	_ =	shalt  }
0x86: {  	_ =	shalt  }
0x87: {  	_ =	shalt  }
.Lfunc_end0:
.L_simem_size_0:
called_computation.1_lowered:
.L_overlay_start_0:
0x88: {  	s2 =	sld [smem:$0x3FD9]  }
0x89: {  	s3 =	sld [smem:$0x3FFE];
	_ =	sdelay $0x1  }
0x8a: {  	s1 =	srdreg.scid  }
0x8b: {  	s0 =	sand.u32 $0x1, s1  }
0x8c: {  	s17 =	sshll.u32 s0, $0xA;
	s2 =	sadd.s32 s3, s2  }
0x8d: {  	s2 =	sadd.s32 s2, s17  }
0x8e: {  	[smem:$0x3FBB] =	sst s2  }
0x8f: {  	_ = 	snop  }
0x90: {  	s2 =	sld [smem:$0x3FD0];
	(tm) =	ssettm $0x1  }
0x91: {  	s18 =	sld [smem:$0x3FFB];
	_ =	sdelay $0x3  }
0x92: {  	_ =	strace s18  }
0x93: {  	s3 =	sld [smem:$0x3FFC];
	_ =	sdelay $0x3  }
0x94: {  	_ =	strace s3  }
0x95: {  	s3 =	sld [smem:$0x3FFD];
	_ =	sdelay $0x3  }
0x96: {  	_ =	strace s3  }
0x97: {  	_ =	strace $0x8FFFFFFF  }
0x98: {  	s19 =	sld [smem:$0x3FDB];
	_ =	sdelay $0x1  }
0x99: {  	s4 =	simm.s32 $_scs_section_size  }
0x9a: {  	s5 =	simm.s32 $_size__tile_overlayer_lowered;
	s6 =	simm.s32 $_tile_overlayer_lowered  }
0x9b: {  	s22 =	simm.s32 $0x1BFF;
	s21 =	sshll.u32 s6, $0x1;
	s3 =	sadd.s32 s4, s19  }
0x9c: {  	s7 =	simm.s32 $0x0;
	s20 =	sshll.u32 s5, $0x1;
	s5 =	sadd.s32 s21, s3  }
0x9d: {  	[timem:s7], [sflag:s22] =	dma.local [hbm:s5], s20  }
0x9e: {  	_ =	swait.ge [sflag:s22], s20  }
0x9f: {  	s4 =	ssub.s32 $0x0, s20;
	[sflag:s22] =	ssyncset.done $0x0  }
0xa0: {  	[sflag:s22] =	ssyncadd.s32 s4;
	_ =	sdelay $0x1  }
0xa1: {  	s23 =	simm.s32 $0x1B8B  }
0xa2: {  	_ =	swait.ge [sflag:s23], $0x1  }
0xa3: {  	[sflag:s23] =	ssyncset.done $0x0  }
0xa4: {  	s25 =	simm.s32 $0x1B8E;
	s24 =	sld [smem:$0x3FFE];
	[sflag:s23] =	ssyncadd.s32 $0xFFFFFFFF  }
0xa5: {  	s26 =	simm.s32 $execute0_lowered;
	[smem:$0x3FD2] =	sst s25  }
0xa6: {  	s5 =	sshll.u32 s26, $0x1;
	_ =	strace $0x80000049;
	[dreg:$0x1] =	wrdreg $0xFFFFFFFF  }
0xa7: {  	s28 =	simm.s32 $_size_execute0_lowered;
	s3 =	sadd.s32 s3, s5;
	[dreg:$0x0] =	wrdreg $0x0  }
0xa8: {  	s5 =	sshll.u32 s28, $0x1;
	[dreg:$0x2] =	wrdreg s3  }
0xa9: {  	[dreg:$0x3] =	wrdreg s5  }
0xaa: {  	[dreg:$0x4] =	wrdreg $0xC0  }
0xab: {  	_ =	task [dreg:s7], $0x5FFFF  }
0xac: {  	[dreg:$0x1] =	wrdreg $0xFFFFFFFF  }
0xad: {  	[dreg:$0x0] =	wrdreg $0x60  }
0xae: {  	[dreg:$0x2] =	wrdreg s24  }
0xaf: {  	[dreg:$0x3] =	wrdreg s2  }
0xb0: {  	[dreg:$0x4] =	wrdreg $0x15E000  }
0xb1: {  	[dreg:$0x5] =	wrdreg $0x9  }
0xb2: {  	_ =	task.clear_ibuf [dreg:s7], $0x6FFFF;
	_ =	strace $0x90000049  }
0xb3: {  	s29 =	simm.s32 $0x9;
	_ =	strace $0x8000004B  }
0xb4: {  	_ =	swait.ge [sflag:s29], $0x1  }
0xb5: {  	[sflag:s29] =	ssyncadd.s32 $0xFFFFFFFF  }
0xb6: {  	_ =	strace $0x9000004B  }
0xb7: {  	_ =	sfence  }
0xb8: {  	s30 =	sld [smem:$0x0];
	_ =	sdelay $0x2  }
0xb9: {  	s31 =	sshll.u32 s1, $0xD;
	s1 =	sshrl.u32 s1, $0x2  }
0xba: {  	s3 =	sand.u32 $0x4000, s31;
	s1 =	sadd.s32 s1, s30  }
0xbb: {  	s0 =	sor.u32 s3, s0;
	s1 =	sshll.u32 s1, $0x11  }
0xbc: {  	s0 =	sor.u32 s1, s0  }
0xbd: {  	s0 =	sadd.s32 $0x8F2B, s0  }
0xbe: {  	[sflag:s0] =	ssyncadd.remote.s32 $0x1  }
0xbf: {  	_ =	sfence.sel $0xFFFF  }
0xc0: {  	[dreg:$0x0] =	wrdreg $0xFFFFFFFF;
	(pc) =	sbr.abs _section_cstart, $3  }
0xc1: {  	[dreg:$0x1] =	wrdreg $0xFFFFFFFF  }
0xc2: {  	_ =	task.clear_ibuf [dreg:s7], $0x2FFFF;
	_ =	strace $0x9FFFFFFF  }
0xc3: {  	(tm) =	ssettm $0x7FFFFFFF  }
tec
execute0_lowered:
.L_overlay_start_1:
0x0: {  	(tag) =	ssettag $0x1  }
0x1: {  	s0 =	srdreg.scid  }
0x2: {  	s1 =	rddreg [dreg:$0x0];
	s2 =	stileid.u32  }
0x3: {  	s3 =	rddreg [dreg:$0x2];
	s10 =	simm.s32 $0x7;
	s11 =	simm.s32 $0x4F00  }
0x4: {  	s14 =	simm.s32 $0x100;
	s15 =	simm.s32 $0x9E00;
	s16 =	simm.s32 $0xDE00  }
0x5: {  	s17 =	simm.s32 $0x1;
	s18 =	simm.s32 $0x200;
	s19 =	simm.s32 $0x11E00  }
0x6: {  	s20 =	simm.s32 $0x2;
	s21 =	simm.s32 $0x5000;
	s22 =	simm.s32 $0x4  }
0x7: {  	s23 =	simm.s32 $0x300;
	s24 =	simm.s32 $0x3;
	s28 =	simm.s32 $0x400  }
0x8: {  	s29 =	simm.s32 $0x6;
	s30 =	simm.s32 $0x9D00;
	s0 =	sand.u32 $0x1, s0  }
0x9: {  	s31 =	simm.s32 $0x0;
	s8 =	smul.u32 $0x27200, s2;
	s4 =	sshll.u32 s0, $0x4  }
0xa: {  	s26 =	sshll.u32 s2, $0x6;
	s0 =	ssub.s32 $0x2, s0;
	s5 =	sor.u32 s2, s4  }
0xb: {  	s12 =	sor.u32 $0x1C07, s26;
	s26 =	simm.s32 $0x5;
	s6 =	smul.u32 $0x9E0, s5  }
0xc: {  	s4 =	simm.s32 $0x0;
	s25 =	sshrl.u32 s0, $0x1;
	s7 =	smul.u32 $0x1390, s5  }
.Ltmp0:
0xd: {  	s8 =	sshrl.u32 s8, $0x2;
	[smem:$0x7FF] =	sst s4;
	(pc) =	sbr.rel .LBB2_1-.Ltmp0, $4  }
0xe: {  	s5 =	sadd.s32 $0xAA600, s1;
	s0 =	ssub.s32 s0, s25;
	s13 =	sadd.s32 s8, s3  }
0xf: {  	s25 =	simm.s32 $0x5100;
	_ =	strace $0x8000004A;
	s9 =	sadd.s32 s6, s1  }
0x10: {  	s13 =	sshrl.u32 s13, $0x3;
	s1 =	sadd.s32 s7, s1;
	s6 =	sadd.s32 $0x21400, s9  }
0x11: {  	s7 =	sadd.s32 $0xD800, s9;
	s8 =	sadd.s32 $0xD1800, s1;
	s9 =	smax.u32 s0, $0x1  }
.LBB2_4:
0x12: {  	_ =	swait.ge [sflag:s17], $0x4000  }
0x13: {  	[sflag:s17] =	ssyncset.done $0x0  }
0x14: {  	[sflag:s17] =	ssyncadd.s32 $0xFFFFC000  }
0x15: {  	[spmem:s3] =	stream.indirect.scatter.add.f32 [tilespmem:s15], [sflag:$0x4], $0x40, s30, s14, $0xb8;
	[tilespmem:$0x1FA80] =	vst v63  }
0x16: {  	_ =	swait.ge [sflag:s26], $0x4000  }
0x17: {  	[sflag:s26] =	ssyncset.done $0x0  }
0x18: {  	[sflag:s26] =	ssyncadd.s32 $0xFFFFC000  }
0x19: {  	_ =	swait.ge [sflag:s29], $0x4000  }
0x1a: {  	[sflag:s29] =	ssyncset.done $0x0  }
0x1b: {  	[sflag:s29] =	ssyncadd.s32 $0xFFFFC000  }
0x1c: {  	_ =	swait.ge [sflag:s22], $0x4000  }
0x1d: {  	s31 =	sadd.s32 $0x1, s31;
	[sflag:s22] =	ssyncset.done $0x0  }
0x1e: {  	p0 =	sne.s32 s31, s9;
	[sflag:s22] =	ssyncadd.s32 $0xFFFFC000  }
.Ltmp1:
0x1f: {  	[bflag:$0x0] =	sbarrier.arrive $0xFFFF;
	(pc) =	sbr.rel @!p0 .LBB2_5-.Ltmp1, $4  }
0x20: {  	[hbm:s8], [sflag:s12] =	dma.local [spmem:s13], $0x1390  }
0x21: {  	_ =	swait.ge [sflag:s10], $0x1390  }
0x22: {  	[sflag:s10] =	ssyncset.done $0x0  }
0x23: {  	[sflag:s10] =	ssyncadd.s32 $0xFFFFEC70  }
.LBB2_1:
0x24: {  	[tilespmem:s4], [sflag:$0x7] =	stream.linear.gather [hbm4b:s6+s4], $0x4F00, $0x38;
	[tilespmem:$0x1FA80] =	vst v63  }
0x25: {  	_ =	swait.ge [sflag:s10], $0x4F00  }
0x26: {  	[sflag:s10] =	ssyncset.done $0x0  }
0x27: {  	[sflag:s10] =	ssyncadd.s32 $0xFFFFB100  }
0x28: {  	[tilespmem:s11], [sflag:$0x7] =	stream.linear.gather [hbm4b:s7+s4], $0x4F00, $0x38;
	[tilespmem:$0x1FA80] =	vst v63  }
0x29: {  	_ =	swait.ge [sflag:s10], $0x4F00  }
0x2a: {  	[sflag:s10] =	ssyncset.done $0x0  }
0x2b: {  	[sflag:s10] =	ssyncadd.s32 $0xFFFFB100  }
0x2c: {  	s0 =	rddreg [dreg:$0x1]  }
0x2d: {  	[spmem:s13], [sflag:s12] =	dma.local [hbm:s0], $0x1390  }
0x2e: {  	_ =	swait.ge [sflag:s10], $0x1390  }
0x2f: {  	[sflag:s10] =	ssyncset.done $0x0  }
0x30: {  	[sflag:s10] =	ssyncadd.s32 $0xFFFFEC70  }
0x31: {  	[bflag:$0x0] =	sbarrier.arrive $0xFFFF  }
0x32: {  	[tilespmem:s15], [sflag:$0x1] =	stream.indirect.gather [hbm4b:s5+s14], $0x40, s4, s14, $0xb8;
	[tilespmem:$0x1FA80] =	vst v63  }
0x33: {  	_ = 	snop  }
0x34: {  	[tilespmem:s16], [sflag:$0x2] =	stream.indirect.gather [hbm4b:s5+s14], $0x40, s14, s14, $0xb8;
	[tilespmem:$0x1FA80] =	vst v63  }
0x35: {  	_ =	swait.ge [sflag:s17], $0x4000  }
0x36: {  	[sflag:s17] =	ssyncset.done $0x0  }
0x37: {  	[sflag:s17] =	ssyncadd.s32 $0xFFFFC000  }
0x38: {  	[spmem:s3] =	stream.indirect.scatter.add.f32 [tilespmem:s15], [sflag:$0x4], $0x40, s11, s14, $0xb8;
	[tilespmem:$0x1FA80] =	vst v63  }
0x39: {  	_ = 	snop  }
0x3a: {  	[tilespmem:s19], [sflag:$0x3] =	stream.indirect.gather [hbm4b:s5+s14], $0x40, s18, s14, $0xb8;
	[tilespmem:$0x1FA80] =	vst v63  }
0x3b: {  	_ =	swait.ge [sflag:s20], $0x4000  }
0x3c: {  	[sflag:s20] =	ssyncset.done $0x0  }
0x3d: {  	[sflag:s20] =	ssyncadd.s32 $0xFFFFC000  }
0x3e: {  	[spmem:s3] =	stream.indirect.scatter.add.f32 [tilespmem:s16], [sflag:$0x5], $0x40, s21, s14, $0xb8;
	[tilespmem:$0x1FA80] =	vst v63  }
0x3f: {  	_ =	swait.ge [sflag:s22], $0x4000  }
0x40: {  	[sflag:s22] =	ssyncset.done $0x0  }
0x41: {  	[sflag:s22] =	ssyncadd.s32 $0xFFFFC000  }
0x42: {  	[tilespmem:s15], [sflag:$0x1] =	stream.indirect.gather [hbm4b:s5+s14], $0x40, s23, s14, $0xb8;
	[tilespmem:$0x1FA80] =	vst v63  }
0x43: {  	_ =	swait.ge [sflag:s24], $0x4000  }
0x44: {  	[sflag:s24] =	ssyncset.done $0x0  }
0x45: {  	[sflag:s24] =	ssyncadd.s32 $0xFFFFC000  }
0x46: {  	[spmem:s3] =	stream.indirect.scatter.add.f32 [tilespmem:s19], [sflag:$0x6], $0x40, s25, s14, $0xb8;
	[tilespmem:$0x1FA80] =	vst v63  }
0x47: {  	_ =	swait.ge [sflag:s26], $0x4000  }
0x48: {  	[sflag:s26] =	ssyncset.done $0x0  }
0x49: {  	s1 =	simm.s32 $0x0;
	[sflag:s26] =	ssyncadd.s32 $0xFFFFC000  }
0x4a: {  	[tilespmem:s16], [sflag:$0x2] =	stream.indirect.gather [hbm4b:s5+s14], $0x40, s28, s14, $0xb8;
	[tilespmem:$0x1FA80] =	vst v63  }
.LBB2_2:
0x4b: {  	_ =	swait.ge [sflag:s17], $0x4000  }
0x4c: {  	s0 =	sshra.s32 s1, $0x2;
	[sflag:s17] =	ssyncset.done $0x0  }
0x4d: {  	s2 =	sadd.s32 $0x5200, s0;
	[sflag:s17] =	ssyncadd.s32 $0xFFFFC000  }
0x4e: {  	[spmem:s3] =	stream.indirect.scatter.add.f32 [tilespmem:s15], [sflag:$0x4], $0x40, s2, s14, $0xb8;
	[tilespmem:$0x1FA80] =	vst v63  }
0x4f: {  	_ =	swait.ge [sflag:s29], $0x4000  }
0x50: {  	[sflag:s29] =	ssyncset.done $0x0  }
0x51: {  	s2 =	sadd.s32 $0x500, s0;
	[sflag:s29] =	ssyncadd.s32 $0xFFFFC000  }
0x52: {  	[tilespmem:s19], [sflag:$0x3] =	stream.indirect.gather [hbm4b:s5+s14], $0x40, s2, s14, $0xb8;
	[tilespmem:$0x1FA80] =	vst v63  }
0x53: {  	_ =	swait.ge [sflag:s20], $0x4000  }
0x54: {  	[sflag:s20] =	ssyncset.done $0x0  }
0x55: {  	s2 =	sadd.s32 $0x5300, s0;
	[sflag:s20] =	ssyncadd.s32 $0xFFFFC000  }
0x56: {  	[spmem:s3] =	stream.indirect.scatter.add.f32 [tilespmem:s16], [sflag:$0x5], $0x40, s2, s14, $0xb8;
	[tilespmem:$0x1FA80] =	vst v63  }
0x57: {  	_ =	swait.ge [sflag:s22], $0x4000  }
0x58: {  	[sflag:s22] =	ssyncset.done $0x0  }
0x59: {  	p0 =	seq.s32 s1, $0x12000;
	s2 =	sadd.s32 $0x600, s0;
	[sflag:s22] =	ssyncadd.s32 $0xFFFFC000  }
0x5a: {  	[tilespmem:s15], [sflag:$0x1] =	stream.indirect.gather [hbm4b:s5+s14], $0x40, s2, s14, $0xb8;
	[tilespmem:$0x1FA80] =	vst v63  }
.Ltmp2:
0x5b: {  	_ = 	snop;
	(pc) =	sbr.rel @p0 .LBB2_4-.Ltmp2, $4  }
0x5c: {  	_ =	swait.ge [sflag:s24], $0x4000  }
0x5d: {  	[sflag:s24] =	ssyncset.done $0x0  }
0x5e: {  	s2 =	sadd.s32 $0x5400, s0;
	[sflag:s24] =	ssyncadd.s32 $0xFFFFC000  }
0x5f: {  	[spmem:s3] =	stream.indirect.scatter.add.f32 [tilespmem:s19], [sflag:$0x6], $0x40, s2, s14, $0xb8;
	[tilespmem:$0x1FA80] =	vst v63  }
.Ltmp3:
0x60: {  	(pc) =	sbr.rel .LBB2_2-.Ltmp3, $4  }
0x61: {  	_ =	swait.ge [sflag:s26], $0x4000  }
0x62: {  	[sflag:s26] =	ssyncset.done $0x0  }
0x63: {  	s0 =	sadd.s32 $0x700, s0;
	s1 =	sadd.s32 $0xC00, s1;
	[sflag:s26] =	ssyncadd.s32 $0xFFFFC000  }
0x64: {  	[tilespmem:s16], [sflag:$0x2] =	stream.indirect.gather [hbm4b:s5+s14], $0x40, s0, s14, $0xb8;
	[tilespmem:$0x1FA80] =	vst v63  }
.LBB2_5:
0x65: {  	_ =	sfence.sel $0x180000  }
0x66: {  	[bflag:$0x0] =	sbarrier.arrive $0xFFFF  }
0x67: {  	_ =	strace $0x9000004A  }
0x68: {  	s0 =	stileid.u32;
	[bflag:$0x2] =	sbarrier.arrive $0xFFFF  }
0x69: {  	p0 =	sne.s32 s0, $0x0;
	s0 =	rddreg [dreg:$0x3]  }
0x6a: {  	s0 =	sadd.s32 @!p0 $0x100000, s0  }
0x6b: {  	[sflag:s0] =	ssyncadd.tile.s32 @!p0 $0x1;
	_ =	shalt  }
.Lfunc_end2:
_tile_overlayer_lowered:
.L_overlay_start_2:
0x6c: {  	(tag) =	ssettag $0x2  }
0x6d: {  	s0 =	rddreg [dreg:$0x0];
	s2 =	stileid.u32  }
0x6e: {  	s1 =	rddreg [dreg:$0x1];
	p0 =	sne.s32 s2, $0x0  }
0x6f: {  	s3 =	rddreg [dreg:$0x2];
	[bflag:$0x3] =	sbarrier.arrive $0xFFFF;
	s2 =	simm.s32 @!p0 $0x1C07  }
0x70: {  	[timem:s3], [sflag:s2] =	dma.local @!p0 [hbm:s0], s1  }
0x71: {  	s0 =	simm.s32 @!p0 $0x7  }
0x72: {  	_ =	swait.ge @!p0 [sflag:s0], s1  }
0x73: {  	s1 =	ssub.s32 @!p0 $0x0, s1;
	[sflag:s0] =	ssyncset.done @!p0 $0x0  }
0x74: {  	[sflag:s0] =	ssyncadd.s32 @!p0 s1  }
0x75: {  	[bflag:$0x3] =	sbarrier.arrive $0xFFFF  }
0x76: {  	_ =	shalt  }

// kernel: kernel.16.cloned.1.call-start
scs
__scs_entry_jumppad:
0x0: {  	(pc) =	sbr.rel $0x88, $3  }
0x1: {  	(tag) =	ssettag $0x0;
	lr =	simm.s32 $0x1  }
0x2: {  	[smem:$0x3F94] =	sst lr;
	_ =	strace $0xD0000000  }
0x3: {  	_ = 	snop  }
0x4: {  	_ = 	snop  }
0x5: {  	_ = 	snop  }
0x6: {  	_ = 	snop  }
0x7: {  	_ = 	snop  }
__scs_overlays_trampoline_lowered:
0x8: {  	[smem:$0x3FA3] =	sst s0  }
0x9: {  	[smem:$0x3FA4] =	sst s1  }
0xa: {  	[smem:$0x3FA5] =	sst s2  }
0xb: {  	[smem:$0x3FA6] =	sst s3  }
0xc: {  	[smem:$0x3FA7] =	sst s4  }
0xd: {  	[smem:$0x3FA8] =	sst s5  }
0xe: {  	[smem:$0x3FA9] =	sst s6  }
0xf: {  	[smem:$0x3FAA] =	sst s7  }
0x10: {  	[smem:$0x3FAB] =	sst s8  }
0x11: {  	[smem:$0x3FAC] =	sst s9;
	s0 =	simm.s32 @!p0 $0x0  }
0x12: {  	s1 =	sld [smem:$0x3F92];
	s0 =	simm.s32 @p0 $0x1  }
0x13: {  	[smem:$0x3FAD] =	sst s0;
	s0 =	simm.s32 @!p1 $0x0  }
0x14: {  	s2 =	sld [smem:$0x3F91];
	s0 =	simm.s32 @p1 $0x1  }
0x15: {  	[smem:$0x3FAE] =	sst s0;
	s0 =	simm.s32 @!p2 $0x0  }
0x16: {  	s3 =	sld [smem:$0x3FDB];
	s0 =	simm.s32 @p2 $0x1  }
0x17: {  	s4 =	simm.s32 $0x1BF5;
	[smem:$0x3FB0] =	sst s0  }
0x18: {  	s0 =	sld [smem:$0x3F93];
	_ =	swait.ge [sflag:s4], $0x0  }
0x19: {  	s7 =	sld [smem:$0x3F94]  }
0x1a: {  	s8 =	sadd.s32 $0xFFFFE003, lr  }
0x1b: {  	s9 =	sadd.s32 $0xFFFFFEF7, lr;
	s5 =	simm.s32 $0xFFFFFFFF;
	p2 =	slt.u32 s8, $0xFFFFF086  }
0x1c: {  	p1 =	slt.u32 s9, $0xF7A;
	s5 =	simm.s32 @!p2 $0x0  }
0x1d: {  	s5 =	simm.s32 @p1 $0x1;
	p0 =	seq.s32 s7, s2  }
0x1e: {  	s7 =	smul.u32 @!p0 $0xF7A, s2;
	p2 =	seq.s32 @!p0 s5, $0x0  }
0x1f: {  	s9 =	smul.u32 $0xF7A, s1;
	s8 =	simm.s32 @!p0 $0x1BF5;
	p2 =	por !p2, p0  }
0x20: {  	[sflag:s8] =	ssyncset.s32 @!p0 $0xFFFFF086;
	s6 =	sadd.s32 @!p0 s3, s7;
	s7 =	simm.s32 @!p0 $0x108  }
0x21: {  	s3 =	sadd.s32 s3, s9;
	s6 =	sadd.s32 @!p0 $0x88, s6;
	s7 =	simm.s32 @p2 $0x1082  }
0x22: {  	[simem:s7], [sflag:s8] =	dma.local @!p0 [hbm:s6], $0xF7A  }
0x23: {  	s9 =	sor.u32 $0xD0000000, s2;
	s6 =	simm.s32 $0x108;
	_ =	swait.ge @!p0 [sflag:s8], $0x0  }
0x24: {  	s3 =	sadd.s32 $0x88, s3;
	s6 =	simm.s32 @!p1 $0x1082;
	[sflag:s4] =	ssyncset.s32 $0xFFFFF086  }
0x25: {  	[simem:s6], [sflag:s4] =	dma.local [hbm:s3], $0xF7A  }
0x26: {  	[smem:$0x3F94] =	sst s1;
	(tag) =	ssettag s2;
	_ =	strace s9  }
0x27: {  	s1 =	sld [smem:$0x3FA4]  }
0x28: {  	s2 =	sld [smem:$0x3FA5]  }
0x29: {  	s4 =	sld [smem:$0x3FA7]  }
0x2a: {  	p0 =	seq.s32 s5, $0x0;
	s5 =	sld [smem:$0x3FA8]  }
0x2b: {  	s6 =	sld [smem:$0x3FA9]  }
0x2c: {  	s7 =	sld [smem:$0x3FAA]  }
0x2d: {  	s3 =	simm.s32 $0x108;
	s8 =	sld [smem:$0x3FAB]  }
0x2e: {  	s3 =	simm.s32 @!p0 $0x1082;
	s9 =	sld [smem:$0x3FAC]  }
0x2f: {  	lr =	sadd.s32 s0, s3;
	s0 =	sld [smem:$0x3FA3]  }
0x30: {  	s3 =	sld [smem:$0x3FA6]  }
0x31: {  	[smem:$0x3FAF] =	sst s10  }
0x32: {  	s10 =	sld [smem:$0x3FAD];
	_ =	sdelay $0x3  }
0x33: {  	p0 =	seq.s32 s10, $0x1;
	s10 =	sld [smem:$0x3FAF];
	_ =	sdelay $0x3  }
0x34: {  	[smem:$0x3FAF] =	sst s10  }
0x35: {  	s10 =	sld [smem:$0x3FAE];
	_ =	sdelay $0x3  }
0x36: {  	p1 =	seq.s32 s10, $0x1;
	s10 =	sld [smem:$0x3FAF];
	_ =	sdelay $0x3  }
0x37: {  	[smem:$0x3FAF] =	sst s10  }
0x38: {  	s10 =	sld [smem:$0x3FB0]  }
0x39: {  	_ = 	snop;
	(pc) =	sbr.ind lr, $3  }
0x3a: {  	_ = 	snop  }
0x3b: {  	_ = 	snop  }
0x3c: {  	p2 =	seq.s32 s10, $0x1;
	s10 =	sld [smem:$0x3FAF]  }
0x3d: {  	_ =	shalt  }
0x3e: {  	_ =	shalt  }
0x3f: {  	_ =	shalt  }
0x40: {  	_ =	shalt  }
0x41: {  	_ =	shalt  }
0x42: {  	_ =	shalt  }
0x43: {  	_ =	shalt  }
0x44: {  	_ =	shalt  }
0x45: {  	_ =	shalt  }
0x46: {  	_ =	shalt  }
0x47: {  	_ =	shalt  }
0x48: {  	_ =	shalt  }
0x49: {  	_ =	shalt  }
0x4a: {  	_ =	shalt  }
0x4b: {  	_ =	shalt  }
0x4c: {  	_ =	shalt  }
0x4d: {  	_ =	shalt  }
0x4e: {  	_ =	shalt  }
0x4f: {  	_ =	shalt  }
0x50: {  	_ =	shalt  }
0x51: {  	_ =	shalt  }
0x52: {  	_ =	shalt  }
0x53: {  	_ =	shalt  }
0x54: {  	_ =	shalt  }
0x55: {  	_ =	shalt  }
0x56: {  	_ =	shalt  }
0x57: {  	_ =	shalt  }
0x58: {  	_ =	shalt  }
0x59: {  	_ =	shalt  }
0x5a: {  	_ =	shalt  }
0x5b: {  	_ =	shalt  }
0x5c: {  	_ =	shalt  }
0x5d: {  	_ =	shalt  }
0x5e: {  	_ =	shalt  }
0x5f: {  	_ =	shalt  }
0x60: {  	_ =	shalt  }
0x61: {  	_ =	shalt  }
0x62: {  	_ =	shalt  }
0x63: {  	_ =	shalt  }
0x64: {  	_ =	shalt  }
0x65: {  	_ =	shalt  }
0x66: {  	_ =	shalt  }
0x67: {  	_ =	shalt  }
0x68: {  	_ =	shalt  }
0x69: {  	_ =	shalt  }
0x6a: {  	_ =	shalt  }
0x6b: {  	_ =	shalt  }
0x6c: {  	_ =	shalt  }
0x6d: {  	_ =	shalt  }
0x6e: {  	_ =	shalt  }
0x6f: {  	_ =	shalt  }
0x70: {  	_ =	shalt  }
0x71: {  	_ =	shalt  }
0x72: {  	_ =	shalt  }
0x73: {  	_ =	shalt  }
0x74: {  	_ =	shalt  }
0x75: {  	_ =	shalt  }
0x76: {  	_ =	shalt  }
0x77: {  	_ =	shalt  }
0x78: {  	_ =	shalt  }
0x79: {  	_ =	shalt  }
0x7a: {  	_ =	shalt  }
0x7b: {  	_ =	shalt  }
0x7c: {  	_ =	shalt  }
0x7d: {  	_ =	shalt  }
0x7e: {  	_ =	shalt  }
0x7f: {  	_ =	shalt  }
0x80: {  	_ =	shalt  }
0x81: {  	_ =	shalt  }
0x82: {  	_ =	shalt  }
0x83: {  	_ =	shalt  }
0x84: {  	_ =	shalt  }
0x85: {  	_ =	shalt  }
0x86: {  	_ =	shalt  }
0x87: {  	_ =	shalt  }
.Lfunc_end0:
.L_simem_size_0:
called_computation.2_lowered:
.L_overlay_start_0:
0x88: {  	s2 =	sld [smem:$0x3FD9]  }
0x89: {  	s3 =	sld [smem:$0x3FFE];
	_ =	sdelay $0x1  }
0x8a: {  	s1 =	srdreg.scid  }
0x8b: {  	s0 =	sand.u32 $0x1, s1  }
0x8c: {  	s17 =	sshll.u32 s0, $0xA;
	s2 =	sadd.s32 s3, s2  }
0x8d: {  	s2 =	sadd.s32 s2, s17  }
0x8e: {  	[smem:$0x3FBB] =	sst s2  }
0x8f: {  	_ = 	snop  }
0x90: {  	s2 =	sld [smem:$0x3FD0];
	(tm) =	ssettm $0x1  }
0x91: {  	s18 =	sld [smem:$0x3FFB];
	_ =	sdelay $0x3  }
0x92: {  	_ =	strace s18  }
0x93: {  	s3 =	sld [smem:$0x3FFC];
	_ =	sdelay $0x3  }
0x94: {  	_ =	strace s3  }
0x95: {  	s3 =	sld [smem:$0x3FFD];
	_ =	sdelay $0x3  }
0x96: {  	_ =	strace s3  }
0x97: {  	_ =	strace $0x8FFFFFFF  }
0x98: {  	s19 =	sld [smem:$0x3FDB];
	_ =	sdelay $0x1  }
0x99: {  	s4 =	simm.s32 $_scs_section_size  }
0x9a: {  	s5 =	simm.s32 $_size__tile_overlayer_lowered;
	s6 =	simm.s32 $_tile_overlayer_lowered  }
0x9b: {  	s22 =	simm.s32 $0x1BFF;
	s21 =	sshll.u32 s6, $0x1;
	s3 =	sadd.s32 s4, s19  }
0x9c: {  	s7 =	simm.s32 $0x0;
	s20 =	sshll.u32 s5, $0x1;
	s5 =	sadd.s32 s21, s3  }
0x9d: {  	[timem:s7], [sflag:s22] =	dma.local [hbm:s5], s20  }
0x9e: {  	_ =	swait.ge [sflag:s22], s20  }
0x9f: {  	s4 =	ssub.s32 $0x0, s20;
	[sflag:s22] =	ssyncset.done $0x0  }
0xa0: {  	[sflag:s22] =	ssyncadd.s32 s4;
	_ =	sdelay $0x1  }
0xa1: {  	s23 =	simm.s32 $0x1B8B  }
0xa2: {  	_ =	swait.ge [sflag:s23], $0x1  }
0xa3: {  	[sflag:s23] =	ssyncset.done $0x0  }
0xa4: {  	s25 =	simm.s32 $0x1B8E;
	s24 =	sld [smem:$0x3FFE];
	[sflag:s23] =	ssyncadd.s32 $0xFFFFFFFF  }
0xa5: {  	s26 =	simm.s32 $execute0_lowered;
	[smem:$0x3FD2] =	sst s25  }
0xa6: {  	s5 =	sshll.u32 s26, $0x1;
	_ =	strace $0x8000004C;
	[dreg:$0x1] =	wrdreg $0xFFFFFFFF  }
0xa7: {  	s28 =	simm.s32 $_size_execute0_lowered;
	s3 =	sadd.s32 s3, s5;
	[dreg:$0x0] =	wrdreg $0x0  }
0xa8: {  	s5 =	sshll.u32 s28, $0x1;
	[dreg:$0x2] =	wrdreg s3  }
0xa9: {  	[dreg:$0x3] =	wrdreg s5  }
0xaa: {  	[dreg:$0x4] =	wrdreg $0xC0  }
0xab: {  	_ =	task [dreg:s7], $0x5FFFF  }
0xac: {  	[dreg:$0x1] =	wrdreg $0xFFFFFFFF  }
0xad: {  	[dreg:$0x0] =	wrdreg $0x60  }
0xae: {  	[dreg:$0x2] =	wrdreg s24  }
0xaf: {  	[dreg:$0x3] =	wrdreg s2  }
0xb0: {  	[dreg:$0x4] =	wrdreg $0x15E000  }
0xb1: {  	[dreg:$0x5] =	wrdreg $0x9  }
0xb2: {  	_ =	task.clear_ibuf [dreg:s7], $0x6FFFF;
	_ =	strace $0x9000004C  }
0xb3: {  	s29 =	simm.s32 $0x9;
	_ =	strace $0x8000004E  }
0xb4: {  	_ =	swait.ge [sflag:s29], $0x1  }
0xb5: {  	[sflag:s29] =	ssyncadd.s32 $0xFFFFFFFF  }
0xb6: {  	_ =	strace $0x9000004E  }
0xb7: {  	_ =	sfence  }
0xb8: {  	s30 =	sld [smem:$0x0];
	_ =	sdelay $0x2  }
0xb9: {  	s31 =	sshll.u32 s1, $0xD;
	s1 =	sshrl.u32 s1, $0x2  }
0xba: {  	s3 =	sand.u32 $0x4000, s31;
	s1 =	sadd.s32 s1, s30  }
0xbb: {  	s0 =	sor.u32 s3, s0;
	s1 =	sshll.u32 s1, $0x11  }
0xbc: {  	s0 =	sor.u32 s1, s0  }
0xbd: {  	s0 =	sadd.s32 $0x8F2B, s0  }
0xbe: {  	[sflag:s0] =	ssyncadd.remote.s32 $0x1  }
0xbf: {  	_ =	sfence.sel $0xFFFF  }
0xc0: {  	[dreg:$0x0] =	wrdreg $0xFFFFFFFF;
	(pc) =	sbr.abs _section_cstart, $3  }
0xc1: {  	[dreg:$0x1] =	wrdreg $0xFFFFFFFF  }
0xc2: {  	_ =	task.clear_ibuf [dreg:s7], $0x2FFFF;
	_ =	strace $0x9FFFFFFF  }
0xc3: {  	(tm) =	ssettm $0x7FFFFFFF  }
tec
execute0_lowered:
.L_overlay_start_1:
0x0: {  	(tag) =	ssettag $0x1  }
0x1: {  	s0 =	srdreg.scid  }
0x2: {  	s1 =	rddreg [dreg:$0x0];
	s2 =	stileid.u32  }
0x3: {  	s3 =	rddreg [dreg:$0x2];
	s10 =	simm.s32 $0x7;
	s11 =	simm.s32 $0x4F00  }
0x4: {  	s14 =	simm.s32 $0x100;
	s15 =	simm.s32 $0x9E00;
	s16 =	simm.s32 $0xDE00  }
0x5: {  	s17 =	simm.s32 $0x1;
	s18 =	simm.s32 $0x200;
	s19 =	simm.s32 $0x11E00  }
0x6: {  	s20 =	simm.s32 $0x2;
	s21 =	simm.s32 $0x5000;
	s22 =	simm.s32 $0x4  }
0x7: {  	s23 =	simm.s32 $0x300;
	s24 =	simm.s32 $0x3;
	s28 =	simm.s32 $0x400  }
0x8: {  	s29 =	simm.s32 $0x6;
	s30 =	simm.s32 $0x9D00;
	s0 =	sand.u32 $0x1, s0  }
0x9: {  	s31 =	simm.s32 $0x0;
	s8 =	smul.u32 $0x27200, s2;
	s4 =	sshll.u32 s0, $0x4  }
0xa: {  	s26 =	sshll.u32 s2, $0x6;
	s0 =	ssub.s32 $0x2, s0;
	s5 =	sor.u32 s2, s4  }
0xb: {  	s12 =	sor.u32 $0x1C07, s26;
	s26 =	simm.s32 $0x5;
	s6 =	smul.u32 $0x9E0, s5  }
0xc: {  	s4 =	simm.s32 $0x0;
	s25 =	sshrl.u32 s0, $0x1;
	s7 =	smul.u32 $0x1390, s5  }
.Ltmp0:
0xd: {  	s8 =	sshrl.u32 s8, $0x2;
	[smem:$0x7FF] =	sst s4;
	(pc) =	sbr.rel .LBB2_1-.Ltmp0, $4  }
0xe: {  	s5 =	sadd.s32 $0xAA600, s1;
	s0 =	ssub.s32 s0, s25;
	s13 =	sadd.s32 s8, s3  }
0xf: {  	s25 =	simm.s32 $0x5100;
	_ =	strace $0x8000004D;
	s9 =	sadd.s32 s6, s1  }
0x10: {  	s13 =	sshrl.u32 s13, $0x3;
	s1 =	sadd.s32 s7, s1;
	s6 =	sadd.s32 $0x21400, s9  }
0x11: {  	s7 =	sadd.s32 $0xD800, s9;
	s8 =	sadd.s32 $0xD1800, s1;
	s9 =	smax.u32 s0, $0x1  }
.LBB2_4:
0x12: {  	_ =	swait.ge [sflag:s17], $0x4000  }
0x13: {  	[sflag:s17] =	ssyncset.done $0x0  }
0x14: {  	[sflag:s17] =	ssyncadd.s32 $0xFFFFC000  }
0x15: {  	[spmem:s3] =	stream.indirect.scatter.add.f32 [tilespmem:s15], [sflag:$0x4], $0x40, s30, s14, $0xb8;
	[tilespmem:$0x1FA80] =	vst v63  }
0x16: {  	_ =	swait.ge [sflag:s26], $0x4000  }
0x17: {  	[sflag:s26] =	ssyncset.done $0x0  }
0x18: {  	[sflag:s26] =	ssyncadd.s32 $0xFFFFC000  }
0x19: {  	_ =	swait.ge [sflag:s29], $0x4000  }
0x1a: {  	[sflag:s29] =	ssyncset.done $0x0  }
0x1b: {  	[sflag:s29] =	ssyncadd.s32 $0xFFFFC000  }
0x1c: {  	_ =	swait.ge [sflag:s22], $0x4000  }
0x1d: {  	s31 =	sadd.s32 $0x1, s31;
	[sflag:s22] =	ssyncset.done $0x0  }
0x1e: {  	p0 =	sne.s32 s31, s9;
	[sflag:s22] =	ssyncadd.s32 $0xFFFFC000  }
.Ltmp1:
0x1f: {  	[bflag:$0x0] =	sbarrier.arrive $0xFFFF;
	(pc) =	sbr.rel @!p0 .LBB2_5-.Ltmp1, $4  }
0x20: {  	[hbm:s8], [sflag:s12] =	dma.local [spmem:s13], $0x1390  }
0x21: {  	_ =	swait.ge [sflag:s10], $0x1390  }
0x22: {  	[sflag:s10] =	ssyncset.done $0x0  }
0x23: {  	[sflag:s10] =	ssyncadd.s32 $0xFFFFEC70  }
.LBB2_1:
0x24: {  	[tilespmem:s4], [sflag:$0x7] =	stream.linear.gather [hbm4b:s6+s4], $0x4F00, $0x38;
	[tilespmem:$0x1FA80] =	vst v63  }
0x25: {  	_ =	swait.ge [sflag:s10], $0x4F00  }
0x26: {  	[sflag:s10] =	ssyncset.done $0x0  }
0x27: {  	[sflag:s10] =	ssyncadd.s32 $0xFFFFB100  }
0x28: {  	[tilespmem:s11], [sflag:$0x7] =	stream.linear.gather [hbm4b:s7+s4], $0x4F00, $0x38;
	[tilespmem:$0x1FA80] =	vst v63  }
0x29: {  	_ =	swait.ge [sflag:s10], $0x4F00  }
0x2a: {  	[sflag:s10] =	ssyncset.done $0x0  }
0x2b: {  	[sflag:s10] =	ssyncadd.s32 $0xFFFFB100  }
0x2c: {  	s0 =	rddreg [dreg:$0x1]  }
0x2d: {  	[spmem:s13], [sflag:s12] =	dma.local [hbm:s0], $0x1390  }
0x2e: {  	_ =	swait.ge [sflag:s10], $0x1390  }
0x2f: {  	[sflag:s10] =	ssyncset.done $0x0  }
0x30: {  	[sflag:s10] =	ssyncadd.s32 $0xFFFFEC70  }
0x31: {  	[bflag:$0x0] =	sbarrier.arrive $0xFFFF  }
0x32: {  	[tilespmem:s15], [sflag:$0x1] =	stream.indirect.gather [hbm4b:s5+s14], $0x40, s4, s14, $0xb8;
	[tilespmem:$0x1FA80] =	vst v63  }
0x33: {  	_ = 	snop  }
0x34: {  	[tilespmem:s16], [sflag:$0x2] =	stream.indirect.gather [hbm4b:s5+s14], $0x40, s14, s14, $0xb8;
	[tilespmem:$0x1FA80] =	vst v63  }
0x35: {  	_ =	swait.ge [sflag:s17], $0x4000  }
0x36: {  	[sflag:s17] =	ssyncset.done $0x0  }
0x37: {  	[sflag:s17] =	ssyncadd.s32 $0xFFFFC000  }
0x38: {  	[spmem:s3] =	stream.indirect.scatter.add.f32 [tilespmem:s15], [sflag:$0x4], $0x40, s11, s14, $0xb8;
	[tilespmem:$0x1FA80] =	vst v63  }
0x39: {  	_ = 	snop  }
0x3a: {  	[tilespmem:s19], [sflag:$0x3] =	stream.indirect.gather [hbm4b:s5+s14], $0x40, s18, s14, $0xb8;
	[tilespmem:$0x1FA80] =	vst v63  }
0x3b: {  	_ =	swait.ge [sflag:s20], $0x4000  }
0x3c: {  	[sflag:s20] =	ssyncset.done $0x0  }
0x3d: {  	[sflag:s20] =	ssyncadd.s32 $0xFFFFC000  }
0x3e: {  	[spmem:s3] =	stream.indirect.scatter.add.f32 [tilespmem:s16], [sflag:$0x5], $0x40, s21, s14, $0xb8;
	[tilespmem:$0x1FA80] =	vst v63  }
0x3f: {  	_ =	swait.ge [sflag:s22], $0x4000  }
0x40: {  	[sflag:s22] =	ssyncset.done $0x0  }
0x41: {  	[sflag:s22] =	ssyncadd.s32 $0xFFFFC000  }
0x42: {  	[tilespmem:s15], [sflag:$0x1] =	stream.indirect.gather [hbm4b:s5+s14], $0x40, s23, s14, $0xb8;
	[tilespmem:$0x1FA80] =	vst v63  }
0x43: {  	_ =	swait.ge [sflag:s24], $0x4000  }
0x44: {  	[sflag:s24] =	ssyncset.done $0x0  }
0x45: {  	[sflag:s24] =	ssyncadd.s32 $0xFFFFC000  }
0x46: {  	[spmem:s3] =	stream.indirect.scatter.add.f32 [tilespmem:s19], [sflag:$0x6], $0x40, s25, s14, $0xb8;
	[tilespmem:$0x1FA80] =	vst v63  }
0x47: {  	_ =	swait.ge [sflag:s26], $0x4000  }
0x48: {  	[sflag:s26] =	ssyncset.done $0x0  }
0x49: {  	s1 =	simm.s32 $0x0;
	[sflag:s26] =	ssyncadd.s32 $0xFFFFC000  }
0x4a: {  	[tilespmem:s16], [sflag:$0x2] =	stream.indirect.gather [hbm4b:s5+s14], $0x40, s28, s14, $0xb8;
	[tilespmem:$0x1FA80] =	vst v63  }
.LBB2_2:
0x4b: {  	_ =	swait.ge [sflag:s17], $0x4000  }
0x4c: {  	s0 =	sshra.s32 s1, $0x2;
	[sflag:s17] =	ssyncset.done $0x0  }
0x4d: {  	s2 =	sadd.s32 $0x5200, s0;
	[sflag:s17] =	ssyncadd.s32 $0xFFFFC000  }
0x4e: {  	[spmem:s3] =	stream.indirect.scatter.add.f32 [tilespmem:s15], [sflag:$0x4], $0x40, s2, s14, $0xb8;
	[tilespmem:$0x1FA80] =	vst v63  }
0x4f: {  	_ =	swait.ge [sflag:s29], $0x4000  }
0x50: {  	[sflag:s29] =	ssyncset.done $0x0  }
0x51: {  	s2 =	sadd.s32 $0x500, s0;
	[sflag:s29] =	ssyncadd.s32 $0xFFFFC000  }
0x52: {  	[tilespmem:s19], [sflag:$0x3] =	stream.indirect.gather [hbm4b:s5+s14], $0x40, s2, s14, $0xb8;
	[tilespmem:$0x1FA80] =	vst v63  }
0x53: {  	_ =	swait.ge [sflag:s20], $0x4000  }
0x54: {  	[sflag:s20] =	ssyncset.done $0x0  }
0x55: {  	s2 =	sadd.s32 $0x5300, s0;
	[sflag:s20] =	ssyncadd.s32 $0xFFFFC000  }
0x56: {  	[spmem:s3] =	stream.indirect.scatter.add.f32 [tilespmem:s16], [sflag:$0x5], $0x40, s2, s14, $0xb8;
	[tilespmem:$0x1FA80] =	vst v63  }
0x57: {  	_ =	swait.ge [sflag:s22], $0x4000  }
0x58: {  	[sflag:s22] =	ssyncset.done $0x0  }
0x59: {  	p0 =	seq.s32 s1, $0x12000;
	s2 =	sadd.s32 $0x600, s0;
	[sflag:s22] =	ssyncadd.s32 $0xFFFFC000  }
0x5a: {  	[tilespmem:s15], [sflag:$0x1] =	stream.indirect.gather [hbm4b:s5+s14], $0x40, s2, s14, $0xb8;
	[tilespmem:$0x1FA80] =	vst v63  }
.Ltmp2:
0x5b: {  	_ = 	snop;
	(pc) =	sbr.rel @p0 .LBB2_4-.Ltmp2, $4  }
0x5c: {  	_ =	swait.ge [sflag:s24], $0x4000  }
0x5d: {  	[sflag:s24] =	ssyncset.done $0x0  }
0x5e: {  	s2 =	sadd.s32 $0x5400, s0;
	[sflag:s24] =	ssyncadd.s32 $0xFFFFC000  }
0x5f: {  	[spmem:s3] =	stream.indirect.scatter.add.f32 [tilespmem:s19], [sflag:$0x6], $0x40, s2, s14, $0xb8;
	[tilespmem:$0x1FA80] =	vst v63  }
.Ltmp3:
0x60: {  	(pc) =	sbr.rel .LBB2_2-.Ltmp3, $4  }
0x61: {  	_ =	swait.ge [sflag:s26], $0x4000  }
0x62: {  	[sflag:s26] =	ssyncset.done $0x0  }
0x63: {  	s0 =	sadd.s32 $0x700, s0;
	s1 =	sadd.s32 $0xC00, s1;
	[sflag:s26] =	ssyncadd.s32 $0xFFFFC000  }
0x64: {  	[tilespmem:s16], [sflag:$0x2] =	stream.indirect.gather [hbm4b:s5+s14], $0x40, s0, s14, $0xb8;
	[tilespmem:$0x1FA80] =	vst v63  }
.LBB2_5:
0x65: {  	_ =	sfence.sel $0x180000  }
0x66: {  	[bflag:$0x0] =	sbarrier.arrive $0xFFFF  }
0x67: {  	_ =	strace $0x9000004D  }
0x68: {  	s0 =	stileid.u32;
	[bflag:$0x2] =	sbarrier.arrive $0xFFFF  }
0x69: {  	p0 =	sne.s32 s0, $0x0;
	s0 =	rddreg [dreg:$0x3]  }
0x6a: {  	s0 =	sadd.s32 @!p0 $0x100000, s0  }
0x6b: {  	[sflag:s0] =	ssyncadd.tile.s32 @!p0 $0x1;
	_ =	shalt  }
.Lfunc_end2:
_tile_overlayer_lowered:
.L_overlay_start_2:
0x6c: {  	(tag) =	ssettag $0x2  }
0x6d: {  	s0 =	rddreg [dreg:$0x0];
	s2 =	stileid.u32  }
0x6e: {  	s1 =	rddreg [dreg:$0x1];
	p0 =	sne.s32 s2, $0x0  }
0x6f: {  	s3 =	rddreg [dreg:$0x2];
	[bflag:$0x3] =	sbarrier.arrive $0xFFFF;
	s2 =	simm.s32 @!p0 $0x1C07  }
0x70: {  	[timem:s3], [sflag:s2] =	dma.local @!p0 [hbm:s0], s1  }
0x71: {  	s0 =	simm.s32 @!p0 $0x7  }
0x72: {  	_ =	swait.ge @!p0 [sflag:s0], s1  }
0x73: {  	s1 =	ssub.s32 @!p0 $0x0, s1;
	[sflag:s0] =	ssyncset.done @!p0 $0x0  }
0x74: {  	[sflag:s0] =	ssyncadd.s32 @!p0 s1  }
0x75: {  	[bflag:$0x3] =	sbarrier.arrive $0xFFFF  }
0x76: {  	_ =	shalt  }

// kernel: kernel.19.cloned.1.call-start
scs
__scs_entry_jumppad:
0x0: {  	(pc) =	sbr.rel $0x88, $3  }
0x1: {  	(tag) =	ssettag $0x0;
	lr =	simm.s32 $0x1  }
0x2: {  	[smem:$0x3F94] =	sst lr;
	_ =	strace $0xD0000000  }
0x3: {  	_ = 	snop  }
0x4: {  	_ = 	snop  }
0x5: {  	_ = 	snop  }
0x6: {  	_ = 	snop  }
0x7: {  	_ = 	snop  }
__scs_overlays_trampoline_lowered:
0x8: {  	[smem:$0x3FA3] =	sst s0  }
0x9: {  	[smem:$0x3FA4] =	sst s1  }
0xa: {  	[smem:$0x3FA5] =	sst s2  }
0xb: {  	[smem:$0x3FA6] =	sst s3  }
0xc: {  	[smem:$0x3FA7] =	sst s4  }
0xd: {  	[smem:$0x3FA8] =	sst s5  }
0xe: {  	[smem:$0x3FA9] =	sst s6  }
0xf: {  	[smem:$0x3FAA] =	sst s7  }
0x10: {  	[smem:$0x3FAB] =	sst s8  }
0x11: {  	[smem:$0x3FAC] =	sst s9;
	s0 =	simm.s32 @!p0 $0x0  }
0x12: {  	s1 =	sld [smem:$0x3F92];
	s0 =	simm.s32 @p0 $0x1  }
0x13: {  	[smem:$0x3FAD] =	sst s0;
	s0 =	simm.s32 @!p1 $0x0  }
0x14: {  	s2 =	sld [smem:$0x3F91];
	s0 =	simm.s32 @p1 $0x1  }
0x15: {  	[smem:$0x3FAE] =	sst s0;
	s0 =	simm.s32 @!p2 $0x0  }
0x16: {  	s3 =	sld [smem:$0x3FDB];
	s0 =	simm.s32 @p2 $0x1  }
0x17: {  	s4 =	simm.s32 $0x1BF5;
	[smem:$0x3FB0] =	sst s0  }
0x18: {  	s0 =	sld [smem:$0x3F93];
	_ =	swait.ge [sflag:s4], $0x0  }
0x19: {  	s7 =	sld [smem:$0x3F94]  }
0x1a: {  	s8 =	sadd.s32 $0xFFFFE003, lr  }
0x1b: {  	s9 =	sadd.s32 $0xFFFFFEF7, lr;
	s5 =	simm.s32 $0xFFFFFFFF;
	p2 =	slt.u32 s8, $0xFFFFF086  }
0x1c: {  	p1 =	slt.u32 s9, $0xF7A;
	s5 =	simm.s32 @!p2 $0x0  }
0x1d: {  	s5 =	simm.s32 @p1 $0x1;
	p0 =	seq.s32 s7, s2  }
0x1e: {  	s7 =	smul.u32 @!p0 $0xF7A, s2;
	p2 =	seq.s32 @!p0 s5, $0x0  }
0x1f: {  	s9 =	smul.u32 $0xF7A, s1;
	s8 =	simm.s32 @!p0 $0x1BF5;
	p2 =	por !p2, p0  }
0x20: {  	[sflag:s8] =	ssyncset.s32 @!p0 $0xFFFFF086;
	s6 =	sadd.s32 @!p0 s3, s7;
	s7 =	simm.s32 @!p0 $0x108  }
0x21: {  	s3 =	sadd.s32 s3, s9;
	s6 =	sadd.s32 @!p0 $0x88, s6;
	s7 =	simm.s32 @p2 $0x1082  }
0x22: {  	[simem:s7], [sflag:s8] =	dma.local @!p0 [hbm:s6], $0xF7A  }
0x23: {  	s9 =	sor.u32 $0xD0000000, s2;
	s6 =	simm.s32 $0x108;
	_ =	swait.ge @!p0 [sflag:s8], $0x0  }
0x24: {  	s3 =	sadd.s32 $0x88, s3;
	s6 =	simm.s32 @!p1 $0x1082;
	[sflag:s4] =	ssyncset.s32 $0xFFFFF086  }
0x25: {  	[simem:s6], [sflag:s4] =	dma.local [hbm:s3], $0xF7A  }
0x26: {  	[smem:$0x3F94] =	sst s1;
	(tag) =	ssettag s2;
	_ =	strace s9  }
0x27: {  	s1 =	sld [smem:$0x3FA4]  }
0x28: {  	s2 =	sld [smem:$0x3FA5]  }
0x29: {  	s4 =	sld [smem:$0x3FA7]  }
0x2a: {  	p0 =	seq.s32 s5, $0x0;
	s5 =	sld [smem:$0x3FA8]  }
0x2b: {  	s6 =	sld [smem:$0x3FA9]  }
0x2c: {  	s7 =	sld [smem:$0x3FAA]  }
0x2d: {  	s3 =	simm.s32 $0x108;
	s8 =	sld [smem:$0x3FAB]  }
0x2e: {  	s3 =	simm.s32 @!p0 $0x1082;
	s9 =	sld [smem:$0x3FAC]  }
0x2f: {  	lr =	sadd.s32 s0, s3;
	s0 =	sld [smem:$0x3FA3]  }
0x30: {  	s3 =	sld [smem:$0x3FA6]  }
0x31: {  	[smem:$0x3FAF] =	sst s10  }
0x32: {  	s10 =	sld [smem:$0x3FAD];
	_ =	sdelay $0x3  }
0x33: {  	p0 =	seq.s32 s10, $0x1;
	s10 =	sld [smem:$0x3FAF];
	_ =	sdelay $0x3  }
0x34: {  	[smem:$0x3FAF] =	sst s10  }
0x35: {  	s10 =	sld [smem:$0x3FAE];
	_ =	sdelay $0x3  }
0x36: {  	p1 =	seq.s32 s10, $0x1;
	s10 =	sld [smem:$0x3FAF];
	_ =	sdelay $0x3  }
0x37: {  	[smem:$0x3FAF] =	sst s10  }
0x38: {  	s10 =	sld [smem:$0x3FB0]  }
0x39: {  	_ = 	snop;
	(pc) =	sbr.ind lr, $3  }
0x3a: {  	_ = 	snop  }
0x3b: {  	_ = 	snop  }
0x3c: {  	p2 =	seq.s32 s10, $0x1;
	s10 =	sld [smem:$0x3FAF]  }
0x3d: {  	_ =	shalt  }
0x3e: {  	_ =	shalt  }
0x3f: {  	_ =	shalt  }
0x40: {  	_ =	shalt  }
0x41: {  	_ =	shalt  }
0x42: {  	_ =	shalt  }
0x43: {  	_ =	shalt  }
0x44: {  	_ =	shalt  }
0x45: {  	_ =	shalt  }
0x46: {  	_ =	shalt  }
0x47: {  	_ =	shalt  }
0x48: {  	_ =	shalt  }
0x49: {  	_ =	shalt  }
0x4a: {  	_ =	shalt  }
0x4b: {  	_ =	shalt  }
0x4c: {  	_ =	shalt  }
0x4d: {  	_ =	shalt  }
0x4e: {  	_ =	shalt  }
0x4f: {  	_ =	shalt  }
0x50: {  	_ =	shalt  }
0x51: {  	_ =	shalt  }
0x52: {  	_ =	shalt  }
0x53: {  	_ =	shalt  }
0x54: {  	_ =	shalt  }
0x55: {  	_ =	shalt  }
0x56: {  	_ =	shalt  }
0x57: {  	_ =	shalt  }
0x58: {  	_ =	shalt  }
0x59: {  	_ =	shalt  }
0x5a: {  	_ =	shalt  }
0x5b: {  	_ =	shalt  }
0x5c: {  	_ =	shalt  }
0x5d: {  	_ =	shalt  }
0x5e: {  	_ =	shalt  }
0x5f: {  	_ =	shalt  }
0x60: {  	_ =	shalt  }
0x61: {  	_ =	shalt  }
0x62: {  	_ =	shalt  }
0x63: {  	_ =	shalt  }
0x64: {  	_ =	shalt  }
0x65: {  	_ =	shalt  }
0x66: {  	_ =	shalt  }
0x67: {  	_ =	shalt  }
0x68: {  	_ =	shalt  }
0x69: {  	_ =	shalt  }
0x6a: {  	_ =	shalt  }
0x6b: {  	_ =	shalt  }
0x6c: {  	_ =	shalt  }
0x6d: {  	_ =	shalt  }
0x6e: {  	_ =	shalt  }
0x6f: {  	_ =	shalt  }
0x70: {  	_ =	shalt  }
0x71: {  	_ =	shalt  }
0x72: {  	_ =	shalt  }
0x73: {  	_ =	shalt  }
0x74: {  	_ =	shalt  }
0x75: {  	_ =	shalt  }
0x76: {  	_ =	shalt  }
0x77: {  	_ =	shalt  }
0x78: {  	_ =	shalt  }
0x79: {  	_ =	shalt  }
0x7a: {  	_ =	shalt  }
0x7b: {  	_ =	shalt  }
0x7c: {  	_ =	shalt  }
0x7d: {  	_ =	shalt  }
0x7e: {  	_ =	shalt  }
0x7f: {  	_ =	shalt  }
0x80: {  	_ =	shalt  }
0x81: {  	_ =	shalt  }
0x82: {  	_ =	shalt  }
0x83: {  	_ =	shalt  }
0x84: {  	_ =	shalt  }
0x85: {  	_ =	shalt  }
0x86: {  	_ =	shalt  }
0x87: {  	_ =	shalt  }
.Lfunc_end0:
.L_simem_size_0:
called_computation.3_lowered:
.L_overlay_start_0:
0x88: {  	s2 =	sld [smem:$0x3FD9]  }
0x89: {  	s3 =	sld [smem:$0x3FFE];
	_ =	sdelay $0x1  }
0x8a: {  	s1 =	srdreg.scid  }
0x8b: {  	s0 =	sand.u32 $0x1, s1  }
0x8c: {  	s17 =	sshll.u32 s0, $0xA;
	s2 =	sadd.s32 s3, s2  }
0x8d: {  	s2 =	sadd.s32 s2, s17  }
0x8e: {  	[smem:$0x3FBB] =	sst s2  }
0x8f: {  	_ = 	snop  }
0x90: {  	s2 =	sld [smem:$0x3FC7]  }
0x91: {  	s18 =	sld [smem:$0x3FD0];
	(tm) =	ssettm $0x1  }
0x92: {  	s4 =	sld [smem:$0x3FFB];
	_ =	sdelay $0x3  }
0x93: {  	_ =	strace s4  }
0x94: {  	s4 =	sld [smem:$0x3FFC];
	_ =	sdelay $0x3  }
0x95: {  	_ =	strace s4  }
0x96: {  	s4 =	sld [smem:$0x3FFD];
	_ =	sdelay $0x3  }
0x97: {  	_ =	strace s4  }
0x98: {  	_ =	strace $0x8FFFFFFF  }
0x99: {  	s19 =	sld [smem:$0x3FDB];
	_ =	sdelay $0x1  }
0x9a: {  	s5 =	simm.s32 $_scs_section_size  }
0x9b: {  	s6 =	simm.s32 $_size__tile_overlayer_lowered;
	s7 =	simm.s32 $_tile_overlayer_lowered  }
0x9c: {  	s22 =	simm.s32 $0x1BFF;
	s21 =	sshll.u32 s7, $0x1;
	s4 =	sadd.s32 s5, s19  }
0x9d: {  	s8 =	simm.s32 $0x0;
	s20 =	sshll.u32 s6, $0x1;
	s6 =	sadd.s32 s21, s4  }
0x9e: {  	[timem:s8], [sflag:s22] =	dma.local [hbm:s6], s20  }
0x9f: {  	_ =	swait.ge [sflag:s22], s20  }
0xa0: {  	s5 =	ssub.s32 $0x0, s20;
	[sflag:s22] =	ssyncset.done $0x0  }
0xa1: {  	[sflag:s22] =	ssyncadd.s32 s5;
	_ =	sdelay $0x1  }
0xa2: {  	s23 =	simm.s32 $0x1B8B  }
0xa3: {  	_ =	swait.ge [sflag:s23], $0x1  }
0xa4: {  	[sflag:s23] =	ssyncset.done $0x0  }
0xa5: {  	s25 =	simm.s32 $0x1B8E;
	s24 =	sld [smem:$0x3FFE];
	[sflag:s23] =	ssyncadd.s32 $0xFFFFFFFF  }
0xa6: {  	s26 =	simm.s32 $execute0_lowered;
	[smem:$0x3FD2] =	sst s25  }
0xa7: {  	s6 =	sshll.u32 s26, $0x1;
	_ =	strace $0x8000004F;
	[dreg:$0x1] =	wrdreg $0xFFFFFFFF  }
0xa8: {  	s28 =	simm.s32 $_size_execute0_lowered;
	s4 =	sadd.s32 s4, s6;
	[dreg:$0x0] =	wrdreg $0x0  }
0xa9: {  	s6 =	sshll.u32 s28, $0x1;
	[dreg:$0x2] =	wrdreg s4  }
0xaa: {  	[dreg:$0x3] =	wrdreg s6  }
0xab: {  	[dreg:$0x4] =	wrdreg $0xC0  }
0xac: {  	_ =	task [dreg:s8], $0x5FFFF  }
0xad: {  	[dreg:$0x1] =	wrdreg $0xFFFFFFFF  }
0xae: {  	[dreg:$0x0] =	wrdreg $0x60  }
0xaf: {  	[dreg:$0x2] =	wrdreg s24  }
0xb0: {  	[dreg:$0x3] =	wrdreg s2  }
0xb1: {  	[dreg:$0x4] =	wrdreg s18  }
0xb2: {  	[dreg:$0x5] =	wrdreg $0x9  }
0xb3: {  	_ =	task.clear_ibuf [dreg:s8], $0x6FFFF;
	_ =	strace $0x9000004F  }
0xb4: {  	s29 =	simm.s32 $0x9;
	_ =	strace $0x80000051  }
0xb5: {  	_ =	swait.ge [sflag:s29], $0x1  }
0xb6: {  	[sflag:s29] =	ssyncadd.s32 $0xFFFFFFFF  }
0xb7: {  	_ =	strace $0x90000051  }
0xb8: {  	_ =	sfence  }
0xb9: {  	s30 =	sld [smem:$0x0];
	_ =	sdelay $0x2  }
0xba: {  	s31 =	sshll.u32 s1, $0xD;
	s1 =	sshrl.u32 s1, $0x2  }
0xbb: {  	s3 =	sand.u32 $0x4000, s31;
	s1 =	sadd.s32 s1, s30  }
0xbc: {  	s0 =	sor.u32 s3, s0;
	s1 =	sshll.u32 s1, $0x11  }
0xbd: {  	s0 =	sor.u32 s1, s0  }
0xbe: {  	s0 =	sadd.s32 $0x8F2B, s0  }
0xbf: {  	[sflag:s0] =	ssyncadd.remote.s32 $0x1  }
0xc0: {  	_ =	sfence.sel $0xFFFF  }
0xc1: {  	[dreg:$0x0] =	wrdreg $0xFFFFFFFF;
	(pc) =	sbr.abs _section_cstart, $3  }
0xc2: {  	[dreg:$0x1] =	wrdreg $0xFFFFFFFF  }
0xc3: {  	_ =	task.clear_ibuf [dreg:s8], $0x2FFFF;
	_ =	strace $0x9FFFFFFF  }
0xc4: {  	(tm) =	ssettm $0x7FFFFFFF  }
0xc5: {  	_ =	shalt  }
tec
execute0_lowered:
.L_overlay_start_1:
0x0: {  	(tag) =	ssettag $0x1  }
0x1: {  	s5 =	rddreg [dreg:$0x0]  }
0x2: {  	s1 =	srdreg.scid;
	s3 =	rddreg [dreg:$0x1]  }
0x3: {  	s0 =	stileid.u32;
	s8 =	rddreg [dreg:$0x2];
	s6 =	sand.u32 $0x1, s1  }
0x4: {  	s2 =	simm.s32 $0x0;
	s7 =	sshll.u32 s0, $0x7;
	s4 =	sshll.u32 s6, $0xB  }
0x5: {  	[smem:$0x7FF] =	sst s2;
	s9 =	sor.u32 s7, s4  }
0x6: {  	s1 =	rddreg [dreg:$0x3];
	_ =	strace $0x80000050;
	s4 =	sshrl.u32 s9, $0x3  }
0x7: {  	s10 =	ssub.s32 $0x2, s6;
	s4 =	sadd.s32 s3, s4;
	s3 =	simm.s32 $0x2  }
0x8: {  	[tilespmem:s2], [sflag:$0x2] =	stream.linear.gather [hbm4b:s4+s2], $0x80, $0x38;
	[tilespmem:$0x4080] =	vst v63  }
0x9: {  	s5 =	sadd.s32 $0x3000, s5;
	s11 =	sshrl.u32 s10, $0x1;
	_ =	swait.ge [sflag:s3], $0x80  }
0xa: {  	s6 =	simm.s32 $0x80;
	s10 =	ssub.s32 s10, s11;
	[sflag:s3] =	ssyncset.done $0x0  }
0xb: {  	s7 =	simm.s32 $0x1;
	s31 =	smax.u32 s10, $0x1;
	[sflag:s3] =	ssyncadd.s32 $0xFFFFFF80  }
0xc: {  	[tilespmem:s6], [sflag:$0x1] =	stream.indirect.gather [hbm4b:s5+s6], $0x80, s2, s6, $0xb8;
	[tilespmem:$0x4080] =	vst v63  }
0xd: {  	p0 =	sne.s32 s31, $0x1;
	_ =	swait.ge [sflag:s7], $0x4000  }
.Ltmp0:
0xe: {  	s9 =	sshll.u32 s9, $0x4;
	[sflag:s7] =	ssyncset.done $0x0;
	(pc) =	sbr.rel @!p0 .LBB2_2-.Ltmp0, $4  }
0xf: {  	s8 =	sadd.s32 s8, s9;
	[sflag:s7] =	ssyncadd.s32 $0xFFFFC000  }
0x10: {  	[hbm4b:s8+s2] =	stream.linear.scatter [tilespmem:s6], [sflag:$0x2], $0x4000, $0x38;
	[tilespmem:$0x4080] =	vst v63  }
0x11: {  	_ =	swait.ge [sflag:s3], $0x4000  }
0x12: {  	s9 =	sadd.s32 $0xFFFFFFFF, s31;
	[sflag:s3] =	ssyncset.done $0x0  }
.LBB2_1:
0x13: {  	p0 =	sne.s32 s9, $0x1;
	s9 =	sadd.s32 $0xFFFFFFFF, s9;
	[sflag:s3] =	ssyncadd.s32 $0xFFFFC000  }
0x14: {  	[tilespmem:s2], [sflag:$0x2] =	stream.linear.gather [hbm4b:s4+s2], $0x80, $0x38;
	[tilespmem:$0x4080] =	vst v63  }
0x15: {  	_ =	swait.ge [sflag:s3], $0x80  }
0x16: {  	[sflag:s3] =	ssyncset.done $0x0  }
0x17: {  	[sflag:s3] =	ssyncadd.s32 $0xFFFFFF80  }
0x18: {  	[tilespmem:s6], [sflag:$0x1] =	stream.indirect.gather [hbm4b:s5+s6], $0x80, s2, s6, $0xb8;
	[tilespmem:$0x4080] =	vst v63  }
0x19: {  	_ =	swait.ge [sflag:s7], $0x4000  }
.Ltmp1:
0x1a: {  	[sflag:s7] =	ssyncset.done $0x0;
	(pc) =	sbr.rel @p0 .LBB2_1-.Ltmp1, $4  }
0x1b: {  	[sflag:s7] =	ssyncadd.s32 $0xFFFFC000  }
0x1c: {  	[hbm4b:s8+s2] =	stream.linear.scatter [tilespmem:s6], [sflag:$0x2], $0x4000, $0x38;
	[tilespmem:$0x4080] =	vst v63  }
0x1d: {  	_ =	swait.ge [sflag:s3], $0x4000  }
0x1e: {  	[sflag:s3] =	ssyncset.done $0x0  }
.LBB2_2:
0x1f: {  	[sflag:s3] =	ssyncadd.s32 $0xFFFFC000  }
0x20: {  	_ =	sfence.sel $0x180000  }
0x21: {  	[bflag:$0x0] =	sbarrier.arrive $0xFFFF  }
0x22: {  	p0 =	sne.s32 s0, $0x0;
	_ =	strace $0x90000050  }
0x23: {  	s0 =	sadd.s32 @!p0 $0x100000, s1;
	[bflag:$0x2] =	sbarrier.arrive $0xFFFF  }
0x24: {  	[sflag:s0] =	ssyncadd.tile.s32 @!p0 $0x1;
	_ =	shalt  }
.Lfunc_end2:
_tile_overlayer_lowered:
.L_overlay_start_2:
0x25: {  	(tag) =	ssettag $0x2  }
0x26: {  	s0 =	rddreg [dreg:$0x0];
	s2 =	stileid.u32  }
0x27: {  	s1 =	rddreg [dreg:$0x1];
	p0 =	sne.s32 s2, $0x0  }
0x28: {  	s3 =	rddreg [dreg:$0x2];
	[bflag:$0x3] =	sbarrier.arrive $0xFFFF;
	s2 =	simm.s32 @!p0 $0x1C02  }
0x29: {  	[timem:s3], [sflag:s2] =	dma.local @!p0 [hbm:s0], s1  }
0x2a: {  	s0 =	simm.s32 @!p0 $0x2  }
0x2b: {  	_ =	swait.ge @!p0 [sflag:s0], s1  }
0x2c: {  	s1 =	ssub.s32 @!p0 $0x0, s1;
	[sflag:s0] =	ssyncset.done @!p0 $0x0  }
0x2d: {  	[sflag:s0] =	ssyncadd.s32 @!p0 s1  }
0x2e: {  	[bflag:$0x3] =	sbarrier.arrive $0xFFFF  }
0x2f: {  	_ =	shalt  }

</sc_bundles>
